<compile_context>
chip_gen: v7x
topology: tpu7x:2x2x1
jax: 0.10.2.dev20260603
libtpu: 0.0.44.dev20260713+nightly
codegen_flags: <defaults>
</compile_context>

<pallas_src>
import jax
import jax.numpy as jnp
from jax import lax
from jax.experimental import pallas as pl
from jax.experimental.pallas import tpu as pltpu
from jax.experimental.pallas import tpu_sc as plsc

N = 10000
E = 320000
D = 128
NSUB = 16
NTILES = 32
EPT = E // NTILES
CH = 80
NCH = EPT // CH
N_ACC = 10112
RPT = N_ACC // NSUB
R_BLK = 2000
CW = 16

_MESH = plsc.VectorSubcoreMesh(core_axis_name="c", subcore_axis_name="s")


NB = 3
_TAIL = (NCH - 2 * NB) // NB * NB + NB


def _agg_body(table, srcs, dsts, zeros, out, src_v, *rest):
  idx_bufs = rest[0:NB]
  rows_bufs = rest[NB:2 * NB]
  in_sems = rest[2 * NB:3 * NB]
  acc = rest[3 * NB]
  c = lax.axis_index("c")
  s = lax.axis_index("s")
  wid = c * NSUB + s
  r0 = s * RPT
  pltpu.async_copy(zeros.at[pl.ds(r0, RPT)], acc.at[pl.ds(r0, RPT)],
                   in_sems[0])
  pltpu.async_copy(srcs.at[wid, 0], src_v, in_sems[1])
  pltpu.make_async_copy(zeros.at[pl.ds(r0, RPT)], acc.at[pl.ds(r0, RPT)],
                        in_sems[0]).wait()
  pltpu.make_async_copy(srcs.at[wid, 0], src_v, in_sems[1]).wait()
  plsc.subcore_barrier()

  def start(j, b):
    pltpu.async_copy(dsts.at[wid, j], idx_bufs[b], in_sems[b])
    pltpu.async_copy(table.at[src_v.at[pl.ds(j * CH, CH)]], rows_bufs[b],
                     in_sems[b])

  def finish(j, b):
    pltpu.make_async_copy(dsts.at[wid, j], idx_bufs[b], in_sems[b]).wait()
    pltpu.make_async_copy(table.at[src_v.at[pl.ds(j * CH, CH)]], rows_bufs[b],
                          in_sems[b]).wait()
    pltpu.sync_copy(rows_bufs[b], acc.at[idx_bufs[b].at[0]], add=True)

  for b in range(NB):
    start(b, b)

  @pl.loop(0, _TAIL, step=NB)
  def _(j):
    for b in range(NB):
      finish(j + b, b)
      start(j + b + NB, b)

  for j in range(_TAIL, NCH):
    finish(j, j % NB)
    if j + NB < NCH:
      start(j + NB, j % NB)

  plsc.subcore_barrier()
  pltpu.sync_copy(acc.at[pl.ds(r0, RPT)], out.at[c, pl.ds(r0, RPT)])


_agg = pl.kernel(
    _agg_body,
    out_type=jax.ShapeDtypeStruct((2, N_ACC, D), jnp.float32),
    mesh=_MESH,
    compiler_params=pltpu.CompilerParams(use_tc_tiling_on_sc=True),
    scratch_types=(
        [pltpu.VMEM((EPT,), jnp.int32)]
        + [pltpu.VMEM((1, CH), jnp.int32) for _ in range(NB)]
        + [pltpu.VMEM((CH, D), jnp.float32) for _ in range(NB)]
        + [pltpu.SemaphoreType.DMA for _ in range(NB)]
        + [pltpu.VMEM_SHARED((N_ACC, D), jnp.float32)]
    ),
)


NBC = 5
_TAILC = (NCH - 2 * NBC) // NBC * NBC + NBC


def _count_body(dsts, zeros, ones, out, ones_v, *rest):
  idx_bufs = rest[0:NBC]
  in_sems = rest[NBC:2 * NBC]
  acc = rest[2 * NBC]
  c = lax.axis_index("c")
  s = lax.axis_index("s")
  wid = c * NSUB + s
  r0 = s * RPT
  pltpu.sync_copy(zeros.at[pl.ds(r0, RPT)], acc.at[pl.ds(r0, RPT)])
  pltpu.sync_copy(ones, ones_v)
  plsc.subcore_barrier()

  def start(j, b):
    pltpu.async_copy(dsts.at[wid, j], idx_bufs[b], in_sems[b])

  def finish(j, b):
    pltpu.make_async_copy(dsts.at[wid, j], idx_bufs[b], in_sems[b]).wait()
    pltpu.sync_copy(ones_v, acc.at[idx_bufs[b].at[0]], add=True)

  for b in range(NBC):
    start(b, b)

  @pl.loop(0, _TAILC, step=NBC)
  def _(j):
    for b in range(NBC):
      finish(j + b, b)
      start(j + b + NBC, b)

  for j in range(_TAILC, NCH):
    finish(j, j % NBC)
    if j + NBC < NCH:
      start(j + NBC, j % NBC)

  plsc.subcore_barrier()
  pltpu.sync_copy(acc.at[pl.ds(r0, RPT)], out.at[c, pl.ds(r0, RPT)])


_count = pl.kernel(
    _count_body,
    out_type=jax.ShapeDtypeStruct((2, N_ACC, CW), jnp.float32),
    mesh=_MESH,
    compiler_params=pltpu.CompilerParams(use_tc_tiling_on_sc=False),
    scratch_types=(
        [pltpu.VMEM((CH, CW), jnp.float32)]
        + [pltpu.VMEM((1, CH), jnp.int32) for _ in range(NBC)]
        + [pltpu.SemaphoreType.DMA for _ in range(NBC)]
        + [pltpu.VMEM_SHARED((N_ACC, CW), jnp.float32)]
    ),
)

_DN = (((1,), (1,)), ((), ()))


def _make_dense(with_relu):
  def body(p_ref, c_ref, x_ref, wl_ref, wr_ref, b_ref, o_ref):
    sums = p_ref[0] + p_ref[1]
    cnt = c_ref[0, :, :1] + c_ref[1, :, :1]
    mean = sums * (1.0 / jnp.maximum(cnt, 1.0))
    o = (lax.dot_general(mean, wl_ref[...], _DN,
                         preferred_element_type=jnp.float32)
         + lax.dot_general(x_ref[...], wr_ref[...], _DN,
                           preferred_element_type=jnp.float32)
         + b_ref[...])
    nrm = jnp.sqrt(jnp.sum(o * o, axis=1, keepdims=True))
    o = o / jnp.maximum(nrm, 1e-12)
    if with_relu:
      o = jnp.maximum(o, 0.0)
    o_ref[...] = o

  def run(P, C, x, W_l, W_r, b):
    return pl.pallas_call(
        body,
        grid=(N // R_BLK,),
        in_specs=[
            pl.BlockSpec((2, R_BLK, D), lambda i: (0, i, 0)),
            pl.BlockSpec((2, R_BLK, CW), lambda i: (0, i, 0)),
            pl.BlockSpec((R_BLK, D), lambda i: (i, 0)),
            pl.BlockSpec((D, D), lambda i: (0, 0)),
            pl.BlockSpec((D, D), lambda i: (0, 0)),
            pl.BlockSpec((1, D), lambda i: (0, 0)),
        ],
        out_specs=pl.BlockSpec((R_BLK, D), lambda i: (i, 0)),
        out_shape=jax.ShapeDtypeStruct((N, D), jnp.float32),
    )(P, C, x, W_l, W_r, b)

  return run


_dense_relu = _make_dense(True)
_dense_plain = _make_dense(False)


def kernel(x, edge_index, W_l1, W_r1, b1, W_l2, W_r2, b2):
  src = edge_index[0].astype(jnp.int32).reshape(NTILES, 1, EPT)
  dst = edge_index[1].astype(jnp.int32).reshape(NTILES, NCH, 1, CH)
  zeros = jnp.zeros((N_ACC, D), jnp.float32)
  C = _count(dst, jnp.zeros((N_ACC, CW), jnp.float32),
             jnp.ones((CH, CW), jnp.float32))
  P1 = _agg(x, src, dst, zeros)
  h = _dense_relu(P1, C, x, W_l1, W_r1, b1.reshape(1, D))
  P2 = _agg(h, src, dst, zeros)
  return _dense_plain(P2, C, h, W_l2, W_r2, b2.reshape(1, D))

# --- scband reference (transcript-rebuilt; emitter-appended) ---
"""Pipeline reference for scband-graph-sage-59356448031550 (READ-ONLY COPY).

The authoritative reference and input builder live on the scoring server;
editing this copy changes nothing except your own understanding.
"""

import jax, jax.numpy as jnp
import numpy as np

N_NODES = 10000
N_EDGES = 320000
D_IN = 128
D_HID = 128
D_OUT = 128


def _sage_conv(x, src, dst, W_l, W_r, b, num_nodes):
    # mean aggregation of neighbor messages onto dst nodes
    msg = x[src]
    summed = jax.ops.segment_sum(msg, dst, num_segments=num_nodes)
    count = jax.ops.segment_sum(jnp.ones((src.shape[0],), dtype=x.dtype), dst, num_segments=num_nodes)
    mean = summed / jnp.clip(count, 1.0)[:, None]
    out = mean @ W_l.T + b + x @ W_r.T
    # normalize=True -> L2 normalize along feature dim
    norm = jnp.linalg.norm(out, axis=-1, keepdims=True)
    out = out / jnp.clip(norm, 1e-12)
    return out


def setup_inputs(seed: int = 0) -> dict:
    key = jax.random.key(seed)
    ks = jax.random.split(key, 8)
    x = jax.random.normal(ks[0], (N_NODES, D_IN), dtype=jnp.float32)
    edge_index = jax.random.randint(ks[1], (2, N_EDGES), 0, N_NODES, dtype=jnp.int64)
    s1 = 1.0 / np.sqrt(D_IN)
    s2 = 1.0 / np.sqrt(D_HID)
    W_l1 = jax.random.uniform(ks[2], (D_HID, D_IN), minval=-s1, maxval=s1, dtype=jnp.float32)
    W_r1 = jax.random.uniform(ks[3], (D_HID, D_IN), minval=-s1, maxval=s1, dtype=jnp.float32)
    b1 = jnp.zeros((D_HID,), dtype=jnp.float32)
    W_l2 = jax.random.uniform(ks[4], (D_OUT, D_HID), minval=-s2, maxval=s2, dtype=jnp.float32)
    W_r2 = jax.random.uniform(ks[5], (D_OUT, D_HID), minval=-s2, maxval=s2, dtype=jnp.float32)
    b2 = jnp.zeros((D_OUT,), dtype=jnp.float32)
    return {"x": x, "edge_index": edge_index, "W_l1": W_l1, "W_r1": W_r1, "b1": b1,
            "W_l2": W_l2, "W_r2": W_r2, "b2": b2}


def reference(x, edge_index, W_l1, W_r1, b1, W_l2, W_r2, b2):
    src = edge_index[0]
    dst = edge_index[1]
    h = _sage_conv(x, src, dst, W_l1, W_r1, b1, N_NODES)
    h = jax.nn.relu(h)
    # dropout(p=0.2) is identity in eval mode
    out = _sage_conv(h, src, dst, W_l2, W_r2, b2, N_NODES)
    return out

if __name__ == "__main__":
    import jax
    _d = setup_inputs()
    print(jax.jit(kernel)(*tuple(_d.values())))

</pallas_src>

<mosaic_0001>
#map = affine_map<(d0, d1) -> (0, 0)>
#map1 = affine_map<(d0, d1) -> (0, 0, 0)>
#map2 = affine_map<(d0, d1) -> (0, 0, 0, 0)>
module attributes {stable_mosaic.version = 14 : i64} {
  func.func @_agg_body(%arg0: i32, %arg1: i32, %arg2: memref<10000x128xf32, #tpu.memory_space<hbm>>, %arg3: memref<32x1x10000xi32, #tpu.memory_space<hbm>>, %arg4: memref<32x125x1x80xi32, #tpu.memory_space<hbm>>, %arg5: memref<10112x128xf32, #tpu.memory_space<hbm>>, %arg6: memref<2x10112x128xf32, #tpu.memory_space<hbm>>, %arg7: memref<10000xi32, #tpu.memory_space<vmem>>, %arg8: memref<1x80xi32, #tpu.memory_space<vmem>>, %arg9: memref<1x80xi32, #tpu.memory_space<vmem>>, %arg10: memref<1x80xi32, #tpu.memory_space<vmem>>, %arg11: memref<80x128xf32, #tpu.memory_space<vmem>>, %arg12: memref<80x128xf32, #tpu.memory_space<vmem>>, %arg13: memref<80x128xf32, #tpu.memory_space<vmem>>, %arg14: memref<!tpu.dma_semaphore, #tpu.memory_space<semaphore_mem>>, %arg15: memref<!tpu.dma_semaphore, #tpu.memory_space<semaphore_mem>>, %arg16: memref<!tpu.dma_semaphore, #tpu.memory_space<semaphore_mem>>, %arg17: memref<10112x128xf32, #tpu.memory_space<vmem_shared>>) attributes {dimension_semantics = [#tpu.dimension_semantics<core_parallel>, #tpu.dimension_semantics<subcore_parallel>], iteration_bounds = array<i64: 2, 16>, scalar_prefetch = 0 : i64, scratch_operands = 11 : i64, tpu.core_type = #tpu.core_type<sc_vector_subcore>, window_params = [{transform_indices = #map}, {transform_indices = #map1}, {transform_indices = #map2}, {transform_indices = #map}, {transform_indices = #map1}]} {
    %mul3A = arith.constant 16 : i32
    %mul3A_0 = arith.muli %arg0, %mul3A : i32
    %add3A = arith.addi %mul3A_0, %arg1 : i32
    %mul3A_1 = arith.constant 632 : i32
    %mul3A_2 = arith.muli %arg1, %mul3A_1 : i32
    %dma_start3A = arith.constant 0 : i32
    %dma_start3A_3 = tpu.memref_slice %arg17[%mul3A_2, %dma_start3A] : memref<10112x128xf32, #tpu.memory_space<vmem_shared>> -> memref<632x128xf32, #tpu.memory_space<vmem_shared>>
    %dma_start3A_4 = arith.constant 0 : i32
    %dma_start3A_5 = tpu.memref_slice %arg5[%mul3A_2, %dma_start3A_4] : memref<10112x128xf32, #tpu.memory_space<hbm>> -> memref<632x128xf32, #tpu.memory_space<hbm>>
    tpu.enqueue_dma source(%dma_start3A_5 : memref<632x128xf32, #tpu.memory_space<hbm>>) target(%dma_start3A_3 : memref<632x128xf32, #tpu.memory_space<vmem_shared>>) target_semaphore(%arg14 : memref<!tpu.dma_semaphore, #tpu.memory_space<semaphore_mem>>)
    %dma_start3A_6 = arith.constant 0 : i32
    %dma_start3A_7 = arith.constant 0 : i32
    %dma_start3A_8 = tpu.memref_slice %arg3[%add3A, %dma_start3A_6, %dma_start3A_7] : memref<32x1x10000xi32, #tpu.memory_space<hbm>> -> memref<1x1x10000xi32, #tpu.memory_space<hbm>>
    %dma_start3A_9 = tpu.memref_squeeze %dma_start3A_8 : memref<1x1x10000xi32, #tpu.memory_space<hbm>> -> memref<10000xi32, #tpu.memory_space<hbm>>
    %dma_start3A_10 = arith.constant 0 : i32
    %dma_start3A_11 = tpu.memref_slice %arg3[%add3A, %dma_start3A_6, %dma_start3A_10] : memref<32x1x10000xi32, #tpu.memory_space<hbm>> -> memref<1x1x10000xi32, #tpu.memory_space<hbm>>
    %dma_start3A_12 = tpu.memref_squeeze %dma_start3A_11 : memref<1x1x10000xi32, #tpu.memory_space<hbm>> -> memref<10000xi32, #tpu.memory_space<hbm>>
    tpu.enqueue_dma source(%dma_start3A_12 : memref<10000xi32, #tpu.memory_space<hbm>>) target(%arg7 : memref<10000xi32, #tpu.memory_space<vmem>>) target_semaphore(%arg15 : memref<!tpu.dma_semaphore, #tpu.memory_space<semaphore_mem>>)
    %dma_wait3A = arith.constant 0 : i32
    %dma_wait3A_13 = tpu.memref_slice %arg17[%mul3A_2, %dma_wait3A] : memref<10112x128xf32, #tpu.memory_space<vmem_shared>> -> memref<632x128xf32, #tpu.memory_space<vmem_shared>>
    %dma_wait3A_14 = arith.constant 0 : i32
    %dma_wait3A_15 = tpu.memref_slice %arg5[%mul3A_2, %dma_wait3A_14] : memref<10112x128xf32, #tpu.memory_space<hbm>> -> memref<632x128xf32, #tpu.memory_space<hbm>>
    tpu.wait_dma2 semaphore(%arg14 : memref<!tpu.dma_semaphore, #tpu.memory_space<semaphore_mem>>) src(%dma_wait3A_15 : memref<632x128xf32, #tpu.memory_space<hbm>>) dst(%dma_wait3A_13 : memref<632x128xf32, #tpu.memory_space<vmem_shared>>)
    %dma_wait3A_16 = arith.constant 0 : i32
    %dma_wait3A_17 = arith.constant 0 : i32
    %dma_wait3A_18 = tpu.memref_slice %arg3[%add3A, %dma_wait3A_16, %dma_wait3A_17] : memref<32x1x10000xi32, #tpu.memory_space<hbm>> -> memref<1x1x10000xi32, #tpu.memory_space<hbm>>
    %dma_wait3A_19 = tpu.memref_squeeze %dma_wait3A_18 : memref<1x1x10000xi32, #tpu.memory_space<hbm>> -> memref<10000xi32, #tpu.memory_space<hbm>>
    %dma_wait3A_20 = arith.constant 0 : i32
    %dma_wait3A_21 = tpu.memref_slice %arg3[%add3A, %dma_wait3A_16, %dma_wait3A_20] : memref<32x1x10000xi32, #tpu.memory_space<hbm>> -> memref<1x1x10000xi32, #tpu.memory_space<hbm>>
    %dma_wait3A_22 = tpu.memref_squeeze %dma_wait3A_21 : memref<1x1x10000xi32, #tpu.memory_space<hbm>> -> memref<10000xi32, #tpu.memory_space<hbm>>
    tpu.wait_dma2 semaphore(%arg15 : memref<!tpu.dma_semaphore, #tpu.memory_space<semaphore_mem>>) src(%dma_wait3A_22 : memref<10000xi32, #tpu.memory_space<hbm>>) dst(%arg7 : memref<10000xi32, #tpu.memory_space<vmem>>)
    %barrier3A = arith.constant 0 : index
    tpu.barrier barrier_id(%barrier3A)
    %dma_start3A_23 = arith.constant 0 : i32
    %dma_start3A_24 = arith.constant 0 : i32
    %dma_start3A_25 = arith.constant 0 : i32
    %dma_start3A_26 = tpu.memref_slice %arg4[%add3A, %dma_start3A_23, %dma_start3A_24, %dma_start3A_25] : memref<32x125x1x80xi32, #tpu.memory_space<hbm>> -> memref<1x1x1x80xi32, #tpu.memory_space<hbm>>
    %dma_start3A_27 = tpu.memref_squeeze %dma_start3A_26 : memref<1x1x1x80xi32, #tpu.memory_space<hbm>> -> memref<1x80xi32, #tpu.memory_space<hbm>>
    %dma_start3A_28 = arith.constant 0 : i32
    %dma_start3A_29 = arith.constant 0 : i32
    %dma_start3A_30 = tpu.memref_slice %arg4[%add3A, %dma_start3A_23, %dma_start3A_28, %dma_start3A_29] : memref<32x125x1x80xi32, #tpu.memory_space<hbm>> -> memref<1x1x1x80xi32, #tpu.memory_space<hbm>>
    %dma_start3A_31 = tpu.memref_squeeze %dma_start3A_30 : memref<1x1x1x80xi32, #tpu.memory_space<hbm>> -> memref<1x80xi32, #tpu.memory_space<hbm>>
    tpu.enqueue_dma source(%dma_start3A_31 : memref<1x80xi32, #tpu.memory_space<hbm>>) target(%arg8 : memref<1x80xi32, #tpu.memory_space<vmem>>) target_semaphore(%arg14 : memref<!tpu.dma_semaphore, #tpu.memory_space<semaphore_mem>>)
    %dma_start3A_32 = arith.constant 0 : i32
    %dma_start3A_33 = tpu.memref_slice %arg7[%dma_start3A_32] : memref<10000xi32, #tpu.memory_space<vmem>> -> memref<80xi32, #tpu.memory_space<vmem>>
    %dma_start3A_34 = arith.constant 0 : i32
    %dma_start3A_35 = arith.constant 0 : i32
    %dma_start3A_36 = tpu.memref_slice %arg2[%dma_start3A_34, %dma_start3A_35] : memref<10000x128xf32, #tpu.memory_space<hbm>> -> memref<10000x128xf32, #tpu.memory_space<hbm>>
    tpu.enqueue_indirect_dma source(%dma_start3A_36 : memref<10000x128xf32, #tpu.memory_space<hbm>>) target(%arg11 : memref<80x128xf32, #tpu.memory_space<vmem>>) offsets(%dma_start3A_33 : memref<80xi32, #tpu.memory_space<vmem>>) semaphore(%arg14 : memref<!tpu.dma_semaphore, #tpu.memory_space<semaphore_mem>>)
    %dma_start3A_37 = arith.constant 1 : i32
    %dma_start3A_38 = arith.constant 0 : i32
    %dma_start3A_39 = arith.constant 0 : i32
    %dma_start3A_40 = tpu.memref_slice %arg4[%add3A, %dma_start3A_37, %dma_start3A_38, %dma_start3A_39] : memref<32x125x1x80xi32, #tpu.memory_space<hbm>> -> memref<1x1x1x80xi32, #tpu.memory_space<hbm>>
    %dma_start3A_41 = tpu.memref_squeeze %dma_start3A_40 : memref<1x1x1x80xi32, #tpu.memory_space<hbm>> -> memref<1x80xi32, #tpu.memory_space<hbm>>
    %dma_start3A_42 = arith.constant 0 : i32
    %dma_start3A_43 = arith.constant 0 : i32
    %dma_start3A_44 = tpu.memref_slice %arg4[%add3A, %dma_start3A_37, %dma_start3A_42, %dma_start3A_43] : memref<32x125x1x80xi32, #tpu.memory_space<hbm>> -> memref<1x1x1x80xi32, #tpu.memory_space<hbm>>
    %dma_start3A_45 = tpu.memref_squeeze %dma_start3A_44 : memref<1x1x1x80xi32, #tpu.memory_space<hbm>> -> memref<1x80xi32, #tpu.memory_space<hbm>>
    tpu.enqueue_dma source(%dma_start3A_45 : memref<1x80xi32, #tpu.memory_space<hbm>>) target(%arg9 : memref<1x80xi32, #tpu.memory_space<vmem>>) target_semaphore(%arg15 : memref<!tpu.dma_semaphore, #tpu.memory_space<semaphore_mem>>)
    %dma_start3A_46 = arith.constant 80 : i32
    %dma_start3A_47 = tpu.memref_slice %arg7[%dma_start3A_46] : memref<10000xi32, #tpu.memory_space<vmem>> -> memref<80xi32, #tpu.memory_space<vmem>>
    %dma_start3A_48 = arith.constant 0 : i32
    %dma_start3A_49 = arith.constant 0 : i32
    %dma_start3A_50 = tpu.memref_slice %arg2[%dma_start3A_48, %dma_start3A_49] : memref<10000x128xf32, #tpu.memory_space<hbm>> -> memref<10000x128xf32, #tpu.memory_space<hbm>>
    tpu.enqueue_indirect_dma source(%dma_start3A_50 : memref<10000x128xf32, #tpu.memory_space<hbm>>) target(%arg12 : memref<80x128xf32, #tpu.memory_space<vmem>>) offsets(%dma_start3A_47 : memref<80xi32, #tpu.memory_space<vmem>>) semaphore(%arg15 : memref<!tpu.dma_semaphore, #tpu.memory_space<semaphore_mem>>)
    %dma_start3A_51 = arith.constant 2 : i32
    %dma_start3A_52 = arith.constant 0 : i32
    %dma_start3A_53 = arith.constant 0 : i32
    %dma_start3A_54 = tpu.memref_slice %arg4[%add3A, %dma_start3A_51, %dma_start3A_52, %dma_start3A_53] : memref<32x125x1x80xi32, #tpu.memory_space<hbm>> -> memref<1x1x1x80xi32, #tpu.memory_space<hbm>>
    %dma_start3A_55 = tpu.memref_squeeze %dma_start3A_54 : memref<1x1x1x80xi32, #tpu.memory_space<hbm>> -> memref<1x80xi32, #tpu.memory_space<hbm>>
    %dma_start3A_56 = arith.constant 0 : i32
    %dma_start3A_57 = arith.constant 0 : i32
    %dma_start3A_58 = tpu.memref_slice %arg4[%add3A, %dma_start3A_51, %dma_start3A_56, %dma_start3A_57] : memref<32x125x1x80xi32, #tpu.memory_space<hbm>> -> memref<1x1x1x80xi32, #tpu.memory_space<hbm>>
    %dma_start3A_59 = tpu.memref_squeeze %dma_start3A_58 : memref<1x1x1x80xi32, #tpu.memory_space<hbm>> -> memref<1x80xi32, #tpu.memory_space<hbm>>
    tpu.enqueue_dma source(%dma_start3A_59 : memref<1x80xi32, #tpu.memory_space<hbm>>) target(%arg10 : memref<1x80xi32, #tpu.memory_space<vmem>>) target_semaphore(%arg16 : memref<!tpu.dma_semaphore, #tpu.memory_space<semaphore_mem>>)
    %dma_start3A_60 = arith.constant 160 : i32
    %dma_start3A_61 = tpu.memref_slice %arg7[%dma_start3A_60] : memref<10000xi32, #tpu.memory_space<vmem>> -> memref<80xi32, #tpu.memory_space<vmem>>
    %dma_start3A_62 = arith.constant 0 : i32
    %dma_start3A_63 = arith.constant 0 : i32
    %dma_start3A_64 = tpu.memref_slice %arg2[%dma_start3A_62, %dma_start3A_63] : memref<10000x128xf32, #tpu.memory_space<hbm>> -> memref<10000x128xf32, #tpu.memory_space<hbm>>
    tpu.enqueue_indirect_dma source(%dma_start3A_64 : memref<10000x128xf32, #tpu.memory_space<hbm>>) target(%arg13 : memref<80x128xf32, #tpu.memory_space<vmem>>) offsets(%dma_start3A_61 : memref<80xi32, #tpu.memory_space<vmem>>) semaphore(%arg16 : memref<!tpu.dma_semaphore, #tpu.memory_space<semaphore_mem>>)
    %scan3A = arith.constant 0 : i32
    %scan3A_65 = arith.constant 40 : i32
    %scan3A_66 = arith.addi %scan3A, %scan3A_65 : i32
    %scan3A_67 = arith.constant 1 : i32
    scf.for %scan3A_172 = %scan3A to %scan3A_66 step %scan3A_67  : i32 {
      %mul3A_173 = arith.constant 3 : i32
      %mul3A_174 = arith.muli %scan3A_172, %mul3A_173 : i32
      %add3A_175 = arith.constant 0 : i32
      %add3A_176 = arith.addi %add3A_175, %mul3A_174 : i32
      %add3A_177 = arith.constant 0 : i32
      %add3A_178 = arith.addi %add3A_176, %add3A_177 : i32
      %dma_wait3A_179 = arith.constant 0 : i32
      %dma_wait3A_180 = arith.constant 0 : i32
      %dma_wait3A_181 = tpu.memref_slice %arg4[%add3A, %add3A_178, %dma_wait3A_179, %dma_wait3A_180] : memref<32x125x1x80xi32, #tpu.memory_space<hbm>> -> memref<1x1x1x80xi32, #tpu.memory_space<hbm>>
      %dma_wait3A_182 = tpu.memref_squeeze %dma_wait3A_181 : memref<1x1x1x80xi32, #tpu.memory_space<hbm>> -> memref<1x80xi32, #tpu.memory_space<hbm>>
      %dma_wait3A_183 = arith.constant 0 : i32
      %dma_wait3A_184 = arith.constant 0 : i32
      %dma_wait3A_185 = tpu.memref_slice %arg4[%add3A, %add3A_178, %dma_wait3A_183, %dma_wait3A_184] : memref<32x125x1x80xi32, #tpu.memory_space<hbm>> -> memref<1x1x1x80xi32, #tpu.memory_space<hbm>>
      %dma_wait3A_186 = tpu.memref_squeeze %dma_wait3A_185 : memref<1x1x1x80xi32, #tpu.memory_space<hbm>> -> memref<1x80xi32, #tpu.memory_space<hbm>>
      tpu.wait_dma2 semaphore(%arg14 : memref<!tpu.dma_semaphore, #tpu.memory_space<semaphore_mem>>) src(%dma_wait3A_186 : memref<1x80xi32, #tpu.memory_space<hbm>>) dst(%arg8 : memref<1x80xi32, #tpu.memory_space<vmem>>)
      %mul3A_187 = arith.constant 80 : i32
      %mul3A_188 = arith.muli %add3A_178, %mul3A_187 : i32
      %dma_wait3A_189 = tpu.memref_slice %arg7[%mul3A_188] : memref<10000xi32, #tpu.memory_space<vmem>> -> memref<80xi32, #tpu.memory_space<vmem>>
      %dma_wait3A_190 = arith.constant 0 : i32
      %dma_wait3A_191 = arith.constant 0 : i32
      %dma_wait3A_192 = tpu.memref_slice %arg2[%dma_wait3A_190, %dma_wait3A_191] : memref<10000x128xf32, #tpu.memory_space<hbm>> -> memref<10000x128xf32, #tpu.memory_space<hbm>>
      tpu.wait_indirect_dma semaphore(%arg14 : memref<!tpu.dma_semaphore, #tpu.memory_space<semaphore_mem>>) src(%dma_wait3A_192 : memref<10000x128xf32, #tpu.memory_space<hbm>>) dst(%arg11 : memref<80x128xf32, #tpu.memory_space<vmem>>)
      %run_scoped3A_193 = arith.constant 0 : i32
      "tpu.region"() ({
        %run_scoped3A_282 = tpu.sem_alloc : memref<!tpu.dma_semaphore, #tpu.memory_space<semaphore_mem>>
        %dma_start3A_283 = arith.constant 0 : i32
        %dma_start3A_284 = tpu.memref_slice %arg8[%run_scoped3A_193, %dma_start3A_283] : memref<1x80xi32, #tpu.memory_space<vmem>> -> memref<1x80xi32, #tpu.memory_space<vmem>>
        %dma_start3A_285 = tpu.memref_squeeze %dma_start3A_284 : memref<1x80xi32, #tpu.memory_space<vmem>> -> memref<80xi32, #tpu.memory_space<vmem>>
        %dma_start3A_286 = arith.constant 0 : i32
        %dma_start3A_287 = arith.constant 0 : i32
        %dma_start3A_288 = tpu.memref_slice %arg17[%dma_start3A_286, %dma_start3A_287] : memref<10112x128xf32, #tpu.memory_space<vmem_shared>> -> memref<10112x128xf32, #tpu.memory_space<vmem_shared>>
        tpu.enqueue_indirect_dma source(%arg11 : memref<80x128xf32, #tpu.memory_space<vmem>>) target(%dma_start3A_288 : memref<10112x128xf32, #tpu.memory_space<vmem_shared>>) offsets(%dma_start3A_285 : memref<80xi32, #tpu.memory_space<vmem>>) semaphore(%run_scoped3A_282 : memref<!tpu.dma_semaphore, #tpu.memory_space<semaphore_mem>>) {add = true}
        %dma_wait3A_289 = arith.constant 0 : i32
        %dma_wait3A_290 = tpu.memref_slice %arg8[%run_scoped3A_193, %dma_wait3A_289] : memref<1x80xi32, #tpu.memory_space<vmem>> -> memref<1x80xi32, #tpu.memory_space<vmem>>
        %dma_wait3A_291 = tpu.memref_squeeze %dma_wait3A_290 : memref<1x80xi32, #tpu.memory_space<vmem>> -> memref<80xi32, #tpu.memory_space<vmem>>
        %dma_wait3A_292 = arith.constant 0 : i32
        %dma_wait3A_293 = arith.constant 0 : i32
        %dma_wait3A_294 = tpu.memref_slice %arg17[%dma_wait3A_292, %dma_wait3A_293] : memref<10112x128xf32, #tpu.memory_space<vmem_shared>> -> memref<10112x128xf32, #tpu.memory_space<vmem_shared>>
        tpu.wait_indirect_dma semaphore(%run_scoped3A_282 : memref<!tpu.dma_semaphore, #tpu.memory_space<semaphore_mem>>) src(%arg11 : memref<80x128xf32, #tpu.memory_space<vmem>>) dst(%dma_wait3A_294 : memref<10112x128xf32, #tpu.memory_space<vmem_shared>>)
        tpu.yield
      }) : () -> ()
      %add3A_194 = arith.constant 0 : i32
      %add3A_195 = arith.addi %add3A_176, %add3A_194 : i32
      %add3A_196 = arith.constant 3 : i32
      %add3A_197 = arith.addi %add3A_195, %add3A_196 : i32
      %dma_start3A_198 = arith.constant 0 : i32
      %dma_start3A_199 = arith.constant 0 : i32
      %dma_start3A_200 = tpu.memref_slice %arg4[%add3A, %add3A_197, %dma_start3A_198, %dma_start3A_199] : memref<32x125x1x80xi32, #tpu.memory_space<hbm>> -> memref<1x1x1x80xi32, #tpu.memory_space<hbm>>
      %dma_start3A_201 = tpu.memref_squeeze %dma_start3A_200 : memref<1x1x1x80xi32, #tpu.memory_space<hbm>> -> memref<1x80xi32, #tpu.memory_space<hbm>>
      %dma_start3A_202 = arith.constant 0 : i32
      %dma_start3A_203 = arith.constant 0 : i32
      %dma_start3A_204 = tpu.memref_slice %arg4[%add3A, %add3A_197, %dma_start3A_202, %dma_start3A_203] : memref<32x125x1x80xi32, #tpu.memory_space<hbm>> -> memref<1x1x1x80xi32, #tpu.memory_space<hbm>>
      %dma_start3A_205 = tpu.memref_squeeze %dma_start3A_204 : memref<1x1x1x80xi32, #tpu.memory_space<hbm>> -> memref<1x80xi32, #tpu.memory_space<hbm>>
      tpu.enqueue_dma source(%dma_start3A_205 : memref<1x80xi32, #tpu.memory_space<hbm>>) target(%arg8 : memref<1x80xi32, #tpu.memory_space<vmem>>) target_semaphore(%arg14 : memref<!tpu.dma_semaphore, #tpu.memory_space<semaphore_mem>>)
      %mul3A_206 = arith.constant 80 : i32
      %mul3A_207 = arith.muli %add3A_197, %mul3A_206 : i32
      %dma_start3A_208 = tpu.memref_slice %arg7[%mul3A_207] : memref<10000xi32, #tpu.memory_space<vmem>> -> memref<80xi32, #tpu.memory_space<vmem>>
      %dma_start3A_209 = arith.constant 0 : i32
      %dma_start3A_210 = arith.constant 0 : i32
      %dma_start3A_211 = tpu.memref_slice %arg2[%dma_start3A_209, %dma_start3A_210] : memref<10000x128xf32, #tpu.memory_space<hbm>> -> memref<10000x128xf32, #tpu.memory_space<hbm>>
      tpu.enqueue_indirect_dma source(%dma_start3A_211 : memref<10000x128xf32, #tpu.memory_space<hbm>>) target(%arg11 : memref<80x128xf32, #tpu.memory_space<vmem>>) offsets(%dma_start3A_208 : memref<80xi32, #tpu.memory_space<vmem>>) semaphore(%arg14 : memref<!tpu.dma_semaphore, #tpu.memory_space<semaphore_mem>>)
      %add3A_212 = arith.constant 1 : i32
      %add3A_213 = arith.addi %add3A_176, %add3A_212 : i32
      %dma_wait3A_214 = arith.constant 0 : i32
      %dma_wait3A_215 = arith.constant 0 : i32
      %dma_wait3A_216 = tpu.memref_slice %arg4[%add3A, %add3A_213, %dma_wait3A_214, %dma_wait3A_215] : memref<32x125x1x80xi32, #tpu.memory_space<hbm>> -> memref<1x1x1x80xi32, #tpu.memory_space<hbm>>
      %dma_wait3A_217 = tpu.memref_squeeze %dma_wait3A_216 : memref<1x1x1x80xi32, #tpu.memory_space<hbm>> -> memref<1x80xi32, #tpu.memory_space<hbm>>
      %dma_wait3A_218 = arith.constant 0 : i32
      %dma_wait3A_219 = arith.constant 0 : i32
      %dma_wait3A_220 = tpu.memref_slice %arg4[%add3A, %add3A_213, %dma_wait3A_218, %dma_wait3A_219] : memref<32x125x1x80xi32, #tpu.memory_space<hbm>> -> memref<1x1x1x80xi32, #tpu.memory_space<hbm>>
      %dma_wait3A_221 = tpu.memref_squeeze %dma_wait3A_220 : memref<1x1x1x80xi32, #tpu.memory_space<hbm>> -> memref<1x80xi32, #tpu.memory_space<hbm>>
      tpu.wait_dma2 semaphore(%arg15 : memref<!tpu.dma_semaphore, #tpu.memory_space<semaphore_mem>>) src(%dma_wait3A_221 : memref<1x80xi32, #tpu.memory_space<hbm>>) dst(%arg9 : memref<1x80xi32, #tpu.memory_space<vmem>>)
      %mul3A_222 = arith.constant 80 : i32
      %mul3A_223 = arith.muli %add3A_213, %mul3A_222 : i32
      %dma_wait3A_224 = tpu.memref_slice %arg7[%mul3A_223] : memref<10000xi32, #tpu.memory_space<vmem>> -> memref<80xi32, #tpu.memory_space<vmem>>
      %dma_wait3A_225 = arith.constant 0 : i32
      %dma_wait3A_226 = arith.constant 0 : i32
      %dma_wait3A_227 = tpu.memref_slice %arg2[%dma_wait3A_225, %dma_wait3A_226] : memref<10000x128xf32, #tpu.memory_space<hbm>> -> memref<10000x128xf32, #tpu.memory_space<hbm>>
      tpu.wait_indirect_dma semaphore(%arg15 : memref<!tpu.dma_semaphore, #tpu.memory_space<semaphore_mem>>) src(%dma_wait3A_227 : memref<10000x128xf32, #tpu.memory_space<hbm>>) dst(%arg12 : memref<80x128xf32, #tpu.memory_space<vmem>>)
      %run_scoped3A_228 = arith.constant 0 : i32
      "tpu.region"() ({
        %run_scoped3A_282 = tpu.sem_alloc : memref<!tpu.dma_semaphore, #tpu.memory_space<semaphore_mem>>
        %dma_start3A_283 = arith.constant 0 : i32
        %dma_start3A_284 = tpu.memref_slice %arg9[%run_scoped3A_228, %dma_start3A_283] : memref<1x80xi32, #tpu.memory_space<vmem>> -> memref<1x80xi32, #tpu.memory_space<vmem>>
        %dma_start3A_285 = tpu.memref_squeeze %dma_start3A_284 : memref<1x80xi32, #tpu.memory_space<vmem>> -> memref<80xi32, #tpu.memory_space<vmem>>
        %dma_start3A_286 = arith.constant 0 : i32
        %dma_start3A_287 = arith.constant 0 : i32
        %dma_start3A_288 = tpu.memref_slice %arg17[%dma_start3A_286, %dma_start3A_287] : memref<10112x128xf32, #tpu.memory_space<vmem_shared>> -> memref<10112x128xf32, #tpu.memory_space<vmem_shared>>
        tpu.enqueue_indirect_dma source(%arg12 : memref<80x128xf32, #tpu.memory_space<vmem>>) target(%dma_start3A_288 : memref<10112x128xf32, #tpu.memory_space<vmem_shared>>) offsets(%dma_start3A_285 : memref<80xi32, #tpu.memory_space<vmem>>) semaphore(%run_scoped3A_282 : memref<!tpu.dma_semaphore, #tpu.memory_space<semaphore_mem>>) {add = true}
        %dma_wait3A_289 = arith.constant 0 : i32
        %dma_wait3A_290 = tpu.memref_slice %arg9[%run_scoped3A_228, %dma_wait3A_289] : memref<1x80xi32, #tpu.memory_space<vmem>> -> memref<1x80xi32, #tpu.memory_space<vmem>>
        %dma_wait3A_291 = tpu.memref_squeeze %dma_wait3A_290 : memref<1x80xi32, #tpu.memory_space<vmem>> -> memref<80xi32, #tpu.memory_space<vmem>>
        %dma_wait3A_292 = arith.constant 0 : i32
        %dma_wait3A_293 = arith.constant 0 : i32
        %dma_wait3A_294 = tpu.memref_slice %arg17[%dma_wait3A_292, %dma_wait3A_293] : memref<10112x128xf32, #tpu.memory_space<vmem_shared>> -> memref<10112x128xf32, #tpu.memory_space<vmem_shared>>
        tpu.wait_indirect_dma semaphore(%run_scoped3A_282 : memref<!tpu.dma_semaphore, #tpu.memory_space<semaphore_mem>>) src(%arg12 : memref<80x128xf32, #tpu.memory_space<vmem>>) dst(%dma_wait3A_294 : memref<10112x128xf32, #tpu.memory_space<vmem_shared>>)
        tpu.yield
      }) : () -> ()
      %add3A_229 = arith.constant 1 : i32
      %add3A_230 = arith.addi %add3A_176, %add3A_229 : i32
      %add3A_231 = arith.constant 3 : i32
      %add3A_232 = arith.addi %add3A_230, %add3A_231 : i32
      %dma_start3A_233 = arith.constant 0 : i32
      %dma_start3A_234 = arith.constant 0 : i32
      %dma_start3A_235 = tpu.memref_slice %arg4[%add3A, %add3A_232, %dma_start3A_233, %dma_start3A_234] : memref<32x125x1x80xi32, #tpu.memory_space<hbm>> -> memref<1x1x1x80xi32, #tpu.memory_space<hbm>>
      %dma_start3A_236 = tpu.memref_squeeze %dma_start3A_235 : memref<1x1x1x80xi32, #tpu.memory_space<hbm>> -> memref<1x80xi32, #tpu.memory_space<hbm>>
      %dma_start3A_237 = arith.constant 0 : i32
      %dma_start3A_238 = arith.constant 0 : i32
      %dma_start3A_239 = tpu.memref_slice %arg4[%add3A, %add3A_232, %dma_start3A_237, %dma_start3A_238] : memref<32x125x1x80xi32, #tpu.memory_space<hbm>> -> memref<1x1x1x80xi32, #tpu.memory_space<hbm>>
      %dma_start3A_240 = tpu.memref_squeeze %dma_start3A_239 : memref<1x1x1x80xi32, #tpu.memory_space<hbm>> -> memref<1x80xi32, #tpu.memory_space<hbm>>
      tpu.enqueue_dma source(%dma_start3A_240 : memref<1x80xi32, #tpu.memory_space<hbm>>) target(%arg9 : memref<1x80xi32, #tpu.memory_space<vmem>>) target_semaphore(%arg15 : memref<!tpu.dma_semaphore, #tpu.memory_space<semaphore_mem>>)
      %mul3A_241 = arith.constant 80 : i32
      %mul3A_242 = arith.muli %add3A_232, %mul3A_241 : i32
      %dma_start3A_243 = tpu.memref_slice %arg7[%mul3A_242] : memref<10000xi32, #tpu.memory_space<vmem>> -> memref<80xi32, #tpu.memory_space<vmem>>
      %dma_start3A_244 = arith.constant 0 : i32
      %dma_start3A_245 = arith.constant 0 : i32
      %dma_start3A_246 = tpu.memref_slice %arg2[%dma_start3A_244, %dma_start3A_245] : memref<10000x128xf32, #tpu.memory_space<hbm>> -> memref<10000x128xf32, #tpu.memory_space<hbm>>
      tpu.enqueue_indirect_dma source(%dma_start3A_246 : memref<10000x128xf32, #tpu.memory_space<hbm>>) target(%arg12 : memref<80x128xf32, #tpu.memory_space<vmem>>) offsets(%dma_start3A_243 : memref<80xi32, #tpu.memory_space<vmem>>) semaphore(%arg15 : memref<!tpu.dma_semaphore, #tpu.memory_space<semaphore_mem>>)
      %add3A_247 = arith.constant 2 : i32
      %add3A_248 = arith.addi %add3A_176, %add3A_247 : i32
      %dma_wait3A_249 = arith.constant 0 : i32
      %dma_wait3A_250 = arith.constant 0 : i32
      %dma_wait3A_251 = tpu.memref_slice %arg4[%add3A, %add3A_248, %dma_wait3A_249, %dma_wait3A_250] : memref<32x125x1x80xi32, #tpu.memory_space<hbm>> -> memref<1x1x1x80xi32, #tpu.memory_space<hbm>>
      %dma_wait3A_252 = tpu.memref_squeeze %dma_wait3A_251 : memref<1x1x1x80xi32, #tpu.memory_space<hbm>> -> memref<1x80xi32, #tpu.memory_space<hbm>>
      %dma_wait3A_253 = arith.constant 0 : i32
      %dma_wait3A_254 = arith.constant 0 : i32
      %dma_wait3A_255 = tpu.memref_slice %arg4[%add3A, %add3A_248, %dma_wait3A_253, %dma_wait3A_254] : memref<32x125x1x80xi32, #tpu.memory_space<hbm>> -> memref<1x1x1x80xi32, #tpu.memory_space<hbm>>
      %dma_wait3A_256 = tpu.memref_squeeze %dma_wait3A_255 : memref<1x1x1x80xi32, #tpu.memory_space<hbm>> -> memref<1x80xi32, #tpu.memory_space<hbm>>
      tpu.wait_dma2 semaphore(%arg16 : memref<!tpu.dma_semaphore, #tpu.memory_space<semaphore_mem>>) src(%dma_wait3A_256 : memref<1x80xi32, #tpu.memory_space<hbm>>) dst(%arg10 : memref<1x80xi32, #tpu.memory_space<vmem>>)
      %mul3A_257 = arith.constant 80 : i32
      %mul3A_258 = arith.muli %add3A_248, %mul3A_257 : i32
      %dma_wait3A_259 = tpu.memref_slice %arg7[%mul3A_258] : memref<10000xi32, #tpu.memory_space<vmem>> -> memref<80xi32, #tpu.memory_space<vmem>>
      %dma_wait3A_260 = arith.constant 0 : i32
      %dma_wait3A_261 = arith.constant 0 : i32
      %dma_wait3A_262 = tpu.memref_slice %arg2[%dma_wait3A_260, %dma_wait3A_261] : memref<10000x128xf32, #tpu.memory_space<hbm>> -> memref<10000x128xf32, #tpu.memory_space<hbm>>
      tpu.wait_indirect_dma semaphore(%arg16 : memref<!tpu.dma_semaphore, #tpu.memory_space<semaphore_mem>>) src(%dma_wait3A_262 : memref<10000x128xf32, #tpu.memory_space<hbm>>) dst(%arg13 : memref<80x128xf32, #tpu.memory_space<vmem>>)
      %run_scoped3A_263 = arith.constant 0 : i32
      "tpu.region"() ({
        %run_scoped3A_282 = tpu.sem_alloc : memref<!tpu.dma_semaphore, #tpu.memory_space<semaphore_mem>>
        %dma_start3A_283 = arith.constant 0 : i32
        %dma_start3A_284 = tpu.memref_slice %arg10[%run_scoped3A_263, %dma_start3A_283] : memref<1x80xi32, #tpu.memory_space<vmem>> -> memref<1x80xi32, #tpu.memory_space<vmem>>
        %dma_start3A_285 = tpu.memref_squeeze %dma_start3A_284 : memref<1x80xi32, #tpu.memory_space<vmem>> -> memref<80xi32, #tpu.memory_space<vmem>>
        %dma_start3A_286 = arith.constant 0 : i32
        %dma_start3A_287 = arith.constant 0 : i32
        %dma_start3A_288 = tpu.memref_slice %arg17[%dma_start3A_286, %dma_start3A_287] : memref<10112x128xf32, #tpu.memory_space<vmem_shared>> -> memref<10112x128xf32, #tpu.memory_space<vmem_shared>>
        tpu.enqueue_indirect_dma source(%arg13 : memref<80x128xf32, #tpu.memory_space<vmem>>) target(%dma_start3A_288 : memref<10112x128xf32, #tpu.memory_space<vmem_shared>>) offsets(%dma_start3A_285 : memref<80xi32, #tpu.memory_space<vmem>>) semaphore(%run_scoped3A_282 : memref<!tpu.dma_semaphore, #tpu.memory_space<semaphore_mem>>) {add = true}
        %dma_wait3A_289 = arith.constant 0 : i32
        %dma_wait3A_290 = tpu.memref_slice %arg10[%run_scoped3A_263, %dma_wait3A_289] : memref<1x80xi32, #tpu.memory_space<vmem>> -> memref<1x80xi32, #tpu.memory_space<vmem>>
        %dma_wait3A_291 = tpu.memref_squeeze %dma_wait3A_290 : memref<1x80xi32, #tpu.memory_space<vmem>> -> memref<80xi32, #tpu.memory_space<vmem>>
        %dma_wait3A_292 = arith.constant 0 : i32
        %dma_wait3A_293 = arith.constant 0 : i32
        %dma_wait3A_294 = tpu.memref_slice %arg17[%dma_wait3A_292, %dma_wait3A_293] : memref<10112x128xf32, #tpu.memory_space<vmem_shared>> -> memref<10112x128xf32, #tpu.memory_space<vmem_shared>>
        tpu.wait_indirect_dma semaphore(%run_scoped3A_282 : memref<!tpu.dma_semaphore, #tpu.memory_space<semaphore_mem>>) src(%arg13 : memref<80x128xf32, #tpu.memory_space<vmem>>) dst(%dma_wait3A_294 : memref<10112x128xf32, #tpu.memory_space<vmem_shared>>)
        tpu.yield
      }) : () -> ()
      %add3A_264 = arith.constant 2 : i32
      %add3A_265 = arith.addi %add3A_176, %add3A_264 : i32
      %add3A_266 = arith.constant 3 : i32
      %add3A_267 = arith.addi %add3A_265, %add3A_266 : i32
      %dma_start3A_268 = arith.constant 0 : i32
      %dma_start3A_269 = arith.constant 0 : i32
      %dma_start3A_270 = tpu.memref_slice %arg4[%add3A, %add3A_267, %dma_start3A_268, %dma_start3A_269] : memref<32x125x1x80xi32, #tpu.memory_space<hbm>> -> memref<1x1x1x80xi32, #tpu.memory_space<hbm>>
      %dma_start3A_271 = tpu.memref_squeeze %dma_start3A_270 : memref<1x1x1x80xi32, #tpu.memory_space<hbm>> -> memref<1x80xi32, #tpu.memory_space<hbm>>
      %dma_start3A_272 = arith.constant 0 : i32
      %dma_start3A_273 = arith.constant 0 : i32
      %dma_start3A_274 = tpu.memref_slice %arg4[%add3A, %add3A_267, %dma_start3A_272, %dma_start3A_273] : memref<32x125x1x80xi32, #tpu.memory_space<hbm>> -> memref<1x1x1x80xi32, #tpu.memory_space<hbm>>
      %dma_start3A_275 = tpu.memref_squeeze %dma_start3A_274 : memref<1x1x1x80xi32, #tpu.memory_space<hbm>> -> memref<1x80xi32, #tpu.memory_space<hbm>>
      tpu.enqueue_dma source(%dma_start3A_275 : memref<1x80xi32, #tpu.memory_space<hbm>>) target(%arg10 : memref<1x80xi32, #tpu.memory_space<vmem>>) target_semaphore(%arg16 : memref<!tpu.dma_semaphore, #tpu.memory_space<semaphore_mem>>)
      %mul3A_276 = arith.constant 80 : i32
      %mul3A_277 = arith.muli %add3A_267, %mul3A_276 : i32
      %dma_start3A_278 = tpu.memref_slice %arg7[%mul3A_277] : memref<10000xi32, #tpu.memory_space<vmem>> -> memref<80xi32, #tpu.memory_space<vmem>>
      %dma_start3A_279 = arith.constant 0 : i32
      %dma_start3A_280 = arith.constant 0 : i32
      %dma_start3A_281 = tpu.memref_slice %arg2[%dma_start3A_279, %dma_start3A_280] : memref<10000x128xf32, #tpu.memory_space<hbm>> -> memref<10000x128xf32, #tpu.memory_space<hbm>>
      tpu.enqueue_indirect_dma source(%dma_start3A_281 : memref<10000x128xf32, #tpu.memory_space<hbm>>) target(%arg13 : memref<80x128xf32, #tpu.memory_space<vmem>>) offsets(%dma_start3A_278 : memref<80xi32, #tpu.memory_space<vmem>>) semaphore(%arg16 : memref<!tpu.dma_semaphore, #tpu.memory_space<semaphore_mem>>)
    }
    %scan3A_68 = arith.constant 40 : i32
    %dma_wait3A_69 = arith.constant 120 : i32
    %dma_wait3A_70 = arith.constant 0 : i32
    %dma_wait3A_71 = arith.constant 0 : i32
    %dma_wait3A_72 = tpu.memref_slice %arg4[%add3A, %dma_wait3A_69, %dma_wait3A_70, %dma_wait3A_71] : memref<32x125x1x80xi32, #tpu.memory_space<hbm>> -> memref<1x1x1x80xi32, #tpu.memory_space<hbm>>
    %dma_wait3A_73 = tpu.memref_squeeze %dma_wait3A_72 : memref<1x1x1x80xi32, #tpu.memory_space<hbm>> -> memref<1x80xi32, #tpu.memory_space<hbm>>
    %dma_wait3A_74 = arith.constant 0 : i32
    %dma_wait3A_75 = arith.constant 0 : i32
    %dma_wait3A_76 = tpu.memref_slice %arg4[%add3A, %dma_wait3A_69, %dma_wait3A_74, %dma_wait3A_75] : memref<32x125x1x80xi32, #tpu.memory_space<hbm>> -> memref<1x1x1x80xi32, #tpu.memory_space<hbm>>
    %dma_wait3A_77 = tpu.memref_squeeze %dma_wait3A_76 : memref<1x1x1x80xi32, #tpu.memory_space<hbm>> -> memref<1x80xi32, #tpu.memory_space<hbm>>
    tpu.wait_dma2 semaphore(%arg14 : memref<!tpu.dma_semaphore, #tpu.memory_space<semaphore_mem>>) src(%dma_wait3A_77 : memref<1x80xi32, #tpu.memory_space<hbm>>) dst(%arg8 : memref<1x80xi32, #tpu.memory_space<vmem>>)
    %dma_wait3A_78 = arith.constant 9600 : i32
    %dma_wait3A_79 = tpu.memref_slice %arg7[%dma_wait3A_78] : memref<10000xi32, #tpu.memory_space<vmem>> -> memref<80xi32, #tpu.memory_space<vmem>>
    %dma_wait3A_80 = arith.constant 0 : i32
    %dma_wait3A_81 = arith.constant 0 : i32
    %dma_wait3A_82 = tpu.memref_slice %arg2[%dma_wait3A_80, %dma_wait3A_81] : memref<10000x128xf32, #tpu.memory_space<hbm>> -> memref<10000x128xf32, #tpu.memory_space<hbm>>
    tpu.wait_indirect_dma semaphore(%arg14 : memref<!tpu.dma_semaphore, #tpu.memory_space<semaphore_mem>>) src(%dma_wait3A_82 : memref<10000x128xf32, #tpu.memory_space<hbm>>) dst(%arg11 : memref<80x128xf32, #tpu.memory_space<vmem>>)
    %run_scoped3A = arith.constant 0 : i32
    "tpu.region"() ({
      %run_scoped3A_172 = tpu.sem_alloc : memref<!tpu.dma_semaphore, #tpu.memory_space<semaphore_mem>>
      %dma_start3A_173 = arith.constant 0 : i32
      %dma_start3A_174 = tpu.memref_slice %arg8[%run_scoped3A, %dma_start3A_173] : memref<1x80xi32, #tpu.memory_space<vmem>> -> memref<1x80xi32, #tpu.memory_space<vmem>>
      %dma_start3A_175 = tpu.memref_squeeze %dma_start3A_174 : memref<1x80xi32, #tpu.memory_space<vmem>> -> memref<80xi32, #tpu.memory_space<vmem>>
      %dma_start3A_176 = arith.constant 0 : i32
      %dma_start3A_177 = arith.constant 0 : i32
      %dma_start3A_178 = tpu.memref_slice %arg17[%dma_start3A_176, %dma_start3A_177] : memref<10112x128xf32, #tpu.memory_space<vmem_shared>> -> memref<10112x128xf32, #tpu.memory_space<vmem_shared>>
      tpu.enqueue_indirect_dma source(%arg11 : memref<80x128xf32, #tpu.memory_space<vmem>>) target(%dma_start3A_178 : memref<10112x128xf32, #tpu.memory_space<vmem_shared>>) offsets(%dma_start3A_175 : memref<80xi32, #tpu.memory_space<vmem>>) semaphore(%run_scoped3A_172 : memref<!tpu.dma_semaphore, #tpu.memory_space<semaphore_mem>>) {add = true}
      %dma_wait3A_179 = arith.constant 0 : i32
      %dma_wait3A_180 = tpu.memref_slice %arg8[%run_scoped3A, %dma_wait3A_179] : memref<1x80xi32, #tpu.memory_space<vmem>> -> memref<1x80xi32, #tpu.memory_space<vmem>>
      %dma_wait3A_181 = tpu.memref_squeeze %dma_wait3A_180 : memref<1x80xi32, #tpu.memory_space<vmem>> -> memref<80xi32, #tpu.memory_space<vmem>>
      %dma_wait3A_182 = arith.constant 0 : i32
      %dma_wait3A_183 = arith.constant 0 : i32
      %dma_wait3A_184 = tpu.memref_slice %arg17[%dma_wait3A_182, %dma_wait3A_183] : memref<10112x128xf32, #tpu.memory_space<vmem_shared>> -> memref<10112x128xf32, #tpu.memory_space<vmem_shared>>
      tpu.wait_indirect_dma semaphore(%run_scoped3A_172 : memref<!tpu.dma_semaphore, #tpu.memory_space<semaphore_mem>>) src(%arg11 : memref<80x128xf32, #tpu.memory_space<vmem>>) dst(%dma_wait3A_184 : memref<10112x128xf32, #tpu.memory_space<vmem_shared>>)
      tpu.yield
    }) : () -> ()
    %dma_start3A_83 = arith.constant 123 : i32
    %dma_start3A_84 = arith.constant 0 : i32
    %dma_start3A_85 = arith.constant 0 : i32
    %dma_start3A_86 = tpu.memref_slice %arg4[%add3A, %dma_start3A_83, %dma_start3A_84, %dma_start3A_85] : memref<32x125x1x80xi32, #tpu.memory_space<hbm>> -> memref<1x1x1x80xi32, #tpu.memory_space<hbm>>
    %dma_start3A_87 = tpu.memref_squeeze %dma_start3A_86 : memref<1x1x1x80xi32, #tpu.memory_space<hbm>> -> memref<1x80xi32, #tpu.memory_space<hbm>>
    %dma_start3A_88 = arith.constant 0 : i32
    %dma_start3A_89 = arith.constant 0 : i32
    %dma_start3A_90 = tpu.memref_slice %arg4[%add3A, %dma_start3A_83, %dma_start3A_88, %dma_start3A_89] : memref<32x125x1x80xi32, #tpu.memory_space<hbm>> -> memref<1x1x1x80xi32, #tpu.memory_space<hbm>>
    %dma_start3A_91 = tpu.memref_squeeze %dma_start3A_90 : memref<1x1x1x80xi32, #tpu.memory_space<hbm>> -> memref<1x80xi32, #tpu.memory_space<hbm>>
    tpu.enqueue_dma source(%dma_start3A_91 : memref<1x80xi32, #tpu.memory_space<hbm>>) target(%arg8 : memref<1x80xi32, #tpu.memory_space<vmem>>) target_semaphore(%arg14 : memref<!tpu.dma_semaphore, #tpu.memory_space<semaphore_mem>>)
    %dma_start3A_92 = arith.constant 9840 : i32
    %dma_start3A_93 = tpu.memref_slice %arg7[%dma_start3A_92] : memref<10000xi32, #tpu.memory_space<vmem>> -> memref<80xi32, #tpu.memory_space<vmem>>
    %dma_start3A_94 = arith.constant 0 : i32
    %dma_start3A_95 = arith.constant 0 : i32
    %dma_start3A_96 = tpu.memref_slice %arg2[%dma_start3A_94, %dma_start3A_95] : memref<10000x128xf32, #tpu.memory_space<hbm>> -> memref<10000x128xf32, #tpu.memory_space<hbm>>
    tpu.enqueue_indirect_dma source(%dma_start3A_96 : memref<10000x128xf32, #tpu.memory_space<hbm>>) target(%arg11 : memref<80x128xf32, #tpu.memory_space<vmem>>) offsets(%dma_start3A_93 : memref<80xi32, #tpu.memory_space<vmem>>) semaphore(%arg14 : memref<!tpu.dma_semaphore, #tpu.memory_space<semaphore_mem>>)
    %dma_wait3A_97 = arith.constant 121 : i32
    %dma_wait3A_98 = arith.constant 0 : i32
    %dma_wait3A_99 = arith.constant 0 : i32
    %dma_wait3A_100 = tpu.memref_slice %arg4[%add3A, %dma_wait3A_97, %dma_wait3A_98, %dma_wait3A_99] : memref<32x125x1x80xi32, #tpu.memory_space<hbm>> -> memref<1x1x1x80xi32, #tpu.memory_space<hbm>>
    %dma_wait3A_101 = tpu.memref_squeeze %dma_wait3A_100 : memref<1x1x1x80xi32, #tpu.memory_space<hbm>> -> memref<1x80xi32, #tpu.memory_space<hbm>>
    %dma_wait3A_102 = arith.constant 0 : i32
    %dma_wait3A_103 = arith.constant 0 : i32
    %dma_wait3A_104 = tpu.memref_slice %arg4[%add3A, %dma_wait3A_97, %dma_wait3A_102, %dma_wait3A_103] : memref<32x125x1x80xi32, #tpu.memory_space<hbm>> -> memref<1x1x1x80xi32, #tpu.memory_space<hbm>>
    %dma_wait3A_105 = tpu.memref_squeeze %dma_wait3A_104 : memref<1x1x1x80xi32, #tpu.memory_space<hbm>> -> memref<1x80xi32, #tpu.memory_space<hbm>>
    tpu.wait_dma2 semaphore(%arg15 : memref<!tpu.dma_semaphore, #tpu.memory_space<semaphore_mem>>) src(%dma_wait3A_105 : memref<1x80xi32, #tpu.memory_space<hbm>>) dst(%arg9 : memref<1x80xi32, #tpu.memory_space<vmem>>)
    %dma_wait3A_106 = arith.constant 9680 : i32
    %dma_wait3A_107 = tpu.memref_slice %arg7[%dma_wait3A_106] : memref<10000xi32, #tpu.memory_space<vmem>> -> memref<80xi32, #tpu.memory_space<vmem>>
    %dma_wait3A_108 = arith.constant 0 : i32
    %dma_wait3A_109 = arith.constant 0 : i32
    %dma_wait3A_110 = tpu.memref_slice %arg2[%dma_wait3A_108, %dma_wait3A_109] : memref<10000x128xf32, #tpu.memory_space<hbm>> -> memref<10000x128xf32, #tpu.memory_space<hbm>>
    tpu.wait_indirect_dma semaphore(%arg15 : memref<!tpu.dma_semaphore, #tpu.memory_space<semaphore_mem>>) src(%dma_wait3A_110 : memref<10000x128xf32, #tpu.memory_space<hbm>>) dst(%arg12 : memref<80x128xf32, #tpu.memory_space<vmem>>)
    %run_scoped3A_111 = arith.constant 0 : i32
    "tpu.region"() ({
      %run_scoped3A_172 = tpu.sem_alloc : memref<!tpu.dma_semaphore, #tpu.memory_space<semaphore_mem>>
      %dma_start3A_173 = arith.constant 0 : i32
      %dma_start3A_174 = tpu.memref_slice %arg9[%run_scoped3A_111, %dma_start3A_173] : memref<1x80xi32, #tpu.memory_space<vmem>> -> memref<1x80xi32, #tpu.memory_space<vmem>>
      %dma_start3A_175 = tpu.memref_squeeze %dma_start3A_174 : memref<1x80xi32, #tpu.memory_space<vmem>> -> memref<80xi32, #tpu.memory_space<vmem>>
      %dma_start3A_176 = arith.constant 0 : i32
      %dma_start3A_177 = arith.constant 0 : i32
      %dma_start3A_178 = tpu.memref_slice %arg17[%dma_start3A_176, %dma_start3A_177] : memref<10112x128xf32, #tpu.memory_space<vmem_shared>> -> memref<10112x128xf32, #tpu.memory_space<vmem_shared>>
      tpu.enqueue_indirect_dma source(%arg12 : memref<80x128xf32, #tpu.memory_space<vmem>>) target(%dma_start3A_178 : memref<10112x128xf32, #tpu.memory_space<vmem_shared>>) offsets(%dma_start3A_175 : memref<80xi32, #tpu.memory_space<vmem>>) semaphore(%run_scoped3A_172 : memref<!tpu.dma_semaphore, #tpu.memory_space<semaphore_mem>>) {add = true}
      %dma_wait3A_179 = arith.constant 0 : i32
      %dma_wait3A_180 = tpu.memref_slice %arg9[%run_scoped3A_111, %dma_wait3A_179] : memref<1x80xi32, #tpu.memory_space<vmem>> -> memref<1x80xi32, #tpu.memory_space<vmem>>
      %dma_wait3A_181 = tpu.memref_squeeze %dma_wait3A_180 : memref<1x80xi32, #tpu.memory_space<vmem>> -> memref<80xi32, #tpu.memory_space<vmem>>
      %dma_wait3A_182 = arith.constant 0 : i32
      %dma_wait3A_183 = arith.constant 0 : i32
      %dma_wait3A_184 = tpu.memref_slice %arg17[%dma_wait3A_182, %dma_wait3A_183] : memref<10112x128xf32, #tpu.memory_space<vmem_shared>> -> memref<10112x128xf32, #tpu.memory_space<vmem_shared>>
      tpu.wait_indirect_dma semaphore(%run_scoped3A_172 : memref<!tpu.dma_semaphore, #tpu.memory_space<semaphore_mem>>) src(%arg12 : memref<80x128xf32, #tpu.memory_space<vmem>>) dst(%dma_wait3A_184 : memref<10112x128xf32, #tpu.memory_space<vmem_shared>>)
      tpu.yield
    }) : () -> ()
    %dma_start3A_112 = arith.constant 124 : i32
    %dma_start3A_113 = arith.constant 0 : i32
    %dma_start3A_114 = arith.constant 0 : i32
    %dma_start3A_115 = tpu.memref_slice %arg4[%add3A, %dma_start3A_112, %dma_start3A_113, %dma_start3A_114] : memref<32x125x1x80xi32, #tpu.memory_space<hbm>> -> memref<1x1x1x80xi32, #tpu.memory_space<hbm>>
    %dma_start3A_116 = tpu.memref_squeeze %dma_start3A_115 : memref<1x1x1x80xi32, #tpu.memory_space<hbm>> -> memref<1x80xi32, #tpu.memory_space<hbm>>
    %dma_start3A_117 = arith.constant 0 : i32
    %dma_start3A_118 = arith.constant 0 : i32
    %dma_start3A_119 = tpu.memref_slice %arg4[%add3A, %dma_start3A_112, %dma_start3A_117, %dma_start3A_118] : memref<32x125x1x80xi32, #tpu.memory_space<hbm>> -> memref<1x1x1x80xi32, #tpu.memory_space<hbm>>
    %dma_start3A_120 = tpu.memref_squeeze %dma_start3A_119 : memref<1x1x1x80xi32, #tpu.memory_space<hbm>> -> memref<1x80xi32, #tpu.memory_space<hbm>>
    tpu.enqueue_dma source(%dma_start3A_120 : memref<1x80xi32, #tpu.memory_space<hbm>>) target(%arg9 : memref<1x80xi32, #tpu.memory_space<vmem>>) target_semaphore(%arg15 : memref<!tpu.dma_semaphore, #tpu.memory_space<semaphore_mem>>)
    %dma_start3A_121 = arith.constant 9920 : i32
    %dma_start3A_122 = tpu.memref_slice %arg7[%dma_start3A_121] : memref<10000xi32, #tpu.memory_space<vmem>> -> memref<80xi32, #tpu.memory_space<vmem>>
    %dma_start3A_123 = arith.constant 0 : i32
    %dma_start3A_124 = arith.constant 0 : i32
    %dma_start3A_125 = tpu.memref_slice %arg2[%dma_start3A_123, %dma_start3A_124] : memref<10000x128xf32, #tpu.memory_space<hbm>> -> memref<10000x128xf32, #tpu.memory_space<hbm>>
    tpu.enqueue_indirect_dma source(%dma_start3A_125 : memref<10000x128xf32, #tpu.memory_space<hbm>>) target(%arg12 : memref<80x128xf32, #tpu.memory_space<vmem>>) offsets(%dma_start3A_122 : memref<80xi32, #tpu.memory_space<vmem>>) semaphore(%arg15 : memref<!tpu.dma_semaphore, #tpu.memory_space<semaphore_mem>>)
    %dma_wait3A_126 = arith.constant 122 : i32
    %dma_wait3A_127 = arith.constant 0 : i32
    %dma_wait3A_128 = arith.constant 0 : i32
    %dma_wait3A_129 = tpu.memref_slice %arg4[%add3A, %dma_wait3A_126, %dma_wait3A_127, %dma_wait3A_128] : memref<32x125x1x80xi32, #tpu.memory_space<hbm>> -> memref<1x1x1x80xi32, #tpu.memory_space<hbm>>
    %dma_wait3A_130 = tpu.memref_squeeze %dma_wait3A_129 : memref<1x1x1x80xi32, #tpu.memory_space<hbm>> -> memref<1x80xi32, #tpu.memory_space<hbm>>
    %dma_wait3A_131 = arith.constant 0 : i32
    %dma_wait3A_132 = arith.constant 0 : i32
    %dma_wait3A_133 = tpu.memref_slice %arg4[%add3A, %dma_wait3A_126, %dma_wait3A_131, %dma_wait3A_132] : memref<32x125x1x80xi32, #tpu.memory_space<hbm>> -> memref<1x1x1x80xi32, #tpu.memory_space<hbm>>
    %dma_wait3A_134 = tpu.memref_squeeze %dma_wait3A_133 : memref<1x1x1x80xi32, #tpu.memory_space<hbm>> -> memref<1x80xi32, #tpu.memory_space<hbm>>
    tpu.wait_dma2 semaphore(%arg16 : memref<!tpu.dma_semaphore, #tpu.memory_space<semaphore_mem>>) src(%dma_wait3A_134 : memref<1x80xi32, #tpu.memory_space<hbm>>) dst(%arg10 : memref<1x80xi32, #tpu.memory_space<vmem>>)
    %dma_wait3A_135 = arith.constant 9760 : i32
    %dma_wait3A_136 = tpu.memref_slice %arg7[%dma_wait3A_135] : memref<10000xi32, #tpu.memory_space<vmem>> -> memref<80xi32, #tpu.memory_space<vmem>>
    %dma_wait3A_137 = arith.constant 0 : i32
    %dma_wait3A_138 = arith.constant 0 : i32
    %dma_wait3A_139 = tpu.memref_slice %arg2[%dma_wait3A_137, %dma_wait3A_138] : memref<10000x128xf32, #tpu.memory_space<hbm>> -> memref<10000x128xf32, #tpu.memory_space<hbm>>
    tpu.wait_indirect_dma semaphore(%arg16 : memref<!tpu.dma_semaphore, #tpu.memory_space<semaphore_mem>>) src(%dma_wait3A_139 : memref<10000x128xf32, #tpu.memory_space<hbm>>) dst(%arg13 : memref<80x128xf32, #tpu.memory_space<vmem>>)
    %run_scoped3A_140 = arith.constant 0 : i32
    "tpu.region"() ({
      %run_scoped3A_172 = tpu.sem_alloc : memref<!tpu.dma_semaphore, #tpu.memory_space<semaphore_mem>>
      %dma_start3A_173 = arith.constant 0 : i32
      %dma_start3A_174 = tpu.memref_slice %arg10[%run_scoped3A_140, %dma_start3A_173] : memref<1x80xi32, #tpu.memory_space<vmem>> -> memref<1x80xi32, #tpu.memory_space<vmem>>
      %dma_start3A_175 = tpu.memref_squeeze %dma_start3A_174 : memref<1x80xi32, #tpu.memory_space<vmem>> -> memref<80xi32, #tpu.memory_space<vmem>>
      %dma_start3A_176 = arith.constant 0 : i32
      %dma_start3A_177 = arith.constant 0 : i32
      %dma_start3A_178 = tpu.memref_slice %arg17[%dma_start3A_176, %dma_start3A_177] : memref<10112x128xf32, #tpu.memory_space<vmem_shared>> -> memref<10112x128xf32, #tpu.memory_space<vmem_shared>>
      tpu.enqueue_indirect_dma source(%arg13 : memref<80x128xf32, #tpu.memory_space<vmem>>) target(%dma_start3A_178 : memref<10112x128xf32, #tpu.memory_space<vmem_shared>>) offsets(%dma_start3A_175 : memref<80xi32, #tpu.memory_space<vmem>>) semaphore(%run_scoped3A_172 : memref<!tpu.dma_semaphore, #tpu.memory_space<semaphore_mem>>) {add = true}
      %dma_wait3A_179 = arith.constant 0 : i32
      %dma_wait3A_180 = tpu.memref_slice %arg10[%run_scoped3A_140, %dma_wait3A_179] : memref<1x80xi32, #tpu.memory_space<vmem>> -> memref<1x80xi32, #tpu.memory_space<vmem>>
      %dma_wait3A_181 = tpu.memref_squeeze %dma_wait3A_180 : memref<1x80xi32, #tpu.memory_space<vmem>> -> memref<80xi32, #tpu.memory_space<vmem>>
      %dma_wait3A_182 = arith.constant 0 : i32
      %dma_wait3A_183 = arith.constant 0 : i32
      %dma_wait3A_184 = tpu.memref_slice %arg17[%dma_wait3A_182, %dma_wait3A_183] : memref<10112x128xf32, #tpu.memory_space<vmem_shared>> -> memref<10112x128xf32, #tpu.memory_space<vmem_shared>>
      tpu.wait_indirect_dma semaphore(%run_scoped3A_172 : memref<!tpu.dma_semaphore, #tpu.memory_space<semaphore_mem>>) src(%arg13 : memref<80x128xf32, #tpu.memory_space<vmem>>) dst(%dma_wait3A_184 : memref<10112x128xf32, #tpu.memory_space<vmem_shared>>)
      tpu.yield
    }) : () -> ()
    %dma_wait3A_141 = arith.constant 123 : i32
    %dma_wait3A_142 = arith.constant 0 : i32
    %dma_wait3A_143 = arith.constant 0 : i32
    %dma_wait3A_144 = tpu.memref_slice %arg4[%add3A, %dma_wait3A_141, %dma_wait3A_142, %dma_wait3A_143] : memref<32x125x1x80xi32, #tpu.memory_space<hbm>> -> memref<1x1x1x80xi32, #tpu.memory_space<hbm>>
    %dma_wait3A_145 = tpu.memref_squeeze %dma_wait3A_144 : memref<1x1x1x80xi32, #tpu.memory_space<hbm>> -> memref<1x80xi32, #tpu.memory_space<hbm>>
    %dma_wait3A_146 = arith.constant 0 : i32
    %dma_wait3A_147 = arith.constant 0 : i32
    %dma_wait3A_148 = tpu.memref_slice %arg4[%add3A, %dma_wait3A_141, %dma_wait3A_146, %dma_wait3A_147] : memref<32x125x1x80xi32, #tpu.memory_space<hbm>> -> memref<1x1x1x80xi32, #tpu.memory_space<hbm>>
    %dma_wait3A_149 = tpu.memref_squeeze %dma_wait3A_148 : memref<1x1x1x80xi32, #tpu.memory_space<hbm>> -> memref<1x80xi32, #tpu.memory_space<hbm>>
    tpu.wait_dma2 semaphore(%arg14 : memref<!tpu.dma_semaphore, #tpu.memory_space<semaphore_mem>>) src(%dma_wait3A_149 : memref<1x80xi32, #tpu.memory_space<hbm>>) dst(%arg8 : memref<1x80xi32, #tpu.memory_space<vmem>>)
    %dma_wait3A_150 = arith.constant 9840 : i32
    %dma_wait3A_151 = tpu.memref_slice %arg7[%dma_wait3A_150] : memref<10000xi32, #tpu.memory_space<vmem>> -> memref<80xi32, #tpu.memory_space<vmem>>
    %dma_wait3A_152 = arith.constant 0 : i32
    %dma_wait3A_153 = arith.constant 0 : i32
    %dma_wait3A_154 = tpu.memref_slice %arg2[%dma_wait3A_152, %dma_wait3A_153] : memref<10000x128xf32, #tpu.memory_space<hbm>> -> memref<10000x128xf32, #tpu.memory_space<hbm>>
    tpu.wait_indirect_dma semaphore(%arg14 : memref<!tpu.dma_semaphore, #tpu.memory_space<semaphore_mem>>) src(%dma_wait3A_154 : memref<10000x128xf32, #tpu.memory_space<hbm>>) dst(%arg11 : memref<80x128xf32, #tpu.memory_space<vmem>>)
    %run_scoped3A_155 = arith.constant 0 : i32
    "tpu.region"() ({
      %run_scoped3A_172 = tpu.sem_alloc : memref<!tpu.dma_semaphore, #tpu.memory_space<semaphore_mem>>
      %dma_start3A_173 = arith.constant 0 : i32
      %dma_start3A_174 = tpu.memref_slice %arg8[%run_scoped3A_155, %dma_start3A_173] : memref<1x80xi32, #tpu.memory_space<vmem>> -> memref<1x80xi32, #tpu.memory_space<vmem>>
      %dma_start3A_175 = tpu.memref_squeeze %dma_start3A_174 : memref<1x80xi32, #tpu.memory_space<vmem>> -> memref<80xi32, #tpu.memory_space<vmem>>
      %dma_start3A_176 = arith.constant 0 : i32
      %dma_start3A_177 = arith.constant 0 : i32
      %dma_start3A_178 = tpu.memref_slice %arg17[%dma_start3A_176, %dma_start3A_177] : memref<10112x128xf32, #tpu.memory_space<vmem_shared>> -> memref<10112x128xf32, #tpu.memory_space<vmem_shared>>
      tpu.enqueue_indirect_dma source(%arg11 : memref<80x128xf32, #tpu.memory_space<vmem>>) target(%dma_start3A_178 : memref<10112x128xf32, #tpu.memory_space<vmem_shared>>) offsets(%dma_start3A_175 : memref<80xi32, #tpu.memory_space<vmem>>) semaphore(%run_scoped3A_172 : memref<!tpu.dma_semaphore, #tpu.memory_space<semaphore_mem>>) {add = true}
      %dma_wait3A_179 = arith.constant 0 : i32
      %dma_wait3A_180 = tpu.memref_slice %arg8[%run_scoped3A_155, %dma_wait3A_179] : memref<1x80xi32, #tpu.memory_space<vmem>> -> memref<1x80xi32, #tpu.memory_space<vmem>>
      %dma_wait3A_181 = tpu.memref_squeeze %dma_wait3A_180 : memref<1x80xi32, #tpu.memory_space<vmem>> -> memref<80xi32, #tpu.memory_space<vmem>>
      %dma_wait3A_182 = arith.constant 0 : i32
      %dma_wait3A_183 = arith.constant 0 : i32
      %dma_wait3A_184 = tpu.memref_slice %arg17[%dma_wait3A_182, %dma_wait3A_183] : memref<10112x128xf32, #tpu.memory_space<vmem_shared>> -> memref<10112x128xf32, #tpu.memory_space<vmem_shared>>
      tpu.wait_indirect_dma semaphore(%run_scoped3A_172 : memref<!tpu.dma_semaphore, #tpu.memory_space<semaphore_mem>>) src(%arg11 : memref<80x128xf32, #tpu.memory_space<vmem>>) dst(%dma_wait3A_184 : memref<10112x128xf32, #tpu.memory_space<vmem_shared>>)
      tpu.yield
    }) : () -> ()
    %dma_wait3A_156 = arith.constant 124 : i32
    %dma_wait3A_157 = arith.constant 0 : i32
    %dma_wait3A_158 = arith.constant 0 : i32
    %dma_wait3A_159 = tpu.memref_slice %arg4[%add3A, %dma_wait3A_156, %dma_wait3A_157, %dma_wait3A_158] : memref<32x125x1x80xi32, #tpu.memory_space<hbm>> -> memref<1x1x1x80xi32, #tpu.memory_space<hbm>>
    %dma_wait3A_160 = tpu.memref_squeeze %dma_wait3A_159 : memref<1x1x1x80xi32, #tpu.memory_space<hbm>> -> memref<1x80xi32, #tpu.memory_space<hbm>>
    %dma_wait3A_161 = arith.constant 0 : i32
    %dma_wait3A_162 = arith.constant 0 : i32
    %dma_wait3A_163 = tpu.memref_slice %arg4[%add3A, %dma_wait3A_156, %dma_wait3A_161, %dma_wait3A_162] : memref<32x125x1x80xi32, #tpu.memory_space<hbm>> -> memref<1x1x1x80xi32, #tpu.memory_space<hbm>>
    %dma_wait3A_164 = tpu.memref_squeeze %dma_wait3A_163 : memref<1x1x1x80xi32, #tpu.memory_space<hbm>> -> memref<1x80xi32, #tpu.memory_space<hbm>>
    tpu.wait_dma2 semaphore(%arg15 : memref<!tpu.dma_semaphore, #tpu.memory_space<semaphore_mem>>) src(%dma_wait3A_164 : memref<1x80xi32, #tpu.memory_space<hbm>>) dst(%arg9 : memref<1x80xi32, #tpu.memory_space<vmem>>)
    %dma_wait3A_165 = arith.constant 9920 : i32
    %dma_wait3A_166 = tpu.memref_slice %arg7[%dma_wait3A_165] : memref<10000xi32, #tpu.memory_space<vmem>> -> memref<80xi32, #tpu.memory_space<vmem>>
    %dma_wait3A_167 = arith.constant 0 : i32
    %dma_wait3A_168 = arith.constant 0 : i32
    %dma_wait3A_169 = tpu.memref_slice %arg2[%dma_wait3A_167, %dma_wait3A_168] : memref<10000x128xf32, #tpu.memory_space<hbm>> -> memref<10000x128xf32, #tpu.memory_space<hbm>>
    tpu.wait_indirect_dma semaphore(%arg15 : memref<!tpu.dma_semaphore, #tpu.memory_space<semaphore_mem>>) src(%dma_wait3A_169 : memref<10000x128xf32, #tpu.memory_space<hbm>>) dst(%arg12 : memref<80x128xf32, #tpu.memory_space<vmem>>)
    %run_scoped3A_170 = arith.constant 0 : i32
    "tpu.region"() ({
      %run_scoped3A_172 = tpu.sem_alloc : memref<!tpu.dma_semaphore, #tpu.memory_space<semaphore_mem>>
      %dma_start3A_173 = arith.constant 0 : i32
      %dma_start3A_174 = tpu.memref_slice %arg9[%run_scoped3A_170, %dma_start3A_173] : memref<1x80xi32, #tpu.memory_space<vmem>> -> memref<1x80xi32, #tpu.memory_space<vmem>>
      %dma_start3A_175 = tpu.memref_squeeze %dma_start3A_174 : memref<1x80xi32, #tpu.memory_space<vmem>> -> memref<80xi32, #tpu.memory_space<vmem>>
      %dma_start3A_176 = arith.constant 0 : i32
      %dma_start3A_177 = arith.constant 0 : i32
      %dma_start3A_178 = tpu.memref_slice %arg17[%dma_start3A_176, %dma_start3A_177] : memref<10112x128xf32, #tpu.memory_space<vmem_shared>> -> memref<10112x128xf32, #tpu.memory_space<vmem_shared>>
      tpu.enqueue_indirect_dma source(%arg12 : memref<80x128xf32, #tpu.memory_space<vmem>>) target(%dma_start3A_178 : memref<10112x128xf32, #tpu.memory_space<vmem_shared>>) offsets(%dma_start3A_175 : memref<80xi32, #tpu.memory_space<vmem>>) semaphore(%run_scoped3A_172 : memref<!tpu.dma_semaphore, #tpu.memory_space<semaphore_mem>>) {add = true}
      %dma_wait3A_179 = arith.constant 0 : i32
      %dma_wait3A_180 = tpu.memref_slice %arg9[%run_scoped3A_170, %dma_wait3A_179] : memref<1x80xi32, #tpu.memory_space<vmem>> -> memref<1x80xi32, #tpu.memory_space<vmem>>
      %dma_wait3A_181 = tpu.memref_squeeze %dma_wait3A_180 : memref<1x80xi32, #tpu.memory_space<vmem>> -> memref<80xi32, #tpu.memory_space<vmem>>
      %dma_wait3A_182 = arith.constant 0 : i32
      %dma_wait3A_183 = arith.constant 0 : i32
      %dma_wait3A_184 = tpu.memref_slice %arg17[%dma_wait3A_182, %dma_wait3A_183] : memref<10112x128xf32, #tpu.memory_space<vmem_shared>> -> memref<10112x128xf32, #tpu.memory_space<vmem_shared>>
      tpu.wait_indirect_dma semaphore(%run_scoped3A_172 : memref<!tpu.dma_semaphore, #tpu.memory_space<semaphore_mem>>) src(%arg12 : memref<80x128xf32, #tpu.memory_space<vmem>>) dst(%dma_wait3A_184 : memref<10112x128xf32, #tpu.memory_space<vmem_shared>>)
      tpu.yield
    }) : () -> ()
    %barrier3A_171 = arith.constant 0 : index
    tpu.barrier barrier_id(%barrier3A_171)
    "tpu.region"() ({
      %run_scoped3A_172 = tpu.sem_alloc : memref<!tpu.dma_semaphore, #tpu.memory_space<semaphore_mem>>
      %dma_start3A_173 = arith.constant 0 : i32
      %dma_start3A_174 = tpu.memref_slice %arg6[%arg0, %mul3A_2, %dma_start3A_173] : memref<2x10112x128xf32, #tpu.memory_space<hbm>> -> memref<1x632x128xf32, #tpu.memory_space<hbm>>
      %dma_start3A_175 = tpu.memref_squeeze %dma_start3A_174 : memref<1x632x128xf32, #tpu.memory_space<hbm>> -> memref<632x128xf32, #tpu.memory_space<hbm>>
      %dma_start3A_176 = arith.constant 0 : i32
      %dma_start3A_177 = tpu.memref_slice %arg17[%mul3A_2, %dma_start3A_176] : memref<10112x128xf32, #tpu.memory_space<vmem_shared>> -> memref<632x128xf32, #tpu.memory_space<vmem_shared>>
      tpu.enqueue_dma source(%dma_start3A_177 : memref<632x128xf32, #tpu.memory_space<vmem_shared>>) target(%dma_start3A_175 : memref<632x128xf32, #tpu.memory_space<hbm>>) target_semaphore(%run_scoped3A_172 : memref<!tpu.dma_semaphore, #tpu.memory_space<semaphore_mem>>)
      %dma_wait3A_178 = arith.constant 0 : i32
      %dma_wait3A_179 = tpu.memref_slice %arg6[%arg0, %mul3A_2, %dma_wait3A_178] : memref<2x10112x128xf32, #tpu.memory_space<hbm>> -> memref<1x632x128xf32, #tpu.memory_space<hbm>>
      %dma_wait3A_180 = tpu.memref_squeeze %dma_wait3A_179 : memref<1x632x128xf32, #tpu.memory_space<hbm>> -> memref<632x128xf32, #tpu.memory_space<hbm>>
      %dma_wait3A_181 = arith.constant 0 : i32
      %dma_wait3A_182 = tpu.memref_slice %arg17[%mul3A_2, %dma_wait3A_181] : memref<10112x128xf32, #tpu.memory_space<vmem_shared>> -> memref<632x128xf32, #tpu.memory_space<vmem_shared>>
      tpu.wait_dma2 semaphore(%run_scoped3A_172 : memref<!tpu.dma_semaphore, #tpu.memory_space<semaphore_mem>>) src(%dma_wait3A_182 : memref<632x128xf32, #tpu.memory_space<vmem_shared>>) dst(%dma_wait3A_180 : memref<632x128xf32, #tpu.memory_space<hbm>>)
      tpu.yield
    }) : () -> ()
    return
  }
}

#map = affine_map<(d0, d1) -> (0, 0)>
#map1 = affine_map<(d0, d1) -> (0, 0, 0)>
#map2 = affine_map<(d0, d1) -> (0, 0, 0, 0)>
module attributes {stable_mosaic.version = 14 : i64} {
  func.func @_agg_body(%arg0: i32, %arg1: i32, %arg2: memref<10000x128xf32, #tpu.memory_space<hbm>>, %arg3: memref<32x1x10000xi32, #tpu.memory_space<hbm>>, %arg4: memref<32x125x1x80xi32, #tpu.memory_space<hbm>>, %arg5: memref<10112x128xf32, #tpu.memory_space<hbm>>, %arg6: memref<2x10112x128xf32, #tpu.memory_space<hbm>>, %arg7: memref<10000xi32, #tpu.memory_space<vmem>>, %arg8: memref<1x80xi32, #tpu.memory_space<vmem>>, %arg9: memref<1x80xi32, #tpu.memory_space<vmem>>, %arg10: memref<1x80xi32, #tpu.memory_space<vmem>>, %arg11: memref<80x128xf32, #tpu.memory_space<vmem>>, %arg12: memref<80x128xf32, #tpu.memory_space<vmem>>, %arg13: memref<80x128xf32, #tpu.memory_space<vmem>>, %arg14: memref<!tpu.dma_semaphore, #tpu.memory_space<semaphore_mem>>, %arg15: memref<!tpu.dma_semaphore, #tpu.memory_space<semaphore_mem>>, %arg16: memref<!tpu.dma_semaphore, #tpu.memory_space<semaphore_mem>>, %arg17: memref<10112x128xf32, #tpu.memory_space<vmem_shared>>) attributes {dimension_semantics = [#tpu.dimension_semantics<core_parallel>, #tpu.dimension_semantics<subcore_parallel>], iteration_bounds = array<i64: 2, 16>, scalar_prefetch = 0 : i64, scratch_operands = 11 : i64, tpu.core_type = #tpu.core_type<sc_vector_subcore>, window_params = [{transform_indices = #map}, {transform_indices = #map1}, {transform_indices = #map2}, {transform_indices = #map}, {transform_indices = #map1}]} {
    %mul3A = arith.constant 16 : i32
    %mul3A_0 = arith.muli %arg0, %mul3A : i32
    %add3A = arith.addi %mul3A_0, %arg1 : i32
    %mul3A_1 = arith.constant 632 : i32
    %mul3A_2 = arith.muli %arg1, %mul3A_1 : i32
    %dma_start3A = arith.constant 0 : i32
    %dma_start3A_3 = tpu.memref_slice %arg17[%mul3A_2, %dma_start3A] : memref<10112x128xf32, #tpu.memory_space<vmem_shared>> -> memref<632x128xf32, #tpu.memory_space<vmem_shared>>
    %dma_start3A_4 = arith.constant 0 : i32
    %dma_start3A_5 = tpu.memref_slice %arg5[%mul3A_2, %dma_start3A_4] : memref<10112x128xf32, #tpu.memory_space<hbm>> -> memref<632x128xf32, #tpu.memory_space<hbm>>
    tpu.enqueue_dma source(%dma_start3A_5 : memref<632x128xf32, #tpu.memory_space<hbm>>) target(%dma_start3A_3 : memref<632x128xf32, #tpu.memory_space<vmem_shared>>) target_semaphore(%arg14 : memref<!tpu.dma_semaphore, #tpu.memory_space<semaphore_mem>>)
    %dma_start3A_6 = arith.constant 0 : i32
    %dma_start3A_7 = arith.constant 0 : i32
    %dma_start3A_8 = tpu.memref_slice %arg3[%add3A, %dma_start3A_6, %dma_start3A_7] : memref<32x1x10000xi32, #tpu.memory_space<hbm>> -> memref<1x1x10000xi32, #tpu.memory_space<hbm>>
    %dma_start3A_9 = tpu.memref_squeeze %dma_start3A_8 : memref<1x1x10000xi32, #tpu.memory_space<hbm>> -> memref<10000xi32, #tpu.memory_space<hbm>>
    %dma_start3A_10 = arith.constant 0 : i32
    %dma_start3A_11 = tpu.memref_slice %arg3[%add3A, %dma_start3A_6, %dma_start3A_10] : memref<32x1x10000xi32, #tpu.memory_space<hbm>> -> memref<1x1x10000xi32, #tpu.memory_space<hbm>>
    %dma_start3A_12 = tpu.memref_squeeze %dma_start3A_11 : memref<1x1x10000xi32, #tpu.memory_space<hbm>> -> memref<10000xi32, #tpu.memory_space<hbm>>
    tpu.enqueue_dma source(%dma_start3A_12 : memref<10000xi32, #tpu.memory_space<hbm>>) target(%arg7 : memref<10000xi32, #tpu.memory_space<vmem>>) target_semaphore(%arg15 : memref<!tpu.dma_semaphore, #tpu.memory_space<semaphore_mem>>)
    %dma_wait3A = arith.constant 0 : i32
    %dma_wait3A_13 = tpu.memref_slice %arg17[%mul3A_2, %dma_wait3A] : memref<10112x128xf32, #tpu.memory_space<vmem_shared>> -> memref<632x128xf32, #tpu.memory_space<vmem_shared>>
    %dma_wait3A_14 = arith.constant 0 : i32
    %dma_wait3A_15 = tpu.memref_slice %arg5[%mul3A_2, %dma_wait3A_14] : memref<10112x128xf32, #tpu.memory_space<hbm>> -> memref<632x128xf32, #tpu.memory_space<hbm>>
    tpu.wait_dma2 semaphore(%arg14 : memref<!tpu.dma_semaphore, #tpu.memory_space<semaphore_mem>>) src(%dma_wait3A_15 : memref<632x128xf32, #tpu.memory_space<hbm>>) dst(%dma_wait3A_13 : memref<632x128xf32, #tpu.memory_space<vmem_shared>>)
    %dma_wait3A_16 = arith.constant 0 : i32
    %dma_wait3A_17 = arith.constant 0 : i32
    %dma_wait3A_18 = tpu.memref_slice %arg3[%add3A, %dma_wait3A_16, %dma_wait3A_17] : memref<32x1x10000xi32, #tpu.memory_space<hbm>> -> memref<1x1x10000xi32, #tpu.memory_space<hbm>>
    %dma_wait3A_19 = tpu.memref_squeeze %dma_wait3A_18 : memref<1x1x10000xi32, #tpu.memory_space<hbm>> -> memref<10000xi32, #tpu.memory_space<hbm>>
    %dma_wait3A_20 = arith.constant 0 : i32
    %dma_wait3A_21 = tpu.memref_slice %arg3[%add3A, %dma_wait3A_16, %dma_wait3A_20] : memref<32x1x10000xi32, #tpu.memory_space<hbm>> -> memref<1x1x10000xi32, #tpu.memory_space<hbm>>
    %dma_wait3A_22 = tpu.memref_squeeze %dma_wait3A_21 : memref<1x1x10000xi32, #tpu.memory_space<hbm>> -> memref<10000xi32, #tpu.memory_space<hbm>>
    tpu.wait_dma2 semaphore(%arg15 : memref<!tpu.dma_semaphore, #tpu.memory_space<semaphore_mem>>) src(%dma_wait3A_22 : memref<10000xi32, #tpu.memory_space<hbm>>) dst(%arg7 : memref<10000xi32, #tpu.memory_space<vmem>>)
    %barrier3A = arith.constant 0 : index
    tpu.barrier barrier_id(%barrier3A)
    %dma_start3A_23 = arith.constant 0 : i32
    %dma_start3A_24 = arith.constant 0 : i32
    %dma_start3A_25 = arith.constant 0 : i32
    %dma_start3A_26 = tpu.memref_slice %arg4[%add3A, %dma_start3A_23, %dma_start3A_24, %dma_start3A_25] : memref<32x125x1x80xi32, #tpu.memory_space<hbm>> -> memref<1x1x1x80xi32, #tpu.memory_space<hbm>>
    %dma_start3A_27 = tpu.memref_squeeze %dma_start3A_26 : memref<1x1x1x80xi32, #tpu.memory_space<hbm>> -> memref<1x80xi32, #tpu.memory_space<hbm>>
    %dma_start3A_28 = arith.constant 0 : i32
    %dma_start3A_29 = arith.constant 0 : i32
    %dma_start3A_30 = tpu.memref_slice %arg4[%add3A, %dma_start3A_23, %dma_start3A_28, %dma_start3A_29] : memref<32x125x1x80xi32, #tpu.memory_space<hbm>> -> memref<1x1x1x80xi32, #tpu.memory_space<hbm>>
    %dma_start3A_31 = tpu.memref_squeeze %dma_start3A_30 : memref<1x1x1x80xi32, #tpu.memory_space<hbm>> -> memref<1x80xi32, #tpu.memory_space<hbm>>
    tpu.enqueue_dma source(%dma_start3A_31 : memref<1x80xi32, #tpu.memory_space<hbm>>) target(%arg8 : memref<1x80xi32, #tpu.memory_space<vmem>>) target_semaphore(%arg14 : memref<!tpu.dma_semaphore, #tpu.memory_space<semaphore_mem>>)
    %dma_start3A_32 = arith.constant 0 : i32
    %dma_start3A_33 = tpu.memref_slice %arg7[%dma_start3A_32] : memref<10000xi32, #tpu.memory_space<vmem>> -> memref<80xi32, #tpu.memory_space<vmem>>
    %dma_start3A_34 = arith.constant 0 : i32
    %dma_start3A_35 = arith.constant 0 : i32
    %dma_start3A_36 = tpu.memref_slice %arg2[%dma_start3A_34, %dma_start3A_35] : memref<10000x128xf32, #tpu.memory_space<hbm>> -> memref<10000x128xf32, #tpu.memory_space<hbm>>
    tpu.enqueue_indirect_dma source(%dma_start3A_36 : memref<10000x128xf32, #tpu.memory_space<hbm>>) target(%arg11 : memref<80x128xf32, #tpu.memory_space<vmem>>) offsets(%dma_start3A_33 : memref<80xi32, #tpu.memory_space<vmem>>) semaphore(%arg14 : memref<!tpu.dma_semaphore, #tpu.memory_space<semaphore_mem>>)
    %dma_start3A_37 = arith.constant 1 : i32
    %dma_start3A_38 = arith.constant 0 : i32
    %dma_start3A_39 = arith.constant 0 : i32
    %dma_start3A_40 = tpu.memref_slice %arg4[%add3A, %dma_start3A_37, %dma_start3A_38, %dma_start3A_39] : memref<32x125x1x80xi32, #tpu.memory_space<hbm>> -> memref<1x1x1x80xi32, #tpu.memory_space<hbm>>
    %dma_start3A_41 = tpu.memref_squeeze %dma_start3A_40 : memref<1x1x1x80xi32, #tpu.memory_space<hbm>> -> memref<1x80xi32, #tpu.memory_space<hbm>>
    %dma_start3A_42 = arith.constant 0 : i32
    %dma_start3A_43 = arith.constant 0 : i32
    %dma_start3A_44 = tpu.memref_slice %arg4[%add3A, %dma_start3A_37, %dma_start3A_42, %dma_start3A_43] : memref<32x125x1x80xi32, #tpu.memory_space<hbm>> -> memref<1x1x1x80xi32, #tpu.memory_space<hbm>>
    %dma_start3A_45 = tpu.memref_squeeze %dma_start3A_44 : memref<1x1x1x80xi32, #tpu.memory_space<hbm>> -> memref<1x80xi32, #tpu.memory_space<hbm>>
    tpu.enqueue_dma source(%dma_start3A_45 : memref<1x80xi32, #tpu.memory_space<hbm>>) target(%arg9 : memref<1x80xi32, #tpu.memory_space<vmem>>) target_semaphore(%arg15 : memref<!tpu.dma_semaphore, #tpu.memory_space<semaphore_mem>>)
    %dma_start3A_46 = arith.constant 80 : i32
    %dma_start3A_47 = tpu.memref_slice %arg7[%dma_start3A_46] : memref<10000xi32, #tpu.memory_space<vmem>> -> memref<80xi32, #tpu.memory_space<vmem>>
    %dma_start3A_48 = arith.constant 0 : i32
    %dma_start3A_49 = arith.constant 0 : i32
    %dma_start3A_50 = tpu.memref_slice %arg2[%dma_start3A_48, %dma_start3A_49] : memref<10000x128xf32, #tpu.memory_space<hbm>> -> memref<10000x128xf32, #tpu.memory_space<hbm>>
    tpu.enqueue_indirect_dma source(%dma_start3A_50 : memref<10000x128xf32, #tpu.memory_space<hbm>>) target(%arg12 : memref<80x128xf32, #tpu.memory_space<vmem>>) offsets(%dma_start3A_47 : memref<80xi32, #tpu.memory_space<vmem>>) semaphore(%arg15 : memref<!tpu.dma_semaphore, #tpu.memory_space<semaphore_mem>>)
    %dma_start3A_51 = arith.constant 2 : i32
    %dma_start3A_52 = arith.constant 0 : i32
    %dma_start3A_53 = arith.constant 0 : i32
    %dma_start3A_54 = tpu.memref_slice %arg4[%add3A, %dma_start3A_51, %dma_start3A_52, %dma_start3A_53] : memref<32x125x1x80xi32, #tpu.memory_space<hbm>> -> memref<1x1x1x80xi32, #tpu.memory_space<hbm>>
    %dma_start3A_55 = tpu.memref_squeeze %dma_start3A_54 : memref<1x1x1x80xi32, #tpu.memory_space<hbm>> -> memref<1x80xi32, #tpu.memory_space<hbm>>
    %dma_start3A_56 = arith.constant 0 : i32
    %dma_start3A_57 = arith.constant 0 : i32
    %dma_start3A_58 = tpu.memref_slice %arg4[%add3A, %dma_start3A_51, %dma_start3A_56, %dma_start3A_57] : memref<32x125x1x80xi32, #tpu.memory_space<hbm>> -> memref<1x1x1x80xi32, #tpu.memory_space<hbm>>
    %dma_start3A_59 = tpu.memref_squeeze %dma_start3A_58 : memref<1x1x1x80xi32, #tpu.memory_space<hbm>> -> memref<1x80xi32, #tpu.memory_space<hbm>>
    tpu.enqueue_dma source(%dma_start3A_59 : memref<1x80xi32, #tpu.memory_space<hbm>>) target(%arg10 : memref<1x80xi32, #tpu.memory_space<vmem>>) target_semaphore(%arg16 : memref<!tpu.dma_semaphore, #tpu.memory_space<semaphore_mem>>)
    %dma_start3A_60 = arith.constant 160 : i32
    %dma_start3A_61 = tpu.memref_slice %arg7[%dma_start3A_60] : memref<10000xi32, #tpu.memory_space<vmem>> -> memref<80xi32, #tpu.memory_space<vmem>>
    %dma_start3A_62 = arith.constant 0 : i32
    %dma_start3A_63 = arith.constant 0 : i32
    %dma_start3A_64 = tpu.memref_slice %arg2[%dma_start3A_62, %dma_start3A_63] : memref<10000x128xf32, #tpu.memory_space<hbm>> -> memref<10000x128xf32, #tpu.memory_space<hbm>>
    tpu.enqueue_indirect_dma source(%dma_start3A_64 : memref<10000x128xf32, #tpu.memory_space<hbm>>) target(%arg13 : memref<80x128xf32, #tpu.memory_space<vmem>>) offsets(%dma_start3A_61 : memref<80xi32, #tpu.memory_space<vmem>>) semaphore(%arg16 : memref<!tpu.dma_semaphore, #tpu.memory_space<semaphore_mem>>)
    %scan3A = arith.constant 0 : i32
    %scan3A_65 = arith.constant 40 : i32
    %scan3A_66 = arith.addi %scan3A, %scan3A_65 : i32
    %scan3A_67 = arith.constant 1 : i32
    scf.for %scan3A_172 = %scan3A to %scan3A_66 step %scan3A_67  : i32 {
      %mul3A_173 = arith.constant 3 : i32
      %mul3A_174 = arith.muli %scan3A_172, %mul3A_173 : i32
      %add3A_175 = arith.constant 0 : i32
      %add3A_176 = arith.addi %add3A_175, %mul3A_174 : i32
      %add3A_177 = arith.constant 0 : i32
      %add3A_178 = arith.addi %add3A_176, %add3A_177 : i32
      %dma_wait3A_179 = arith.constant 0 : i32
      %dma_wait3A_180 = arith.constant 0 : i32
      %dma_wait3A_181 = tpu.memref_slice %arg4[%add3A, %add3A_178, %dma_wait3A_179, %dma_wait3A_180] : memref<32x125x1x80xi32, #tpu.memory_space<hbm>> -> memref<1x1x1x80xi32, #tpu.memory_space<hbm>>
      %dma_wait3A_182 = tpu.memref_squeeze %dma_wait3A_181 : memref<1x1x1x80xi32, #tpu.memory_space<hbm>> -> memref<1x80xi32, #tpu.memory_space<hbm>>
      %dma_wait3A_183 = arith.constant 0 : i32
      %dma_wait3A_184 = arith.constant 0 : i32
      %dma_wait3A_185 = tpu.memref_slice %arg4[%add3A, %add3A_178, %dma_wait3A_183, %dma_wait3A_184] : memref<32x125x1x80xi32, #tpu.memory_space<hbm>> -> memref<1x1x1x80xi32, #tpu.memory_space<hbm>>
      %dma_wait3A_186 = tpu.memref_squeeze %dma_wait3A_185 : memref<1x1x1x80xi32, #tpu.memory_space<hbm>> -> memref<1x80xi32, #tpu.memory_space<hbm>>
      tpu.wait_dma2 semaphore(%arg14 : memref<!tpu.dma_semaphore, #tpu.memory_space<semaphore_mem>>) src(%dma_wait3A_186 : memref<1x80xi32, #tpu.memory_space<hbm>>) dst(%arg8 : memref<1x80xi32, #tpu.memory_space<vmem>>)
      %mul3A_187 = arith.constant 80 : i32
      %mul3A_188 = arith.muli %add3A_178, %mul3A_187 : i32
      %dma_wait3A_189 = tpu.memref_slice %arg7[%mul3A_188] : memref<10000xi32, #tpu.memory_space<vmem>> -> memref<80xi32, #tpu.memory_space<vmem>>
      %dma_wait3A_190 = arith.constant 0 : i32
      %dma_wait3A_191 = arith.constant 0 : i32
      %dma_wait3A_192 = tpu.memref_slice %arg2[%dma_wait3A_190, %dma_wait3A_191] : memref<10000x128xf32, #tpu.memory_space<hbm>> -> memref<10000x128xf32, #tpu.memory_space<hbm>>
      tpu.wait_indirect_dma semaphore(%arg14 : memref<!tpu.dma_semaphore, #tpu.memory_space<semaphore_mem>>) src(%dma_wait3A_192 : memref<10000x128xf32, #tpu.memory_space<hbm>>) dst(%arg11 : memref<80x128xf32, #tpu.memory_space<vmem>>)
      %run_scoped3A_193 = arith.constant 0 : i32
      "tpu.region"() ({
        %run_scoped3A_282 = tpu.sem_alloc : memref<!tpu.dma_semaphore, #tpu.memory_space<semaphore_mem>>
        %dma_start3A_283 = arith.constant 0 : i32
        %dma_start3A_284 = tpu.memref_slice %arg8[%run_scoped3A_193, %dma_start3A_283] : memref<1x80xi32, #tpu.memory_space<vmem>> -> memref<1x80xi32, #tpu.memory_space<vmem>>
        %dma_start3A_285 = tpu.memref_squeeze %dma_start3A_284 : memref<1x80xi32, #tpu.memory_space<vmem>> -> memref<80xi32, #tpu.memory_space<vmem>>
        %dma_start3A_286 = arith.constant 0 : i32
        %dma_start3A_287 = arith.constant 0 : i32
        %dma_start3A_288 = tpu.memref_slice %arg17[%dma_start3A_286, %dma_start3A_287] : memref<10112x128xf32, #tpu.memory_space<vmem_shared>> -> memref<10112x128xf32, #tpu.memory_space<vmem_shared>>
        tpu.enqueue_indirect_dma source(%arg11 : memref<80x128xf32, #tpu.memory_space<vmem>>) target(%dma_start3A_288 : memref<10112x128xf32, #tpu.memory_space<vmem_shared>>) offsets(%dma_start3A_285 : memref<80xi32, #tpu.memory_space<vmem>>) semaphore(%run_scoped3A_282 : memref<!tpu.dma_semaphore, #tpu.memory_space<semaphore_mem>>) {add = true}
        %dma_wait3A_289 = arith.constant 0 : i32
        %dma_wait3A_290 = tpu.memref_slice %arg8[%run_scoped3A_193, %dma_wait3A_289] : memref<1x80xi32, #tpu.memory_space<vmem>> -> memref<1x80xi32, #tpu.memory_space<vmem>>
        %dma_wait3A_291 = tpu.memref_squeeze %dma_wait3A_290 : memref<1x80xi32, #tpu.memory_space<vmem>> -> memref<80xi32, #tpu.memory_space<vmem>>
        %dma_wait3A_292 = arith.constant 0 : i32
        %dma_wait3A_293 = arith.constant 0 : i32
        %dma_wait3A_294 = tpu.memref_slice %arg17[%dma_wait3A_292, %dma_wait3A_293] : memref<10112x128xf32, #tpu.memory_space<vmem_shared>> -> memref<10112x128xf32, #tpu.memory_space<vmem_shared>>
        tpu.wait_indirect_dma semaphore(%run_scoped3A_282 : memref<!tpu.dma_semaphore, #tpu.memory_space<semaphore_mem>>) src(%arg11 : memref<80x128xf32, #tpu.memory_space<vmem>>) dst(%dma_wait3A_294 : memref<10112x128xf32, #tpu.memory_space<vmem_shared>>)
        tpu.yield
      }) : () -> ()
      %add3A_194 = arith.constant 0 : i32
      %add3A_195 = arith.addi %add3A_176, %add3A_194 : i32
      %add3A_196 = arith.constant 3 : i32
      %add3A_197 = arith.addi %add3A_195, %add3A_196 : i32
      %dma_start3A_198 = arith.constant 0 : i32
      %dma_start3A_199 = arith.constant 0 : i32
      %dma_start3A_200 = tpu.memref_slice %arg4[%add3A, %add3A_197, %dma_start3A_198, %dma_start3A_199] : memref<32x125x1x80xi32, #tpu.memory_space<hbm>> -> memref<1x1x1x80xi32, #tpu.memory_space<hbm>>
      %dma_start3A_201 = tpu.memref_squeeze %dma_start3A_200 : memref<1x1x1x80xi32, #tpu.memory_space<hbm>> -> memref<1x80xi32, #tpu.memory_space<hbm>>
      %dma_start3A_202 = arith.constant 0 : i32
      %dma_start3A_203 = arith.constant 0 : i32
      %dma_start3A_204 = tpu.memref_slice %arg4[%add3A, %add3A_197, %dma_start3A_202, %dma_start3A_203] : memref<32x125x1x80xi32, #tpu.memory_space<hbm>> -> memref<1x1x1x80xi32, #tpu.memory_space<hbm>>
      %dma_start3A_205 = tpu.memref_squeeze %dma_start3A_204 : memref<1x1x1x80xi32, #tpu.memory_space<hbm>> -> memref<1x80xi32, #tpu.memory_space<hbm>>
      tpu.enqueue_dma source(%dma_start3A_205 : memref<1x80xi32, #tpu.memory_space<hbm>>) target(%arg8 : memref<1x80xi32, #tpu.memory_space<vmem>>) target_semaphore(%arg14 : memref<!tpu.dma_semaphore, #tpu.memory_space<semaphore_mem>>)
      %mul3A_206 = arith.constant 80 : i32
      %mul3A_207 = arith.muli %add3A_197, %mul3A_206 : i32
      %dma_start3A_208 = tpu.memref_slice %arg7[%mul3A_207] : memref<10000xi32, #tpu.memory_space<vmem>> -> memref<80xi32, #tpu.memory_space<vmem>>
      %dma_start3A_209 = arith.constant 0 : i32
      %dma_start3A_210 = arith.constant 0 : i32
      %dma_start3A_211 = tpu.memref_slice %arg2[%dma_start3A_209, %dma_start3A_210] : memref<10000x128xf32, #tpu.memory_space<hbm>> -> memref<10000x128xf32, #tpu.memory_space<hbm>>
      tpu.enqueue_indirect_dma source(%dma_start3A_211 : memref<10000x128xf32, #tpu.memory_space<hbm>>) target(%arg11 : memref<80x128xf32, #tpu.memory_space<vmem>>) offsets(%dma_start3A_208 : memref<80xi32, #tpu.memory_space<vmem>>) semaphore(%arg14 : memref<!tpu.dma_semaphore, #tpu.memory_space<semaphore_mem>>)
      %add3A_212 = arith.constant 1 : i32
      %add3A_213 = arith.addi %add3A_176, %add3A_212 : i32
      %dma_wait3A_214 = arith.constant 0 : i32
      %dma_wait3A_215 = arith.constant 0 : i32
      %dma_wait3A_216 = tpu.memref_slice %arg4[%add3A, %add3A_213, %dma_wait3A_214, %dma_wait3A_215] : memref<32x125x1x80xi32, #tpu.memory_space<hbm>> -> memref<1x1x1x80xi32, #tpu.memory_space<hbm>>
      %dma_wait3A_217 = tpu.memref_squeeze %dma_wait3A_216 : memref<1x1x1x80xi32, #tpu.memory_space<hbm>> -> memref<1x80xi32, #tpu.memory_space<hbm>>
      %dma_wait3A_218 = arith.constant 0 : i32
      %dma_wait3A_219 = arith.constant 0 : i32
      %dma_wait3A_220 = tpu.memref_slice %arg4[%add3A, %add3A_213, %dma_wait3A_218, %dma_wait3A_219] : memref<32x125x1x80xi32, #tpu.memory_space<hbm>> -> memref<1x1x1x80xi32, #tpu.memory_space<hbm>>
      %dma_wait3A_221 = tpu.memref_squeeze %dma_wait3A_220 : memref<1x1x1x80xi32, #tpu.memory_space<hbm>> -> memref<1x80xi32, #tpu.memory_space<hbm>>
      tpu.wait_dma2 semaphore(%arg15 : memref<!tpu.dma_semaphore, #tpu.memory_space<semaphore_mem>>) src(%dma_wait3A_221 : memref<1x80xi32, #tpu.memory_space<hbm>>) dst(%arg9 : memref<1x80xi32, #tpu.memory_space<vmem>>)
      %mul3A_222 = arith.constant 80 : i32
      %mul3A_223 = arith.muli %add3A_213, %mul3A_222 : i32
      %dma_wait3A_224 = tpu.memref_slice %arg7[%mul3A_223] : memref<10000xi32, #tpu.memory_space<vmem>> -> memref<80xi32, #tpu.memory_space<vmem>>
      %dma_wait3A_225 = arith.constant 0 : i32
      %dma_wait3A_226 = arith.constant 0 : i32
      %dma_wait3A_227 = tpu.memref_slice %arg2[%dma_wait3A_225, %dma_wait3A_226] : memref<10000x128xf32, #tpu.memory_space<hbm>> -> memref<10000x128xf32, #tpu.memory_space<hbm>>
      tpu.wait_indirect_dma semaphore(%arg15 : memref<!tpu.dma_semaphore, #tpu.memory_space<semaphore_mem>>) src(%dma_wait3A_227 : memref<10000x128xf32, #tpu.memory_space<hbm>>) dst(%arg12 : memref<80x128xf32, #tpu.memory_space<vmem>>)
      %run_scoped3A_228 = arith.constant 0 : i32
      "tpu.region"() ({
        %run_scoped3A_282 = tpu.sem_alloc : memref<!tpu.dma_semaphore, #tpu.memory_space<semaphore_mem>>
        %dma_start3A_283 = arith.constant 0 : i32
        %dma_start3A_284 = tpu.memref_slice %arg9[%run_scoped3A_228, %dma_start3A_283] : memref<1x80xi32, #tpu.memory_space<vmem>> -> memref<1x80xi32, #tpu.memory_space<vmem>>
        %dma_start3A_285 = tpu.memref_squeeze %dma_start3A_284 : memref<1x80xi32, #tpu.memory_space<vmem>> -> memref<80xi32, #tpu.memory_space<vmem>>
        %dma_start3A_286 = arith.constant 0 : i32
        %dma_start3A_287 = arith.constant 0 : i32
        %dma_start3A_288 = tpu.memref_slice %arg17[%dma_start3A_286, %dma_start3A_287] : memref<10112x128xf32, #tpu.memory_space<vmem_shared>> -> memref<10112x128xf32, #tpu.memory_space<vmem_shared>>
        tpu.enqueue_indirect_dma source(%arg12 : memref<80x128xf32, #tpu.memory_space<vmem>>) target(%dma_start3A_288 : memref<10112x128xf32, #tpu.memory_space<vmem_shared>>) offsets(%dma_start3A_285 : memref<80xi32, #tpu.memory_space<vmem>>) semaphore(%run_scoped3A_282 : memref<!tpu.dma_semaphore, #tpu.memory_space<semaphore_mem>>) {add = true}
        %dma_wait3A_289 = arith.constant 0 : i32
        %dma_wait3A_290 = tpu.memref_slice %arg9[%run_scoped3A_228, %dma_wait3A_289] : memref<1x80xi32, #tpu.memory_space<vmem>> -> memref<1x80xi32, #tpu.memory_space<vmem>>
        %dma_wait3A_291 = tpu.memref_squeeze %dma_wait3A_290 : memref<1x80xi32, #tpu.memory_space<vmem>> -> memref<80xi32, #tpu.memory_space<vmem>>
        %dma_wait3A_292 = arith.constant 0 : i32
        %dma_wait3A_293 = arith.constant 0 : i32
        %dma_wait3A_294 = tpu.memref_slice %arg17[%dma_wait3A_292, %dma_wait3A_293] : memref<10112x128xf32, #tpu.memory_space<vmem_shared>> -> memref<10112x128xf32, #tpu.memory_space<vmem_shared>>
        tpu.wait_indirect_dma semaphore(%run_scoped3A_282 : memref<!tpu.dma_semaphore, #tpu.memory_space<semaphore_mem>>) src(%arg12 : memref<80x128xf32, #tpu.memory_space<vmem>>) dst(%dma_wait3A_294 : memref<10112x128xf32, #tpu.memory_space<vmem_shared>>)
        tpu.yield
      }) : () -> ()
      %add3A_229 = arith.constant 1 : i32
      %add3A_230 = arith.addi %add3A_176, %add3A_229 : i32
      %add3A_231 = arith.constant 3 : i32
      %add3A_232 = arith.addi %add3A_230, %add3A_231 : i32
      %dma_start3A_233 = arith.constant 0 : i32
      %dma_start3A_234 = arith.constant 0 : i32
      %dma_start3A_235 = tpu.memref_slice %arg4[%add3A, %add3A_232, %dma_start3A_233, %dma_start3A_234] : memref<32x125x1x80xi32, #tpu.memory_space<hbm>> -> memref<1x1x1x80xi32, #tpu.memory_space<hbm>>
      %dma_start3A_236 = tpu.memref_squeeze %dma_start3A_235 : memref<1x1x1x80xi32, #tpu.memory_space<hbm>> -> memref<1x80xi32, #tpu.memory_space<hbm>>
      %dma_start3A_237 = arith.constant 0 : i32
      %dma_start3A_238 = arith.constant 0 : i32
      %dma_start3A_239 = tpu.memref_slice %arg4[%add3A, %add3A_232, %dma_start3A_237, %dma_start3A_238] : memref<32x125x1x80xi32, #tpu.memory_space<hbm>> -> memref<1x1x1x80xi32, #tpu.memory_space<hbm>>
      %dma_start3A_240 = tpu.memref_squeeze %dma_start3A_239 : memref<1x1x1x80xi32, #tpu.memory_space<hbm>> -> memref<1x80xi32, #tpu.memory_space<hbm>>
      tpu.enqueue_dma source(%dma_start3A_240 : memref<1x80xi32, #tpu.memory_space<hbm>>) target(%arg9 : memref<1x80xi32, #tpu.memory_space<vmem>>) target_semaphore(%arg15 : memref<!tpu.dma_semaphore, #tpu.memory_space<semaphore_mem>>)
      %mul3A_241 = arith.constant 80 : i32
      %mul3A_242 = arith.muli %add3A_232, %mul3A_241 : i32
      %dma_start3A_243 = tpu.memref_slice %arg7[%mul3A_242] : memref<10000xi32, #tpu.memory_space<vmem>> -> memref<80xi32, #tpu.memory_space<vmem>>
      %dma_start3A_244 = arith.constant 0 : i32
      %dma_start3A_245 = arith.constant 0 : i32
      %dma_start3A_246 = tpu.memref_slice %arg2[%dma_start3A_244, %dma_start3A_245] : memref<10000x128xf32, #tpu.memory_space<hbm>> -> memref<10000x128xf32, #tpu.memory_space<hbm>>
      tpu.enqueue_indirect_dma source(%dma_start3A_246 : memref<10000x128xf32, #tpu.memory_space<hbm>>) target(%arg12 : memref<80x128xf32, #tpu.memory_space<vmem>>) offsets(%dma_start3A_243 : memref<80xi32, #tpu.memory_space<vmem>>) semaphore(%arg15 : memref<!tpu.dma_semaphore, #tpu.memory_space<semaphore_mem>>)
      %add3A_247 = arith.constant 2 : i32
      %add3A_248 = arith.addi %add3A_176, %add3A_247 : i32
      %dma_wait3A_249 = arith.constant 0 : i32
      %dma_wait3A_250 = arith.constant 0 : i32
      %dma_wait3A_251 = tpu.memref_slice %arg4[%add3A, %add3A_248, %dma_wait3A_249, %dma_wait3A_250] : memref<32x125x1x80xi32, #tpu.memory_space<hbm>> -> memref<1x1x1x80xi32, #tpu.memory_space<hbm>>
      %dma_wait3A_252 = tpu.memref_squeeze %dma_wait3A_251 : memref<1x1x1x80xi32, #tpu.memory_space<hbm>> -> memref<1x80xi32, #tpu.memory_space<hbm>>
      %dma_wait3A_253 = arith.constant 0 : i32
      %dma_wait3A_254 = arith.constant 0 : i32
      %dma_wait3A_255 = tpu.memref_slice %arg4[%add3A, %add3A_248, %dma_wait3A_253, %dma_wait3A_254] : memref<32x125x1x80xi32, #tpu.memory_space<hbm>> -> memref<1x1x1x80xi32, #tpu.memory_space<hbm>>
      %dma_wait3A_256 = tpu.memref_squeeze %dma_wait3A_255 : memref<1x1x1x80xi32, #tpu.memory_space<hbm>> -> memref<1x80xi32, #tpu.memory_space<hbm>>
      tpu.wait_dma2 semaphore(%arg16 : memref<!tpu.dma_semaphore, #tpu.memory_space<semaphore_mem>>) src(%dma_wait3A_256 : memref<1x80xi32, #tpu.memory_space<hbm>>) dst(%arg10 : memref<1x80xi32, #tpu.memory_space<vmem>>)
      %mul3A_257 = arith.constant 80 : i32
      %mul3A_258 = arith.muli %add3A_248, %mul3A_257 : i32
      %dma_wait3A_259 = tpu.memref_slice %arg7[%mul3A_258] : memref<10000xi32, #tpu.memory_space<vmem>> -> memref<80xi32, #tpu.memory_space<vmem>>
      %dma_wait3A_260 = arith.constant 0 : i32
      %dma_wait3A_261 = arith.constant 0 : i32
      %dma_wait3A_262 = tpu.memref_slice %arg2[%dma_wait3A_260, %dma_wait3A_261] : memref<10000x128xf32, #tpu.memory_space<hbm>> -> memref<10000x128xf32, #tpu.memory_space<hbm>>
      tpu.wait_indirect_dma semaphore(%arg16 : memref<!tpu.dma_semaphore, #tpu.memory_space<semaphore_mem>>) src(%dma_wait3A_262 : memref<10000x128xf32, #tpu.memory_space<hbm>>) dst(%arg13 : memref<80x128xf32, #tpu.memory_space<vmem>>)
      %run_scoped3A_263 = arith.constant 0 : i32
      "tpu.region"() ({
        %run_scoped3A_282 = tpu.sem_alloc : memref<!tpu.dma_semaphore, #tpu.memory_space<semaphore_mem>>
        %dma_start3A_283 = arith.constant 0 : i32
        %dma_start3A_284 = tpu.memref_slice %arg10[%run_scoped3A_263, %dma_start3A_283] : memref<1x80xi32, #tpu.memory_space<vmem>> -> memref<1x80xi32, #tpu.memory_space<vmem>>
        %dma_start3A_285 = tpu.memref_squeeze %dma_start3A_284 : memref<1x80xi32, #tpu.memory_space<vmem>> -> memref<80xi32, #tpu.memory_space<vmem>>
        %dma_start3A_286 = arith.constant 0 : i32
        %dma_start3A_287 = arith.constant 0 : i32
        %dma_start3A_288 = tpu.memref_slice %arg17[%dma_start3A_286, %dma_start3A_287] : memref<10112x128xf32, #tpu.memory_space<vmem_shared>> -> memref<10112x128xf32, #tpu.memory_space<vmem_shared>>
        tpu.enqueue_indirect_dma source(%arg13 : memref<80x128xf32, #tpu.memory_space<vmem>>) target(%dma_start3A_288 : memref<10112x128xf32, #tpu.memory_space<vmem_shared>>) offsets(%dma_start3A_285 : memref<80xi32, #tpu.memory_space<vmem>>) semaphore(%run_scoped3A_282 : memref<!tpu.dma_semaphore, #tpu.memory_space<semaphore_mem>>) {add = true}
        %dma_wait3A_289 = arith.constant 0 : i32
        %dma_wait3A_290 = tpu.memref_slice %arg10[%run_scoped3A_263, %dma_wait3A_289] : memref<1x80xi32, #tpu.memory_space<vmem>> -> memref<1x80xi32, #tpu.memory_space<vmem>>
        %dma_wait3A_291 = tpu.memref_squeeze %dma_wait3A_290 : memref<1x80xi32, #tpu.memory_space<vmem>> -> memref<80xi32, #tpu.memory_space<vmem>>
        %dma_wait3A_292 = arith.constant 0 : i32
        %dma_wait3A_293 = arith.constant 0 : i32
        %dma_wait3A_294 = tpu.memref_slice %arg17[%dma_wait3A_292, %dma_wait3A_293] : memref<10112x128xf32, #tpu.memory_space<vmem_shared>> -> memref<10112x128xf32, #tpu.memory_space<vmem_shared>>
        tpu.wait_indirect_dma semaphore(%run_scoped3A_282 : memref<!tpu.dma_semaphore, #tpu.memory_space<semaphore_mem>>) src(%arg13 : memref<80x128xf32, #tpu.memory_space<vmem>>) dst(%dma_wait3A_294 : memref<10112x128xf32, #tpu.memory_space<vmem_shared>>)
        tpu.yield
      }) : () -> ()
      %add3A_264 = arith.constant 2 : i32
      %add3A_265 = arith.addi %add3A_176, %add3A_264 : i32
      %add3A_266 = arith.constant 3 : i32
      %add3A_267 = arith.addi %add3A_265, %add3A_266 : i32
      %dma_start3A_268 = arith.constant 0 : i32
      %dma_start3A_269 = arith.constant 0 : i32
      %dma_start3A_270 = tpu.memref_slice %arg4[%add3A, %add3A_267, %dma_start3A_268, %dma_start3A_269] : memref<32x125x1x80xi32, #tpu.memory_space<hbm>> -> memref<1x1x1x80xi32, #tpu.memory_space<hbm>>
      %dma_start3A_271 = tpu.memref_squeeze %dma_start3A_270 : memref<1x1x1x80xi32, #tpu.memory_space<hbm>> -> memref<1x80xi32, #tpu.memory_space<hbm>>
      %dma_start3A_272 = arith.constant 0 : i32
      %dma_start3A_273 = arith.constant 0 : i32
      %dma_start3A_274 = tpu.memref_slice %arg4[%add3A, %add3A_267, %dma_start3A_272, %dma_start3A_273] : memref<32x125x1x80xi32, #tpu.memory_space<hbm>> -> memref<1x1x1x80xi32, #tpu.memory_space<hbm>>
      %dma_start3A_275 = tpu.memref_squeeze %dma_start3A_274 : memref<1x1x1x80xi32, #tpu.memory_space<hbm>> -> memref<1x80xi32, #tpu.memory_space<hbm>>
      tpu.enqueue_dma source(%dma_start3A_275 : memref<1x80xi32, #tpu.memory_space<hbm>>) target(%arg10 : memref<1x80xi32, #tpu.memory_space<vmem>>) target_semaphore(%arg16 : memref<!tpu.dma_semaphore, #tpu.memory_space<semaphore_mem>>)
      %mul3A_276 = arith.constant 80 : i32
      %mul3A_277 = arith.muli %add3A_267, %mul3A_276 : i32
      %dma_start3A_278 = tpu.memref_slice %arg7[%mul3A_277] : memref<10000xi32, #tpu.memory_space<vmem>> -> memref<80xi32, #tpu.memory_space<vmem>>
      %dma_start3A_279 = arith.constant 0 : i32
      %dma_start3A_280 = arith.constant 0 : i32
      %dma_start3A_281 = tpu.memref_slice %arg2[%dma_start3A_279, %dma_start3A_280] : memref<10000x128xf32, #tpu.memory_space<hbm>> -> memref<10000x128xf32, #tpu.memory_space<hbm>>
      tpu.enqueue_indirect_dma source(%dma_start3A_281 : memref<10000x128xf32, #tpu.memory_space<hbm>>) target(%arg13 : memref<80x128xf32, #tpu.memory_space<vmem>>) offsets(%dma_start3A_278 : memref<80xi32, #tpu.memory_space<vmem>>) semaphore(%arg16 : memref<!tpu.dma_semaphore, #tpu.memory_space<semaphore_mem>>)
    }
    %scan3A_68 = arith.constant 40 : i32
    %dma_wait3A_69 = arith.constant 120 : i32
    %dma_wait3A_70 = arith.constant 0 : i32
    %dma_wait3A_71 = arith.constant 0 : i32
    %dma_wait3A_72 = tpu.memref_slice %arg4[%add3A, %dma_wait3A_69, %dma_wait3A_70, %dma_wait3A_71] : memref<32x125x1x80xi32, #tpu.memory_space<hbm>> -> memref<1x1x1x80xi32, #tpu.memory_space<hbm>>
    %dma_wait3A_73 = tpu.memref_squeeze %dma_wait3A_72 : memref<1x1x1x80xi32, #tpu.memory_space<hbm>> -> memref<1x80xi32, #tpu.memory_space<hbm>>
    %dma_wait3A_74 = arith.constant 0 : i32
    %dma_wait3A_75 = arith.constant 0 : i32
    %dma_wait3A_76 = tpu.memref_slice %arg4[%add3A, %dma_wait3A_69, %dma_wait3A_74, %dma_wait3A_75] : memref<32x125x1x80xi32, #tpu.memory_space<hbm>> -> memref<1x1x1x80xi32, #tpu.memory_space<hbm>>
    %dma_wait3A_77 = tpu.memref_squeeze %dma_wait3A_76 : memref<1x1x1x80xi32, #tpu.memory_space<hbm>> -> memref<1x80xi32, #tpu.memory_space<hbm>>
    tpu.wait_dma2 semaphore(%arg14 : memref<!tpu.dma_semaphore, #tpu.memory_space<semaphore_mem>>) src(%dma_wait3A_77 : memref<1x80xi32, #tpu.memory_space<hbm>>) dst(%arg8 : memref<1x80xi32, #tpu.memory_space<vmem>>)
    %dma_wait3A_78 = arith.constant 9600 : i32
    %dma_wait3A_79 = tpu.memref_slice %arg7[%dma_wait3A_78] : memref<10000xi32, #tpu.memory_space<vmem>> -> memref<80xi32, #tpu.memory_space<vmem>>
    %dma_wait3A_80 = arith.constant 0 : i32
    %dma_wait3A_81 = arith.constant 0 : i32
    %dma_wait3A_82 = tpu.memref_slice %arg2[%dma_wait3A_80, %dma_wait3A_81] : memref<10000x128xf32, #tpu.memory_space<hbm>> -> memref<10000x128xf32, #tpu.memory_space<hbm>>
    tpu.wait_indirect_dma semaphore(%arg14 : memref<!tpu.dma_semaphore, #tpu.memory_space<semaphore_mem>>) src(%dma_wait3A_82 : memref<10000x128xf32, #tpu.memory_space<hbm>>) dst(%arg11 : memref<80x128xf32, #tpu.memory_space<vmem>>)
    %run_scoped3A = arith.constant 0 : i32
    "tpu.region"() ({
      %run_scoped3A_172 = tpu.sem_alloc : memref<!tpu.dma_semaphore, #tpu.memory_space<semaphore_mem>>
      %dma_start3A_173 = arith.constant 0 : i32
      %dma_start3A_174 = tpu.memref_slice %arg8[%run_scoped3A, %dma_start3A_173] : memref<1x80xi32, #tpu.memory_space<vmem>> -> memref<1x80xi32, #tpu.memory_space<vmem>>
      %dma_start3A_175 = tpu.memref_squeeze %dma_start3A_174 : memref<1x80xi32, #tpu.memory_space<vmem>> -> memref<80xi32, #tpu.memory_space<vmem>>
      %dma_start3A_176 = arith.constant 0 : i32
      %dma_start3A_177 = arith.constant 0 : i32
      %dma_start3A_178 = tpu.memref_slice %arg17[%dma_start3A_176, %dma_start3A_177] : memref<10112x128xf32, #tpu.memory_space<vmem_shared>> -> memref<10112x128xf32, #tpu.memory_space<vmem_shared>>
      tpu.enqueue_indirect_dma source(%arg11 : memref<80x128xf32, #tpu.memory_space<vmem>>) target(%dma_start3A_178 : memref<10112x128xf32, #tpu.memory_space<vmem_shared>>) offsets(%dma_start3A_175 : memref<80xi32, #tpu.memory_space<vmem>>) semaphore(%run_scoped3A_172 : memref<!tpu.dma_semaphore, #tpu.memory_space<semaphore_mem>>) {add = true}
      %dma_wait3A_179 = arith.constant 0 : i32
      %dma_wait3A_180 = tpu.memref_slice %arg8[%run_scoped3A, %dma_wait3A_179] : memref<1x80xi32, #tpu.memory_space<vmem>> -> memref<1x80xi32, #tpu.memory_space<vmem>>
      %dma_wait3A_181 = tpu.memref_squeeze %dma_wait3A_180 : memref<1x80xi32, #tpu.memory_space<vmem>> -> memref<80xi32, #tpu.memory_space<vmem>>
      %dma_wait3A_182 = arith.constant 0 : i32
      %dma_wait3A_183 = arith.constant 0 : i32
      %dma_wait3A_184 = tpu.memref_slice %arg17[%dma_wait3A_182, %dma_wait3A_183] : memref<10112x128xf32, #tpu.memory_space<vmem_shared>> -> memref<10112x128xf32, #tpu.memory_space<vmem_shared>>
      tpu.wait_indirect_dma semaphore(%run_scoped3A_172 : memref<!tpu.dma_semaphore, #tpu.memory_space<semaphore_mem>>) src(%arg11 : memref<80x128xf32, #tpu.memory_space<vmem>>) dst(%dma_wait3A_184 : memref<10112x128xf32, #tpu.memory_space<vmem_shared>>)
      tpu.yield
    }) : () -> ()
    %dma_start3A_83 = arith.constant 123 : i32
    %dma_start3A_84 = arith.constant 0 : i32
    %dma_start3A_85 = arith.constant 0 : i32
    %dma_start3A_86 = tpu.memref_slice %arg4[%add3A, %dma_start3A_83, %dma_start3A_84, %dma_start3A_85] : memref<32x125x1x80xi32, #tpu.memory_space<hbm>> -> memref<1x1x1x80xi32, #tpu.memory_space<hbm>>
    %dma_start3A_87 = tpu.memref_squeeze %dma_start3A_86 : memref<1x1x1x80xi32, #tpu.memory_space<hbm>> -> memref<1x80xi32, #tpu.memory_space<hbm>>
    %dma_start3A_88 = arith.constant 0 : i32
    %dma_start3A_89 = arith.constant 0 : i32
    %dma_start3A_90 = tpu.memref_slice %arg4[%add3A, %dma_start3A_83, %dma_start3A_88, %dma_start3A_89] : memref<32x125x1x80xi32, #tpu.memory_space<hbm>> -> memref<1x1x1x80xi32, #tpu.memory_space<hbm>>
    %dma_start3A_91 = tpu.memref_squeeze %dma_start3A_90 : memref<1x1x1x80xi32, #tpu.memory_space<hbm>> -> memref<1x80xi32, #tpu.memory_space<hbm>>
    tpu.enqueue_dma source(%dma_start3A_91 : memref<1x80xi32, #tpu.memory_space<hbm>>) target(%arg8 : memref<1x80xi32, #tpu.memory_space<vmem>>) target_semaphore(%arg14 : memref<!tpu.dma_semaphore, #tpu.memory_space<semaphore_mem>>)
    %dma_start3A_92 = arith.constant 9840 : i32
    %dma_start3A_93 = tpu.memref_slice %arg7[%dma_start3A_92] : memref<10000xi32, #tpu.memory_space<vmem>> -> memref<80xi32, #tpu.memory_space<vmem>>
    %dma_start3A_94 = arith.constant 0 : i32
    %dma_start3A_95 = arith.constant 0 : i32
    %dma_start3A_96 = tpu.memref_slice %arg2[%dma_start3A_94, %dma_start3A_95] : memref<10000x128xf32, #tpu.memory_space<hbm>> -> memref<10000x128xf32, #tpu.memory_space<hbm>>
    tpu.enqueue_indirect_dma source(%dma_start3A_96 : memref<10000x128xf32, #tpu.memory_space<hbm>>) target(%arg11 : memref<80x128xf32, #tpu.memory_space<vmem>>) offsets(%dma_start3A_93 : memref<80xi32, #tpu.memory_space<vmem>>) semaphore(%arg14 : memref<!tpu.dma_semaphore, #tpu.memory_space<semaphore_mem>>)
    %dma_wait3A_97 = arith.constant 121 : i32
    %dma_wait3A_98 = arith.constant 0 : i32
    %dma_wait3A_99 = arith.constant 0 : i32
    %dma_wait3A_100 = tpu.memref_slice %arg4[%add3A, %dma_wait3A_97, %dma_wait3A_98, %dma_wait3A_99] : memref<32x125x1x80xi32, #tpu.memory_space<hbm>> -> memref<1x1x1x80xi32, #tpu.memory_space<hbm>>
    %dma_wait3A_101 = tpu.memref_squeeze %dma_wait3A_100 : memref<1x1x1x80xi32, #tpu.memory_space<hbm>> -> memref<1x80xi32, #tpu.memory_space<hbm>>
    %dma_wait3A_102 = arith.constant 0 : i32
    %dma_wait3A_103 = arith.constant 0 : i32
    %dma_wait3A_104 = tpu.memref_slice %arg4[%add3A, %dma_wait3A_97, %dma_wait3A_102, %dma_wait3A_103] : memref<32x125x1x80xi32, #tpu.memory_space<hbm>> -> memref<1x1x1x80xi32, #tpu.memory_space<hbm>>
    %dma_wait3A_105 = tpu.memref_squeeze %dma_wait3A_104 : memref<1x1x1x80xi32, #tpu.memory_space<hbm>> -> memref<1x80xi32, #tpu.memory_space<hbm>>
    tpu.wait_dma2 semaphore(%arg15 : memref<!tpu.dma_semaphore, #tpu.memory_space<semaphore_mem>>) src(%dma_wait3A_105 : memref<1x80xi32, #tpu.memory_space<hbm>>) dst(%arg9 : memref<1x80xi32, #tpu.memory_space<vmem>>)
    %dma_wait3A_106 = arith.constant 9680 : i32
    %dma_wait3A_107 = tpu.memref_slice %arg7[%dma_wait3A_106] : memref<10000xi32, #tpu.memory_space<vmem>> -> memref<80xi32, #tpu.memory_space<vmem>>
    %dma_wait3A_108 = arith.constant 0 : i32
    %dma_wait3A_109 = arith.constant 0 : i32
    %dma_wait3A_110 = tpu.memref_slice %arg2[%dma_wait3A_108, %dma_wait3A_109] : memref<10000x128xf32, #tpu.memory_space<hbm>> -> memref<10000x128xf32, #tpu.memory_space<hbm>>
    tpu.wait_indirect_dma semaphore(%arg15 : memref<!tpu.dma_semaphore, #tpu.memory_space<semaphore_mem>>) src(%dma_wait3A_110 : memref<10000x128xf32, #tpu.memory_space<hbm>>) dst(%arg12 : memref<80x128xf32, #tpu.memory_space<vmem>>)
    %run_scoped3A_111 = arith.constant 0 : i32
    "tpu.region"() ({
      %run_scoped3A_172 = tpu.sem_alloc : memref<!tpu.dma_semaphore, #tpu.memory_space<semaphore_mem>>
      %dma_start3A_173 = arith.constant 0 : i32
      %dma_start3A_174 = tpu.memref_slice %arg9[%run_scoped3A_111, %dma_start3A_173] : memref<1x80xi32, #tpu.memory_space<vmem>> -> memref<1x80xi32, #tpu.memory_space<vmem>>
      %dma_start3A_175 = tpu.memref_squeeze %dma_start3A_174 : memref<1x80xi32, #tpu.memory_space<vmem>> -> memref<80xi32, #tpu.memory_space<vmem>>
      %dma_start3A_176 = arith.constant 0 : i32
      %dma_start3A_177 = arith.constant 0 : i32
      %dma_start3A_178 = tpu.memref_slice %arg17[%dma_start3A_176, %dma_start3A_177] : memref<10112x128xf32, #tpu.memory_space<vmem_shared>> -> memref<10112x128xf32, #tpu.memory_space<vmem_shared>>
      tpu.enqueue_indirect_dma source(%arg12 : memref<80x128xf32, #tpu.memory_space<vmem>>) target(%dma_start3A_178 : memref<10112x128xf32, #tpu.memory_space<vmem_shared>>) offsets(%dma_start3A_175 : memref<80xi32, #tpu.memory_space<vmem>>) semaphore(%run_scoped3A_172 : memref<!tpu.dma_semaphore, #tpu.memory_space<semaphore_mem>>) {add = true}
      %dma_wait3A_179 = arith.constant 0 : i32
      %dma_wait3A_180 = tpu.memref_slice %arg9[%run_scoped3A_111, %dma_wait3A_179] : memref<1x80xi32, #tpu.memory_space<vmem>> -> memref<1x80xi32, #tpu.memory_space<vmem>>
      %dma_wait3A_181 = tpu.memref_squeeze %dma_wait3A_180 : memref<1x80xi32, #tpu.memory_space<vmem>> -> memref<80xi32, #tpu.memory_space<vmem>>
      %dma_wait3A_182 = arith.constant 0 : i32
      %dma_wait3A_183 = arith.constant 0 : i32
      %dma_wait3A_184 = tpu.memref_slice %arg17[%dma_wait3A_182, %dma_wait3A_183] : memref<10112x128xf32, #tpu.memory_space<vmem_shared>> -> memref<10112x128xf32, #tpu.memory_space<vmem_shared>>
      tpu.wait_indirect_dma semaphore(%run_scoped3A_172 : memref<!tpu.dma_semaphore, #tpu.memory_space<semaphore_mem>>) src(%arg12 : memref<80x128xf32, #tpu.memory_space<vmem>>) dst(%dma_wait3A_184 : memref<10112x128xf32, #tpu.memory_space<vmem_shared>>)
      tpu.yield
    }) : () -> ()
    %dma_start3A_112 = arith.constant 124 : i32
    %dma_start3A_113 = arith.constant 0 : i32
    %dma_start3A_114 = arith.constant 0 : i32
    %dma_start3A_115 = tpu.memref_slice %arg4[%add3A, %dma_start3A_112, %dma_start3A_113, %dma_start3A_114] : memref<32x125x1x80xi32, #tpu.memory_space<hbm>> -> memref<1x1x1x80xi32, #tpu.memory_space<hbm>>
    %dma_start3A_116 = tpu.memref_squeeze %dma_start3A_115 : memref<1x1x1x80xi32, #tpu.memory_space<hbm>> -> memref<1x80xi32, #tpu.memory_space<hbm>>
    %dma_start3A_117 = arith.constant 0 : i32
    %dma_start3A_118 = arith.constant 0 : i32
    %dma_start3A_119 = tpu.memref_slice %arg4[%add3A, %dma_start3A_112, %dma_start3A_117, %dma_start3A_118] : memref<32x125x1x80xi32, #tpu.memory_space<hbm>> -> memref<1x1x1x80xi32, #tpu.memory_space<hbm>>
    %dma_start3A_120 = tpu.memref_squeeze %dma_start3A_119 : memref<1x1x1x80xi32, #tpu.memory_space<hbm>> -> memref<1x80xi32, #tpu.memory_space<hbm>>
    tpu.enqueue_dma source(%dma_start3A_120 : memref<1x80xi32, #tpu.memory_space<hbm>>) target(%arg9 : memref<1x80xi32, #tpu.memory_space<vmem>>) target_semaphore(%arg15 : memref<!tpu.dma_semaphore, #tpu.memory_space<semaphore_mem>>)
    %dma_start3A_121 = arith.constant 9920 : i32
    %dma_start3A_122 = tpu.memref_slice %arg7[%dma_start3A_121] : memref<10000xi32, #tpu.memory_space<vmem>> -> memref<80xi32, #tpu.memory_space<vmem>>
    %dma_start3A_123 = arith.constant 0 : i32
    %dma_start3A_124 = arith.constant 0 : i32
    %dma_start3A_125 = tpu.memref_slice %arg2[%dma_start3A_123, %dma_start3A_124] : memref<10000x128xf32, #tpu.memory_space<hbm>> -> memref<10000x128xf32, #tpu.memory_space<hbm>>
    tpu.enqueue_indirect_dma source(%dma_start3A_125 : memref<10000x128xf32, #tpu.memory_space<hbm>>) target(%arg12 : memref<80x128xf32, #tpu.memory_space<vmem>>) offsets(%dma_start3A_122 : memref<80xi32, #tpu.memory_space<vmem>>) semaphore(%arg15 : memref<!tpu.dma_semaphore, #tpu.memory_space<semaphore_mem>>)
    %dma_wait3A_126 = arith.constant 122 : i32
    %dma_wait3A_127 = arith.constant 0 : i32
    %dma_wait3A_128 = arith.constant 0 : i32
    %dma_wait3A_129 = tpu.memref_slice %arg4[%add3A, %dma_wait3A_126, %dma_wait3A_127, %dma_wait3A_128] : memref<32x125x1x80xi32, #tpu.memory_space<hbm>> -> memref<1x1x1x80xi32, #tpu.memory_space<hbm>>
    %dma_wait3A_130 = tpu.memref_squeeze %dma_wait3A_129 : memref<1x1x1x80xi32, #tpu.memory_space<hbm>> -> memref<1x80xi32, #tpu.memory_space<hbm>>
    %dma_wait3A_131 = arith.constant 0 : i32
    %dma_wait3A_132 = arith.constant 0 : i32
    %dma_wait3A_133 = tpu.memref_slice %arg4[%add3A, %dma_wait3A_126, %dma_wait3A_131, %dma_wait3A_132] : memref<32x125x1x80xi32, #tpu.memory_space<hbm>> -> memref<1x1x1x80xi32, #tpu.memory_space<hbm>>
    %dma_wait3A_134 = tpu.memref_squeeze %dma_wait3A_133 : memref<1x1x1x80xi32, #tpu.memory_space<hbm>> -> memref<1x80xi32, #tpu.memory_space<hbm>>
    tpu.wait_dma2 semaphore(%arg16 : memref<!tpu.dma_semaphore, #tpu.memory_space<semaphore_mem>>) src(%dma_wait3A_134 : memref<1x80xi32, #tpu.memory_space<hbm>>) dst(%arg10 : memref<1x80xi32, #tpu.memory_space<vmem>>)
    %dma_wait3A_135 = arith.constant 9760 : i32
    %dma_wait3A_136 = tpu.memref_slice %arg7[%dma_wait3A_135] : memref<10000xi32, #tpu.memory_space<vmem>> -> memref<80xi32, #tpu.memory_space<vmem>>
    %dma_wait3A_137 = arith.constant 0 : i32
    %dma_wait3A_138 = arith.constant 0 : i32
    %dma_wait3A_139 = tpu.memref_slice %arg2[%dma_wait3A_137, %dma_wait3A_138] : memref<10000x128xf32, #tpu.memory_space<hbm>> -> memref<10000x128xf32, #tpu.memory_space<hbm>>
    tpu.wait_indirect_dma semaphore(%arg16 : memref<!tpu.dma_semaphore, #tpu.memory_space<semaphore_mem>>) src(%dma_wait3A_139 : memref<10000x128xf32, #tpu.memory_space<hbm>>) dst(%arg13 : memref<80x128xf32, #tpu.memory_space<vmem>>)
    %run_scoped3A_140 = arith.constant 0 : i32
    "tpu.region"() ({
      %run_scoped3A_172 = tpu.sem_alloc : memref<!tpu.dma_semaphore, #tpu.memory_space<semaphore_mem>>
      %dma_start3A_173 = arith.constant 0 : i32
      %dma_start3A_174 = tpu.memref_slice %arg10[%run_scoped3A_140, %dma_start3A_173] : memref<1x80xi32, #tpu.memory_space<vmem>> -> memref<1x80xi32, #tpu.memory_space<vmem>>
      %dma_start3A_175 = tpu.memref_squeeze %dma_start3A_174 : memref<1x80xi32, #tpu.memory_space<vmem>> -> memref<80xi32, #tpu.memory_space<vmem>>
      %dma_start3A_176 = arith.constant 0 : i32
      %dma_start3A_177 = arith.constant 0 : i32
      %dma_start3A_178 = tpu.memref_slice %arg17[%dma_start3A_176, %dma_start3A_177] : memref<10112x128xf32, #tpu.memory_space<vmem_shared>> -> memref<10112x128xf32, #tpu.memory_space<vmem_shared>>
      tpu.enqueue_indirect_dma source(%arg13 : memref<80x128xf32, #tpu.memory_space<vmem>>) target(%dma_start3A_178 : memref<10112x128xf32, #tpu.memory_space<vmem_shared>>) offsets(%dma_start3A_175 : memref<80xi32, #tpu.memory_space<vmem>>) semaphore(%run_scoped3A_172 : memref<!tpu.dma_semaphore, #tpu.memory_space<semaphore_mem>>) {add = true}
      %dma_wait3A_179 = arith.constant 0 : i32
      %dma_wait3A_180 = tpu.memref_slice %arg10[%run_scoped3A_140, %dma_wait3A_179] : memref<1x80xi32, #tpu.memory_space<vmem>> -> memref<1x80xi32, #tpu.memory_space<vmem>>
      %dma_wait3A_181 = tpu.memref_squeeze %dma_wait3A_180 : memref<1x80xi32, #tpu.memory_space<vmem>> -> memref<80xi32, #tpu.memory_space<vmem>>
      %dma_wait3A_182 = arith.constant 0 : i32
      %dma_wait3A_183 = arith.constant 0 : i32
      %dma_wait3A_184 = tpu.memref_slice %arg17[%dma_wait3A_182, %dma_wait3A_183] : memref<10112x128xf32, #tpu.memory_space<vmem_shared>> -> memref<10112x128xf32, #tpu.memory_space<vmem_shared>>
      tpu.wait_indirect_dma semaphore(%run_scoped3A_172 : memref<!tpu.dma_semaphore, #tpu.memory_space<semaphore_mem>>) src(%arg13 : memref<80x128xf32, #tpu.memory_space<vmem>>) dst(%dma_wait3A_184 : memref<10112x128xf32, #tpu.memory_space<vmem_shared>>)
      tpu.yield
    }) : () -> ()
    %dma_wait3A_141 = arith.constant 123 : i32
    %dma_wait3A_142 = arith.constant 0 : i32
    %dma_wait3A_143 = arith.constant 0 : i32
    %dma_wait3A_144 = tpu.memref_slice %arg4[%add3A, %dma_wait3A_141, %dma_wait3A_142, %dma_wait3A_143] : memref<32x125x1x80xi32, #tpu.memory_space<hbm>> -> memref<1x1x1x80xi32, #tpu.memory_space<hbm>>
    %dma_wait3A_145 = tpu.memref_squeeze %dma_wait3A_144 : memref<1x1x1x80xi32, #tpu.memory_space<hbm>> -> memref<1x80xi32, #tpu.memory_space<hbm>>
    %dma_wait3A_146 = arith.constant 0 : i32
    %dma_wait3A_147 = arith.constant 0 : i32
    %dma_wait3A_148 = tpu.memref_slice %arg4[%add3A, %dma_wait3A_141, %dma_wait3A_146, %dma_wait3A_147] : memref<32x125x1x80xi32, #tpu.memory_space<hbm>> -> memref<1x1x1x80xi32, #tpu.memory_space<hbm>>
    %dma_wait3A_149 = tpu.memref_squeeze %dma_wait3A_148 : memref<1x1x1x80xi32, #tpu.memory_space<hbm>> -> memref<1x80xi32, #tpu.memory_space<hbm>>
    tpu.wait_dma2 semaphore(%arg14 : memref<!tpu.dma_semaphore, #tpu.memory_space<semaphore_mem>>) src(%dma_wait3A_149 : memref<1x80xi32, #tpu.memory_space<hbm>>) dst(%arg8 : memref<1x80xi32, #tpu.memory_space<vmem>>)
    %dma_wait3A_150 = arith.constant 9840 : i32
    %dma_wait3A_151 = tpu.memref_slice %arg7[%dma_wait3A_150] : memref<10000xi32, #tpu.memory_space<vmem>> -> memref<80xi32, #tpu.memory_space<vmem>>
    %dma_wait3A_152 = arith.constant 0 : i32
    %dma_wait3A_153 = arith.constant 0 : i32
    %dma_wait3A_154 = tpu.memref_slice %arg2[%dma_wait3A_152, %dma_wait3A_153] : memref<10000x128xf32, #tpu.memory_space<hbm>> -> memref<10000x128xf32, #tpu.memory_space<hbm>>
    tpu.wait_indirect_dma semaphore(%arg14 : memref<!tpu.dma_semaphore, #tpu.memory_space<semaphore_mem>>) src(%dma_wait3A_154 : memref<10000x128xf32, #tpu.memory_space<hbm>>) dst(%arg11 : memref<80x128xf32, #tpu.memory_space<vmem>>)
    %run_scoped3A_155 = arith.constant 0 : i32
    "tpu.region"() ({
      %run_scoped3A_172 = tpu.sem_alloc : memref<!tpu.dma_semaphore, #tpu.memory_space<semaphore_mem>>
      %dma_start3A_173 = arith.constant 0 : i32
      %dma_start3A_174 = tpu.memref_slice %arg8[%run_scoped3A_155, %dma_start3A_173] : memref<1x80xi32, #tpu.memory_space<vmem>> -> memref<1x80xi32, #tpu.memory_space<vmem>>
      %dma_start3A_175 = tpu.memref_squeeze %dma_start3A_174 : memref<1x80xi32, #tpu.memory_space<vmem>> -> memref<80xi32, #tpu.memory_space<vmem>>
      %dma_start3A_176 = arith.constant 0 : i32
      %dma_start3A_177 = arith.constant 0 : i32
      %dma_start3A_178 = tpu.memref_slice %arg17[%dma_start3A_176, %dma_start3A_177] : memref<10112x128xf32, #tpu.memory_space<vmem_shared>> -> memref<10112x128xf32, #tpu.memory_space<vmem_shared>>
      tpu.enqueue_indirect_dma source(%arg11 : memref<80x128xf32, #tpu.memory_space<vmem>>) target(%dma_start3A_178 : memref<10112x128xf32, #tpu.memory_space<vmem_shared>>) offsets(%dma_start3A_175 : memref<80xi32, #tpu.memory_space<vmem>>) semaphore(%run_scoped3A_172 : memref<!tpu.dma_semaphore, #tpu.memory_space<semaphore_mem>>) {add = true}
      %dma_wait3A_179 = arith.constant 0 : i32
      %dma_wait3A_180 = tpu.memref_slice %arg8[%run_scoped3A_155, %dma_wait3A_179] : memref<1x80xi32, #tpu.memory_space<vmem>> -> memref<1x80xi32, #tpu.memory_space<vmem>>
      %dma_wait3A_181 = tpu.memref_squeeze %dma_wait3A_180 : memref<1x80xi32, #tpu.memory_space<vmem>> -> memref<80xi32, #tpu.memory_space<vmem>>
      %dma_wait3A_182 = arith.constant 0 : i32
      %dma_wait3A_183 = arith.constant 0 : i32
      %dma_wait3A_184 = tpu.memref_slice %arg17[%dma_wait3A_182, %dma_wait3A_183] : memref<10112x128xf32, #tpu.memory_space<vmem_shared>> -> memref<10112x128xf32, #tpu.memory_space<vmem_shared>>
      tpu.wait_indirect_dma semaphore(%run_scoped3A_172 : memref<!tpu.dma_semaphore, #tpu.memory_space<semaphore_mem>>) src(%arg11 : memref<80x128xf32, #tpu.memory_space<vmem>>) dst(%dma_wait3A_184 : memref<10112x128xf32, #tpu.memory_space<vmem_shared>>)
      tpu.yield
    }) : () -> ()
    %dma_wait3A_156 = arith.constant 124 : i32
    %dma_wait3A_157 = arith.constant 0 : i32
    %dma_wait3A_158 = arith.constant 0 : i32
    %dma_wait3A_159 = tpu.memref_slice %arg4[%add3A, %dma_wait3A_156, %dma_wait3A_157, %dma_wait3A_158] : memref<32x125x1x80xi32, #tpu.memory_space<hbm>> -> memref<1x1x1x80xi32, #tpu.memory_space<hbm>>
    %dma_wait3A_160 = tpu.memref_squeeze %dma_wait3A_159 : memref<1x1x1x80xi32, #tpu.memory_space<hbm>> -> memref<1x80xi32, #tpu.memory_space<hbm>>
    %dma_wait3A_161 = arith.constant 0 : i32
    %dma_wait3A_162 = arith.constant 0 : i32
    %dma_wait3A_163 = tpu.memref_slice %arg4[%add3A, %dma_wait3A_156, %dma_wait3A_161, %dma_wait3A_162] : memref<32x125x1x80xi32, #tpu.memory_space<hbm>> -> memref<1x1x1x80xi32, #tpu.memory_space<hbm>>
    %dma_wait3A_164 = tpu.memref_squeeze %dma_wait3A_163 : memref<1x1x1x80xi32, #tpu.memory_space<hbm>> -> memref<1x80xi32, #tpu.memory_space<hbm>>
    tpu.wait_dma2 semaphore(%arg15 : memref<!tpu.dma_semaphore, #tpu.memory_space<semaphore_mem>>) src(%dma_wait3A_164 : memref<1x80xi32, #tpu.memory_space<hbm>>) dst(%arg9 : memref<1x80xi32, #tpu.memory_space<vmem>>)
    %dma_wait3A_165 = arith.constant 9920 : i32
    %dma_wait3A_166 = tpu.memref_slice %arg7[%dma_wait3A_165] : memref<10000xi32, #tpu.memory_space<vmem>> -> memref<80xi32, #tpu.memory_space<vmem>>
    %dma_wait3A_167 = arith.constant 0 : i32
    %dma_wait3A_168 = arith.constant 0 : i32
    %dma_wait3A_169 = tpu.memref_slice %arg2[%dma_wait3A_167, %dma_wait3A_168] : memref<10000x128xf32, #tpu.memory_space<hbm>> -> memref<10000x128xf32, #tpu.memory_space<hbm>>
    tpu.wait_indirect_dma semaphore(%arg15 : memref<!tpu.dma_semaphore, #tpu.memory_space<semaphore_mem>>) src(%dma_wait3A_169 : memref<10000x128xf32, #tpu.memory_space<hbm>>) dst(%arg12 : memref<80x128xf32, #tpu.memory_space<vmem>>)
    %run_scoped3A_170 = arith.constant 0 : i32
    "tpu.region"() ({
      %run_scoped3A_172 = tpu.sem_alloc : memref<!tpu.dma_semaphore, #tpu.memory_space<semaphore_mem>>
      %dma_start3A_173 = arith.constant 0 : i32
      %dma_start3A_174 = tpu.memref_slice %arg9[%run_scoped3A_170, %dma_start3A_173] : memref<1x80xi32, #tpu.memory_space<vmem>> -> memref<1x80xi32, #tpu.memory_space<vmem>>
      %dma_start3A_175 = tpu.memref_squeeze %dma_start3A_174 : memref<1x80xi32, #tpu.memory_space<vmem>> -> memref<80xi32, #tpu.memory_space<vmem>>
      %dma_start3A_176 = arith.constant 0 : i32
      %dma_start3A_177 = arith.constant 0 : i32
      %dma_start3A_178 = tpu.memref_slice %arg17[%dma_start3A_176, %dma_start3A_177] : memref<10112x128xf32, #tpu.memory_space<vmem_shared>> -> memref<10112x128xf32, #tpu.memory_space<vmem_shared>>
      tpu.enqueue_indirect_dma source(%arg12 : memref<80x128xf32, #tpu.memory_space<vmem>>) target(%dma_start3A_178 : memref<10112x128xf32, #tpu.memory_space<vmem_shared>>) offsets(%dma_start3A_175 : memref<80xi32, #tpu.memory_space<vmem>>) semaphore(%run_scoped3A_172 : memref<!tpu.dma_semaphore, #tpu.memory_space<semaphore_mem>>) {add = true}
      %dma_wait3A_179 = arith.constant 0 : i32
      %dma_wait3A_180 = tpu.memref_slice %arg9[%run_scoped3A_170, %dma_wait3A_179] : memref<1x80xi32, #tpu.memory_space<vmem>> -> memref<1x80xi32, #tpu.memory_space<vmem>>
      %dma_wait3A_181 = tpu.memref_squeeze %dma_wait3A_180 : memref<1x80xi32, #tpu.memory_space<vmem>> -> memref<80xi32, #tpu.memory_space<vmem>>
      %dma_wait3A_182 = arith.constant 0 : i32
      %dma_wait3A_183 = arith.constant 0 : i32
      %dma_wait3A_184 = tpu.memref_slice %arg17[%dma_wait3A_182, %dma_wait3A_183] : memref<10112x128xf32, #tpu.memory_space<vmem_shared>> -> memref<10112x128xf32, #tpu.memory_space<vmem_shared>>
      tpu.wait_indirect_dma semaphore(%run_scoped3A_172 : memref<!tpu.dma_semaphore, #tpu.memory_space<semaphore_mem>>) src(%arg12 : memref<80x128xf32, #tpu.memory_space<vmem>>) dst(%dma_wait3A_184 : memref<10112x128xf32, #tpu.memory_space<vmem_shared>>)
      tpu.yield
    }) : () -> ()
    %barrier3A_171 = arith.constant 0 : index
    tpu.barrier barrier_id(%barrier3A_171)
    "tpu.region"() ({
      %run_scoped3A_172 = tpu.sem_alloc : memref<!tpu.dma_semaphore, #tpu.memory_space<semaphore_mem>>
      %dma_start3A_173 = arith.constant 0 : i32
      %dma_start3A_174 = tpu.memref_slice %arg6[%arg0, %mul3A_2, %dma_start3A_173] : memref<2x10112x128xf32, #tpu.memory_space<hbm>> -> memref<1x632x128xf32, #tpu.memory_space<hbm>>
      %dma_start3A_175 = tpu.memref_squeeze %dma_start3A_174 : memref<1x632x128xf32, #tpu.memory_space<hbm>> -> memref<632x128xf32, #tpu.memory_space<hbm>>
      %dma_start3A_176 = arith.constant 0 : i32
      %dma_start3A_177 = tpu.memref_slice %arg17[%mul3A_2, %dma_start3A_176] : memref<10112x128xf32, #tpu.memory_space<vmem_shared>> -> memref<632x128xf32, #tpu.memory_space<vmem_shared>>
      tpu.enqueue_dma source(%dma_start3A_177 : memref<632x128xf32, #tpu.memory_space<vmem_shared>>) target(%dma_start3A_175 : memref<632x128xf32, #tpu.memory_space<hbm>>) target_semaphore(%run_scoped3A_172 : memref<!tpu.dma_semaphore, #tpu.memory_space<semaphore_mem>>)
      %dma_wait3A_178 = arith.constant 0 : i32
      %dma_wait3A_179 = tpu.memref_slice %arg6[%arg0, %mul3A_2, %dma_wait3A_178] : memref<2x10112x128xf32, #tpu.memory_space<hbm>> -> memref<1x632x128xf32, #tpu.memory_space<hbm>>
      %dma_wait3A_180 = tpu.memref_squeeze %dma_wait3A_179 : memref<1x632x128xf32, #tpu.memory_space<hbm>> -> memref<632x128xf32, #tpu.memory_space<hbm>>
      %dma_wait3A_181 = arith.constant 0 : i32
      %dma_wait3A_182 = tpu.memref_slice %arg17[%mul3A_2, %dma_wait3A_181] : memref<10112x128xf32, #tpu.memory_space<vmem_shared>> -> memref<632x128xf32, #tpu.memory_space<vmem_shared>>
      tpu.wait_dma2 semaphore(%run_scoped3A_172 : memref<!tpu.dma_semaphore, #tpu.memory_space<semaphore_mem>>) src(%dma_wait3A_182 : memref<632x128xf32, #tpu.memory_space<vmem_shared>>) dst(%dma_wait3A_180 : memref<632x128xf32, #tpu.memory_space<hbm>>)
      tpu.yield
    }) : () -> ()
    return
  }
}

#map = affine_map<(d0, d1) -> (0, 0, 0, 0)>
#map1 = affine_map<(d0, d1) -> (0, 0)>
#map2 = affine_map<(d0, d1) -> (0, 0, 0)>
module attributes {stable_mosaic.version = 14 : i64} {
  func.func @_count_body(%arg0: i32, %arg1: i32, %arg2: memref<32x125x1x80xi32, #tpu.memory_space<hbm>>, %arg3: memref<10112x16xf32, #tpu.memory_space<hbm>>, %arg4: memref<80x16xf32, #tpu.memory_space<hbm>>, %arg5: memref<2x10112x16xf32, #tpu.memory_space<hbm>>, %arg6: memref<80x16xf32, #tpu.memory_space<vmem>>, %arg7: memref<1x80xi32, #tpu.memory_space<vmem>>, %arg8: memref<1x80xi32, #tpu.memory_space<vmem>>, %arg9: memref<1x80xi32, #tpu.memory_space<vmem>>, %arg10: memref<1x80xi32, #tpu.memory_space<vmem>>, %arg11: memref<1x80xi32, #tpu.memory_space<vmem>>, %arg12: memref<!tpu.dma_semaphore, #tpu.memory_space<semaphore_mem>>, %arg13: memref<!tpu.dma_semaphore, #tpu.memory_space<semaphore_mem>>, %arg14: memref<!tpu.dma_semaphore, #tpu.memory_space<semaphore_mem>>, %arg15: memref<!tpu.dma_semaphore, #tpu.memory_space<semaphore_mem>>, %arg16: memref<!tpu.dma_semaphore, #tpu.memory_space<semaphore_mem>>, %arg17: memref<10112x16xf32, #tpu.memory_space<vmem_shared>>) attributes {dimension_semantics = [#tpu.dimension_semantics<core_parallel>, #tpu.dimension_semantics<subcore_parallel>], iteration_bounds = array<i64: 2, 16>, scalar_prefetch = 0 : i64, scratch_operands = 12 : i64, tpu.core_type = #tpu.core_type<sc_vector_subcore>, window_params = [{transform_indices = #map}, {transform_indices = #map1}, {transform_indices = #map1}, {transform_indices = #map2}]} {
    %mul3A = arith.constant 16 : i32
    %mul3A_0 = arith.muli %arg0, %mul3A : i32
    %add3A = arith.addi %mul3A_0, %arg1 : i32
    %mul3A_1 = arith.constant 632 : i32
    %mul3A_2 = arith.muli %arg1, %mul3A_1 : i32
    "tpu.region"() ({
      %run_scoped3A_100 = tpu.sem_alloc : memref<!tpu.dma_semaphore, #tpu.memory_space<semaphore_mem>>
      %dma_start3A_101 = arith.constant 0 : i32
      %dma_start3A_102 = tpu.memref_slice %arg17[%mul3A_2, %dma_start3A_101] : memref<10112x16xf32, #tpu.memory_space<vmem_shared>> -> memref<632x16xf32, #tpu.memory_space<vmem_shared>>
      %dma_start3A_103 = arith.constant 0 : i32
      %dma_start3A_104 = tpu.memref_slice %arg3[%mul3A_2, %dma_start3A_103] : memref<10112x16xf32, #tpu.memory_space<hbm>> -> memref<632x16xf32, #tpu.memory_space<hbm>>
      tpu.enqueue_dma source(%dma_start3A_104 : memref<632x16xf32, #tpu.memory_space<hbm>>) target(%dma_start3A_102 : memref<632x16xf32, #tpu.memory_space<vmem_shared>>) target_semaphore(%run_scoped3A_100 : memref<!tpu.dma_semaphore, #tpu.memory_space<semaphore_mem>>)
      %dma_wait3A_105 = arith.constant 0 : i32
      %dma_wait3A_106 = tpu.memref_slice %arg17[%mul3A_2, %dma_wait3A_105] : memref<10112x16xf32, #tpu.memory_space<vmem_shared>> -> memref<632x16xf32, #tpu.memory_space<vmem_shared>>
      %dma_wait3A_107 = arith.constant 0 : i32
      %dma_wait3A_108 = tpu.memref_slice %arg3[%mul3A_2, %dma_wait3A_107] : memref<10112x16xf32, #tpu.memory_space<hbm>> -> memref<632x16xf32, #tpu.memory_space<hbm>>
      tpu.wait_dma2 semaphore(%run_scoped3A_100 : memref<!tpu.dma_semaphore, #tpu.memory_space<semaphore_mem>>) src(%dma_wait3A_108 : memref<632x16xf32, #tpu.memory_space<hbm>>) dst(%dma_wait3A_106 : memref<632x16xf32, #tpu.memory_space<vmem_shared>>)
      tpu.yield
    }) : () -> ()
    "tpu.region"() ({
      %run_scoped3A_100 = tpu.sem_alloc : memref<!tpu.dma_semaphore, #tpu.memory_space<semaphore_mem>>
      tpu.enqueue_dma source(%arg4 : memref<80x16xf32, #tpu.memory_space<hbm>>) target(%arg6 : memref<80x16xf32, #tpu.memory_space<vmem>>) target_semaphore(%run_scoped3A_100 : memref<!tpu.dma_semaphore, #tpu.memory_space<semaphore_mem>>)
      tpu.wait_dma2 semaphore(%run_scoped3A_100 : memref<!tpu.dma_semaphore, #tpu.memory_space<semaphore_mem>>) src(%arg4 : memref<80x16xf32, #tpu.memory_space<hbm>>) dst(%arg6 : memref<80x16xf32, #tpu.memory_space<vmem>>)
      tpu.yield
    }) : () -> ()
    %barrier3A = arith.constant 0 : index
    tpu.barrier barrier_id(%barrier3A)
    %dma_start3A = arith.constant 0 : i32
    %dma_start3A_3 = arith.constant 0 : i32
    %dma_start3A_4 = arith.constant 0 : i32
    %dma_start3A_5 = tpu.memref_slice %arg2[%add3A, %dma_start3A, %dma_start3A_3, %dma_start3A_4] : memref<32x125x1x80xi32, #tpu.memory_space<hbm>> -> memref<1x1x1x80xi32, #tpu.memory_space<hbm>>
    %dma_start3A_6 = tpu.memref_squeeze %dma_start3A_5 : memref<1x1x1x80xi32, #tpu.memory_space<hbm>> -> memref<1x80xi32, #tpu.memory_space<hbm>>
    %dma_start3A_7 = arith.constant 0 : i32
    %dma_start3A_8 = arith.constant 0 : i32
    %dma_start3A_9 = tpu.memref_slice %arg2[%add3A, %dma_start3A, %dma_start3A_7, %dma_start3A_8] : memref<32x125x1x80xi32, #tpu.memory_space<hbm>> -> memref<1x1x1x80xi32, #tpu.memory_space<hbm>>
    %dma_start3A_10 = tpu.memref_squeeze %dma_start3A_9 : memref<1x1x1x80xi32, #tpu.memory_space<hbm>> -> memref<1x80xi32, #tpu.memory_space<hbm>>
    tpu.enqueue_dma source(%dma_start3A_10 : memref<1x80xi32, #tpu.memory_space<hbm>>) target(%arg7 : memref<1x80xi32, #tpu.memory_space<vmem>>) target_semaphore(%arg12 : memref<!tpu.dma_semaphore, #tpu.memory_space<semaphore_mem>>)
    %dma_start3A_11 = arith.constant 1 : i32
    %dma_start3A_12 = arith.constant 0 : i32
    %dma_start3A_13 = arith.constant 0 : i32
    %dma_start3A_14 = tpu.memref_slice %arg2[%add3A, %dma_start3A_11, %dma_start3A_12, %dma_start3A_13] : memref<32x125x1x80xi32, #tpu.memory_space<hbm>> -> memref<1x1x1x80xi32, #tpu.memory_space<hbm>>
    %dma_start3A_15 = tpu.memref_squeeze %dma_start3A_14 : memref<1x1x1x80xi32, #tpu.memory_space<hbm>> -> memref<1x80xi32, #tpu.memory_space<hbm>>
    %dma_start3A_16 = arith.constant 0 : i32
    %dma_start3A_17 = arith.constant 0 : i32
    %dma_start3A_18 = tpu.memref_slice %arg2[%add3A, %dma_start3A_11, %dma_start3A_16, %dma_start3A_17] : memref<32x125x1x80xi32, #tpu.memory_space<hbm>> -> memref<1x1x1x80xi32, #tpu.memory_space<hbm>>
    %dma_start3A_19 = tpu.memref_squeeze %dma_start3A_18 : memref<1x1x1x80xi32, #tpu.memory_space<hbm>> -> memref<1x80xi32, #tpu.memory_space<hbm>>
    tpu.enqueue_dma source(%dma_start3A_19 : memref<1x80xi32, #tpu.memory_space<hbm>>) target(%arg8 : memref<1x80xi32, #tpu.memory_space<vmem>>) target_semaphore(%arg13 : memref<!tpu.dma_semaphore, #tpu.memory_space<semaphore_mem>>)
    %dma_start3A_20 = arith.constant 2 : i32
    %dma_start3A_21 = arith.constant 0 : i32
    %dma_start3A_22 = arith.constant 0 : i32
    %dma_start3A_23 = tpu.memref_slice %arg2[%add3A, %dma_start3A_20, %dma_start3A_21, %dma_start3A_22] : memref<32x125x1x80xi32, #tpu.memory_space<hbm>> -> memref<1x1x1x80xi32, #tpu.memory_space<hbm>>
    %dma_start3A_24 = tpu.memref_squeeze %dma_start3A_23 : memref<1x1x1x80xi32, #tpu.memory_space<hbm>> -> memref<1x80xi32, #tpu.memory_space<hbm>>
    %dma_start3A_25 = arith.constant 0 : i32
    %dma_start3A_26 = arith.constant 0 : i32
    %dma_start3A_27 = tpu.memref_slice %arg2[%add3A, %dma_start3A_20, %dma_start3A_25, %dma_start3A_26] : memref<32x125x1x80xi32, #tpu.memory_space<hbm>> -> memref<1x1x1x80xi32, #tpu.memory_space<hbm>>
    %dma_start3A_28 = tpu.memref_squeeze %dma_start3A_27 : memref<1x1x1x80xi32, #tpu.memory_space<hbm>> -> memref<1x80xi32, #tpu.memory_space<hbm>>
    tpu.enqueue_dma source(%dma_start3A_28 : memref<1x80xi32, #tpu.memory_space<hbm>>) target(%arg9 : memref<1x80xi32, #tpu.memory_space<vmem>>) target_semaphore(%arg14 : memref<!tpu.dma_semaphore, #tpu.memory_space<semaphore_mem>>)
    %dma_start3A_29 = arith.constant 3 : i32
    %dma_start3A_30 = arith.constant 0 : i32
    %dma_start3A_31 = arith.constant 0 : i32
    %dma_start3A_32 = tpu.memref_slice %arg2[%add3A, %dma_start3A_29, %dma_start3A_30, %dma_start3A_31] : memref<32x125x1x80xi32, #tpu.memory_space<hbm>> -> memref<1x1x1x80xi32, #tpu.memory_space<hbm>>
    %dma_start3A_33 = tpu.memref_squeeze %dma_start3A_32 : memref<1x1x1x80xi32, #tpu.memory_space<hbm>> -> memref<1x80xi32, #tpu.memory_space<hbm>>
    %dma_start3A_34 = arith.constant 0 : i32
    %dma_start3A_35 = arith.constant 0 : i32
    %dma_start3A_36 = tpu.memref_slice %arg2[%add3A, %dma_start3A_29, %dma_start3A_34, %dma_start3A_35] : memref<32x125x1x80xi32, #tpu.memory_space<hbm>> -> memref<1x1x1x80xi32, #tpu.memory_space<hbm>>
    %dma_start3A_37 = tpu.memref_squeeze %dma_start3A_36 : memref<1x1x1x80xi32, #tpu.memory_space<hbm>> -> memref<1x80xi32, #tpu.memory_space<hbm>>
    tpu.enqueue_dma source(%dma_start3A_37 : memref<1x80xi32, #tpu.memory_space<hbm>>) target(%arg10 : memref<1x80xi32, #tpu.memory_space<vmem>>) target_semaphore(%arg15 : memref<!tpu.dma_semaphore, #tpu.memory_space<semaphore_mem>>)
    %dma_start3A_38 = arith.constant 4 : i32
    %dma_start3A_39 = arith.constant 0 : i32
    %dma_start3A_40 = arith.constant 0 : i32
    %dma_start3A_41 = tpu.memref_slice %arg2[%add3A, %dma_start3A_38, %dma_start3A_39, %dma_start3A_40] : memref<32x125x1x80xi32, #tpu.memory_space<hbm>> -> memref<1x1x1x80xi32, #tpu.memory_space<hbm>>
    %dma_start3A_42 = tpu.memref_squeeze %dma_start3A_41 : memref<1x1x1x80xi32, #tpu.memory_space<hbm>> -> memref<1x80xi32, #tpu.memory_space<hbm>>
    %dma_start3A_43 = arith.constant 0 : i32
    %dma_start3A_44 = arith.constant 0 : i32
    %dma_start3A_45 = tpu.memref_slice %arg2[%add3A, %dma_start3A_38, %dma_start3A_43, %dma_start3A_44] : memref<32x125x1x80xi32, #tpu.memory_space<hbm>> -> memref<1x1x1x80xi32, #tpu.memory_space<hbm>>
    %dma_start3A_46 = tpu.memref_squeeze %dma_start3A_45 : memref<1x1x1x80xi32, #tpu.memory_space<hbm>> -> memref<1x80xi32, #tpu.memory_space<hbm>>
    tpu.enqueue_dma source(%dma_start3A_46 : memref<1x80xi32, #tpu.memory_space<hbm>>) target(%arg11 : memref<1x80xi32, #tpu.memory_space<vmem>>) target_semaphore(%arg16 : memref<!tpu.dma_semaphore, #tpu.memory_space<semaphore_mem>>)
    %scan3A = arith.constant 0 : i32
    %scan3A_47 = arith.constant 24 : i32
    %scan3A_48 = arith.addi %scan3A, %scan3A_47 : i32
    %scan3A_49 = arith.constant 1 : i32
    scf.for %scan3A_100 = %scan3A to %scan3A_48 step %scan3A_49  : i32 {
      %mul3A_101 = arith.constant 5 : i32
      %mul3A_102 = arith.muli %scan3A_100, %mul3A_101 : i32
      %add3A_103 = arith.constant 0 : i32
      %add3A_104 = arith.addi %add3A_103, %mul3A_102 : i32
      %add3A_105 = arith.constant 0 : i32
      %add3A_106 = arith.addi %add3A_104, %add3A_105 : i32
      %dma_wait3A_107 = arith.constant 0 : i32
      %dma_wait3A_108 = arith.constant 0 : i32
      %dma_wait3A_109 = tpu.memref_slice %arg2[%add3A, %add3A_106, %dma_wait3A_107, %dma_wait3A_108] : memref<32x125x1x80xi32, #tpu.memory_space<hbm>> -> memref<1x1x1x80xi32, #tpu.memory_space<hbm>>
      %dma_wait3A_110 = tpu.memref_squeeze %dma_wait3A_109 : memref<1x1x1x80xi32, #tpu.memory_space<hbm>> -> memref<1x80xi32, #tpu.memory_space<hbm>>
      %dma_wait3A_111 = arith.constant 0 : i32
      %dma_wait3A_112 = arith.constant 0 : i32
      %dma_wait3A_113 = tpu.memref_slice %arg2[%add3A, %add3A_106, %dma_wait3A_111, %dma_wait3A_112] : memref<32x125x1x80xi32, #tpu.memory_space<hbm>> -> memref<1x1x1x80xi32, #tpu.memory_space<hbm>>
      %dma_wait3A_114 = tpu.memref_squeeze %dma_wait3A_113 : memref<1x1x1x80xi32, #tpu.memory_space<hbm>> -> memref<1x80xi32, #tpu.memory_space<hbm>>
      tpu.wait_dma2 semaphore(%arg12 : memref<!tpu.dma_semaphore, #tpu.memory_space<semaphore_mem>>) src(%dma_wait3A_114 : memref<1x80xi32, #tpu.memory_space<hbm>>) dst(%arg7 : memref<1x80xi32, #tpu.memory_space<vmem>>)
      %run_scoped3A_115 = arith.constant 0 : i32
      "tpu.region"() ({
        %run_scoped3A_220 = tpu.sem_alloc : memref<!tpu.dma_semaphore, #tpu.memory_space<semaphore_mem>>
        %dma_start3A_221 = arith.constant 0 : i32
        %dma_start3A_222 = tpu.memref_slice %arg7[%run_scoped3A_115, %dma_start3A_221] : memref<1x80xi32, #tpu.memory_space<vmem>> -> memref<1x80xi32, #tpu.memory_space<vmem>>
        %dma_start3A_223 = tpu.memref_squeeze %dma_start3A_222 : memref<1x80xi32, #tpu.memory_space<vmem>> -> memref<80xi32, #tpu.memory_space<vmem>>
        %dma_start3A_224 = arith.constant 0 : i32
        %dma_start3A_225 = arith.constant 0 : i32
        %dma_start3A_226 = tpu.memref_slice %arg17[%dma_start3A_224, %dma_start3A_225] : memref<10112x16xf32, #tpu.memory_space<vmem_shared>> -> memref<10112x16xf32, #tpu.memory_space<vmem_shared>>
        tpu.enqueue_indirect_dma source(%arg6 : memref<80x16xf32, #tpu.memory_space<vmem>>) target(%dma_start3A_226 : memref<10112x16xf32, #tpu.memory_space<vmem_shared>>) offsets(%dma_start3A_223 : memref<80xi32, #tpu.memory_space<vmem>>) semaphore(%run_scoped3A_220 : memref<!tpu.dma_semaphore, #tpu.memory_space<semaphore_mem>>) {add = true}
        %dma_wait3A_227 = arith.constant 0 : i32
        %dma_wait3A_228 = tpu.memref_slice %arg7[%run_scoped3A_115, %dma_wait3A_227] : memref<1x80xi32, #tpu.memory_space<vmem>> -> memref<1x80xi32, #tpu.memory_space<vmem>>
        %dma_wait3A_229 = tpu.memref_squeeze %dma_wait3A_228 : memref<1x80xi32, #tpu.memory_space<vmem>> -> memref<80xi32, #tpu.memory_space<vmem>>
        %dma_wait3A_230 = arith.constant 0 : i32
        %dma_wait3A_231 = arith.constant 0 : i32
        %dma_wait3A_232 = tpu.memref_slice %arg17[%dma_wait3A_230, %dma_wait3A_231] : memref<10112x16xf32, #tpu.memory_space<vmem_shared>> -> memref<10112x16xf32, #tpu.memory_space<vmem_shared>>
        tpu.wait_indirect_dma semaphore(%run_scoped3A_220 : memref<!tpu.dma_semaphore, #tpu.memory_space<semaphore_mem>>) src(%arg6 : memref<80x16xf32, #tpu.memory_space<vmem>>) dst(%dma_wait3A_232 : memref<10112x16xf32, #tpu.memory_space<vmem_shared>>)
        tpu.yield
      }) : () -> ()
      %add3A_116 = arith.constant 0 : i32
      %add3A_117 = arith.addi %add3A_104, %add3A_116 : i32
      %add3A_118 = arith.constant 5 : i32
      %add3A_119 = arith.addi %add3A_117, %add3A_118 : i32
      %dma_start3A_120 = arith.constant 0 : i32
      %dma_start3A_121 = arith.constant 0 : i32
      %dma_start3A_122 = tpu.memref_slice %arg2[%add3A, %add3A_119, %dma_start3A_120, %dma_start3A_121] : memref<32x125x1x80xi32, #tpu.memory_space<hbm>> -> memref<1x1x1x80xi32, #tpu.memory_space<hbm>>
      %dma_start3A_123 = tpu.memref_squeeze %dma_start3A_122 : memref<1x1x1x80xi32, #tpu.memory_space<hbm>> -> memref<1x80xi32, #tpu.memory_space<hbm>>
      %dma_start3A_124 = arith.constant 0 : i32
      %dma_start3A_125 = arith.constant 0 : i32
      %dma_start3A_126 = tpu.memref_slice %arg2[%add3A, %add3A_119, %dma_start3A_124, %dma_start3A_125] : memref<32x125x1x80xi32, #tpu.memory_space<hbm>> -> memref<1x1x1x80xi32, #tpu.memory_space<hbm>>
      %dma_start3A_127 = tpu.memref_squeeze %dma_start3A_126 : memref<1x1x1x80xi32, #tpu.memory_space<hbm>> -> memref<1x80xi32, #tpu.memory_space<hbm>>
      tpu.enqueue_dma source(%dma_start3A_127 : memref<1x80xi32, #tpu.memory_space<hbm>>) target(%arg7 : memref<1x80xi32, #tpu.memory_space<vmem>>) target_semaphore(%arg12 : memref<!tpu.dma_semaphore, #tpu.memory_space<semaphore_mem>>)
      %add3A_128 = arith.constant 1 : i32
      %add3A_129 = arith.addi %add3A_104, %add3A_128 : i32
      %dma_wait3A_130 = arith.constant 0 : i32
      %dma_wait3A_131 = arith.constant 0 : i32
      %dma_wait3A_132 = tpu.memref_slice %arg2[%add3A, %add3A_129, %dma_wait3A_130, %dma_wait3A_131] : memref<32x125x1x80xi32, #tpu.memory_space<hbm>> -> memref<1x1x1x80xi32, #tpu.memory_space<hbm>>
      %dma_wait3A_133 = tpu.memref_squeeze %dma_wait3A_132 : memref<1x1x1x80xi32, #tpu.memory_space<hbm>> -> memref<1x80xi32, #tpu.memory_space<hbm>>
      %dma_wait3A_134 = arith.constant 0 : i32
      %dma_wait3A_135 = arith.constant 0 : i32
      %dma_wait3A_136 = tpu.memref_slice %arg2[%add3A, %add3A_129, %dma_wait3A_134, %dma_wait3A_135] : memref<32x125x1x80xi32, #tpu.memory_space<hbm>> -> memref<1x1x1x80xi32, #tpu.memory_space<hbm>>
      %dma_wait3A_137 = tpu.memref_squeeze %dma_wait3A_136 : memref<1x1x1x80xi32, #tpu.memory_space<hbm>> -> memref<1x80xi32, #tpu.memory_space<hbm>>
      tpu.wait_dma2 semaphore(%arg13 : memref<!tpu.dma_semaphore, #tpu.memory_space<semaphore_mem>>) src(%dma_wait3A_137 : memref<1x80xi32, #tpu.memory_space<hbm>>) dst(%arg8 : memref<1x80xi32, #tpu.memory_space<vmem>>)
      %run_scoped3A_138 = arith.constant 0 : i32
      "tpu.region"() ({
        %run_scoped3A_220 = tpu.sem_alloc : memref<!tpu.dma_semaphore, #tpu.memory_space<semaphore_mem>>
        %dma_start3A_221 = arith.constant 0 : i32
        %dma_start3A_222 = tpu.memref_slice %arg8[%run_scoped3A_138, %dma_start3A_221] : memref<1x80xi32, #tpu.memory_space<vmem>> -> memref<1x80xi32, #tpu.memory_space<vmem>>
        %dma_start3A_223 = tpu.memref_squeeze %dma_start3A_222 : memref<1x80xi32, #tpu.memory_space<vmem>> -> memref<80xi32, #tpu.memory_space<vmem>>
        %dma_start3A_224 = arith.constant 0 : i32
        %dma_start3A_225 = arith.constant 0 : i32
        %dma_start3A_226 = tpu.memref_slice %arg17[%dma_start3A_224, %dma_start3A_225] : memref<10112x16xf32, #tpu.memory_space<vmem_shared>> -> memref<10112x16xf32, #tpu.memory_space<vmem_shared>>
        tpu.enqueue_indirect_dma source(%arg6 : memref<80x16xf32, #tpu.memory_space<vmem>>) target(%dma_start3A_226 : memref<10112x16xf32, #tpu.memory_space<vmem_shared>>) offsets(%dma_start3A_223 : memref<80xi32, #tpu.memory_space<vmem>>) semaphore(%run_scoped3A_220 : memref<!tpu.dma_semaphore, #tpu.memory_space<semaphore_mem>>) {add = true}
        %dma_wait3A_227 = arith.constant 0 : i32
        %dma_wait3A_228 = tpu.memref_slice %arg8[%run_scoped3A_138, %dma_wait3A_227] : memref<1x80xi32, #tpu.memory_space<vmem>> -> memref<1x80xi32, #tpu.memory_space<vmem>>
        %dma_wait3A_229 = tpu.memref_squeeze %dma_wait3A_228 : memref<1x80xi32, #tpu.memory_space<vmem>> -> memref<80xi32, #tpu.memory_space<vmem>>
        %dma_wait3A_230 = arith.constant 0 : i32
        %dma_wait3A_231 = arith.constant 0 : i32
        %dma_wait3A_232 = tpu.memref_slice %arg17[%dma_wait3A_230, %dma_wait3A_231] : memref<10112x16xf32, #tpu.memory_space<vmem_shared>> -> memref<10112x16xf32, #tpu.memory_space<vmem_shared>>
        tpu.wait_indirect_dma semaphore(%run_scoped3A_220 : memref<!tpu.dma_semaphore, #tpu.memory_space<semaphore_mem>>) src(%arg6 : memref<80x16xf32, #tpu.memory_space<vmem>>) dst(%dma_wait3A_232 : memref<10112x16xf32, #tpu.memory_space<vmem_shared>>)
        tpu.yield
      }) : () -> ()
      %add3A_139 = arith.constant 1 : i32
      %add3A_140 = arith.addi %add3A_104, %add3A_139 : i32
      %add3A_141 = arith.constant 5 : i32
      %add3A_142 = arith.addi %add3A_140, %add3A_141 : i32
      %dma_start3A_143 = arith.constant 0 : i32
      %dma_start3A_144 = arith.constant 0 : i32
      %dma_start3A_145 = tpu.memref_slice %arg2[%add3A, %add3A_142, %dma_start3A_143, %dma_start3A_144] : memref<32x125x1x80xi32, #tpu.memory_space<hbm>> -> memref<1x1x1x80xi32, #tpu.memory_space<hbm>>
      %dma_start3A_146 = tpu.memref_squeeze %dma_start3A_145 : memref<1x1x1x80xi32, #tpu.memory_space<hbm>> -> memref<1x80xi32, #tpu.memory_space<hbm>>
      %dma_start3A_147 = arith.constant 0 : i32
      %dma_start3A_148 = arith.constant 0 : i32
      %dma_start3A_149 = tpu.memref_slice %arg2[%add3A, %add3A_142, %dma_start3A_147, %dma_start3A_148] : memref<32x125x1x80xi32, #tpu.memory_space<hbm>> -> memref<1x1x1x80xi32, #tpu.memory_space<hbm>>
      %dma_start3A_150 = tpu.memref_squeeze %dma_start3A_149 : memref<1x1x1x80xi32, #tpu.memory_space<hbm>> -> memref<1x80xi32, #tpu.memory_space<hbm>>
      tpu.enqueue_dma source(%dma_start3A_150 : memref<1x80xi32, #tpu.memory_space<hbm>>) target(%arg8 : memref<1x80xi32, #tpu.memory_space<vmem>>) target_semaphore(%arg13 : memref<!tpu.dma_semaphore, #tpu.memory_space<semaphore_mem>>)
      %add3A_151 = arith.constant 2 : i32
      %add3A_152 = arith.addi %add3A_104, %add3A_151 : i32
      %dma_wait3A_153 = arith.constant 0 : i32
      %dma_wait3A_154 = arith.constant 0 : i32
      %dma_wait3A_155 = tpu.memref_slice %arg2[%add3A, %add3A_152, %dma_wait3A_153, %dma_wait3A_154] : memref<32x125x1x80xi32, #tpu.memory_space<hbm>> -> memref<1x1x1x80xi32, #tpu.memory_space<hbm>>
      %dma_wait3A_156 = tpu.memref_squeeze %dma_wait3A_155 : memref<1x1x1x80xi32, #tpu.memory_space<hbm>> -> memref<1x80xi32, #tpu.memory_space<hbm>>
      %dma_wait3A_157 = arith.constant 0 : i32
      %dma_wait3A_158 = arith.constant 0 : i32
      %dma_wait3A_159 = tpu.memref_slice %arg2[%add3A, %add3A_152, %dma_wait3A_157, %dma_wait3A_158] : memref<32x125x1x80xi32, #tpu.memory_space<hbm>> -> memref<1x1x1x80xi32, #tpu.memory_space<hbm>>
      %dma_wait3A_160 = tpu.memref_squeeze %dma_wait3A_159 : memref<1x1x1x80xi32, #tpu.memory_space<hbm>> -> memref<1x80xi32, #tpu.memory_space<hbm>>
      tpu.wait_dma2 semaphore(%arg14 : memref<!tpu.dma_semaphore, #tpu.memory_space<semaphore_mem>>) src(%dma_wait3A_160 : memref<1x80xi32, #tpu.memory_space<hbm>>) dst(%arg9 : memref<1x80xi32, #tpu.memory_space<vmem>>)
      %run_scoped3A_161 = arith.constant 0 : i32
      "tpu.region"() ({
        %run_scoped3A_220 = tpu.sem_alloc : memref<!tpu.dma_semaphore, #tpu.memory_space<semaphore_mem>>
        %dma_start3A_221 = arith.constant 0 : i32
        %dma_start3A_222 = tpu.memref_slice %arg9[%run_scoped3A_161, %dma_start3A_221] : memref<1x80xi32, #tpu.memory_space<vmem>> -> memref<1x80xi32, #tpu.memory_space<vmem>>
        %dma_start3A_223 = tpu.memref_squeeze %dma_start3A_222 : memref<1x80xi32, #tpu.memory_space<vmem>> -> memref<80xi32, #tpu.memory_space<vmem>>
        %dma_start3A_224 = arith.constant 0 : i32
        %dma_start3A_225 = arith.constant 0 : i32
        %dma_start3A_226 = tpu.memref_slice %arg17[%dma_start3A_224, %dma_start3A_225] : memref<10112x16xf32, #tpu.memory_space<vmem_shared>> -> memref<10112x16xf32, #tpu.memory_space<vmem_shared>>
        tpu.enqueue_indirect_dma source(%arg6 : memref<80x16xf32, #tpu.memory_space<vmem>>) target(%dma_start3A_226 : memref<10112x16xf32, #tpu.memory_space<vmem_shared>>) offsets(%dma_start3A_223 : memref<80xi32, #tpu.memory_space<vmem>>) semaphore(%run_scoped3A_220 : memref<!tpu.dma_semaphore, #tpu.memory_space<semaphore_mem>>) {add = true}
        %dma_wait3A_227 = arith.constant 0 : i32
        %dma_wait3A_228 = tpu.memref_slice %arg9[%run_scoped3A_161, %dma_wait3A_227] : memref<1x80xi32, #tpu.memory_space<vmem>> -> memref<1x80xi32, #tpu.memory_space<vmem>>
        %dma_wait3A_229 = tpu.memref_squeeze %dma_wait3A_228 : memref<1x80xi32, #tpu.memory_space<vmem>> -> memref<80xi32, #tpu.memory_space<vmem>>
        %dma_wait3A_230 = arith.constant 0 : i32
        %dma_wait3A_231 = arith.constant 0 : i32
        %dma_wait3A_232 = tpu.memref_slice %arg17[%dma_wait3A_230, %dma_wait3A_231] : memref<10112x16xf32, #tpu.memory_space<vmem_shared>> -> memref<10112x16xf32, #tpu.memory_space<vmem_shared>>
        tpu.wait_indirect_dma semaphore(%run_scoped3A_220 : memref<!tpu.dma_semaphore, #tpu.memory_space<semaphore_mem>>) src(%arg6 : memref<80x16xf32, #tpu.memory_space<vmem>>) dst(%dma_wait3A_232 : memref<10112x16xf32, #tpu.memory_space<vmem_shared>>)
        tpu.yield
      }) : () -> ()
      %add3A_162 = arith.constant 2 : i32
      %add3A_163 = arith.addi %add3A_104, %add3A_162 : i32
      %add3A_164 = arith.constant 5 : i32
      %add3A_165 = arith.addi %add3A_163, %add3A_164 : i32
      %dma_start3A_166 = arith.constant 0 : i32
      %dma_start3A_167 = arith.constant 0 : i32
      %dma_start3A_168 = tpu.memref_slice %arg2[%add3A, %add3A_165, %dma_start3A_166, %dma_start3A_167] : memref<32x125x1x80xi32, #tpu.memory_space<hbm>> -> memref<1x1x1x80xi32, #tpu.memory_space<hbm>>
      %dma_start3A_169 = tpu.memref_squeeze %dma_start3A_168 : memref<1x1x1x80xi32, #tpu.memory_space<hbm>> -> memref<1x80xi32, #tpu.memory_space<hbm>>
      %dma_start3A_170 = arith.constant 0 : i32
      %dma_start3A_171 = arith.constant 0 : i32
      %dma_start3A_172 = tpu.memref_slice %arg2[%add3A, %add3A_165, %dma_start3A_170, %dma_start3A_171] : memref<32x125x1x80xi32, #tpu.memory_space<hbm>> -> memref<1x1x1x80xi32, #tpu.memory_space<hbm>>
      %dma_start3A_173 = tpu.memref_squeeze %dma_start3A_172 : memref<1x1x1x80xi32, #tpu.memory_space<hbm>> -> memref<1x80xi32, #tpu.memory_space<hbm>>
      tpu.enqueue_dma source(%dma_start3A_173 : memref<1x80xi32, #tpu.memory_space<hbm>>) target(%arg9 : memref<1x80xi32, #tpu.memory_space<vmem>>) target_semaphore(%arg14 : memref<!tpu.dma_semaphore, #tpu.memory_space<semaphore_mem>>)
      %add3A_174 = arith.constant 3 : i32
      %add3A_175 = arith.addi %add3A_104, %add3A_174 : i32
      %dma_wait3A_176 = arith.constant 0 : i32
      %dma_wait3A_177 = arith.constant 0 : i32
      %dma_wait3A_178 = tpu.memref_slice %arg2[%add3A, %add3A_175, %dma_wait3A_176, %dma_wait3A_177] : memref<32x125x1x80xi32, #tpu.memory_space<hbm>> -> memref<1x1x1x80xi32, #tpu.memory_space<hbm>>
      %dma_wait3A_179 = tpu.memref_squeeze %dma_wait3A_178 : memref<1x1x1x80xi32, #tpu.memory_space<hbm>> -> memref<1x80xi32, #tpu.memory_space<hbm>>
      %dma_wait3A_180 = arith.constant 0 : i32
      %dma_wait3A_181 = arith.constant 0 : i32
      %dma_wait3A_182 = tpu.memref_slice %arg2[%add3A, %add3A_175, %dma_wait3A_180, %dma_wait3A_181] : memref<32x125x1x80xi32, #tpu.memory_space<hbm>> -> memref<1x1x1x80xi32, #tpu.memory_space<hbm>>
      %dma_wait3A_183 = tpu.memref_squeeze %dma_wait3A_182 : memref<1x1x1x80xi32, #tpu.memory_space<hbm>> -> memref<1x80xi32, #tpu.memory_space<hbm>>
      tpu.wait_dma2 semaphore(%arg15 : memref<!tpu.dma_semaphore, #tpu.memory_space<semaphore_mem>>) src(%dma_wait3A_183 : memref<1x80xi32, #tpu.memory_space<hbm>>) dst(%arg10 : memref<1x80xi32, #tpu.memory_space<vmem>>)
      %run_scoped3A_184 = arith.constant 0 : i32
      "tpu.region"() ({
        %run_scoped3A_220 = tpu.sem_alloc : memref<!tpu.dma_semaphore, #tpu.memory_space<semaphore_mem>>
        %dma_start3A_221 = arith.constant 0 : i32
        %dma_start3A_222 = tpu.memref_slice %arg10[%run_scoped3A_184, %dma_start3A_221] : memref<1x80xi32, #tpu.memory_space<vmem>> -> memref<1x80xi32, #tpu.memory_space<vmem>>
        %dma_start3A_223 = tpu.memref_squeeze %dma_start3A_222 : memref<1x80xi32, #tpu.memory_space<vmem>> -> memref<80xi32, #tpu.memory_space<vmem>>
        %dma_start3A_224 = arith.constant 0 : i32
        %dma_start3A_225 = arith.constant 0 : i32
        %dma_start3A_226 = tpu.memref_slice %arg17[%dma_start3A_224, %dma_start3A_225] : memref<10112x16xf32, #tpu.memory_space<vmem_shared>> -> memref<10112x16xf32, #tpu.memory_space<vmem_shared>>
        tpu.enqueue_indirect_dma source(%arg6 : memref<80x16xf32, #tpu.memory_space<vmem>>) target(%dma_start3A_226 : memref<10112x16xf32, #tpu.memory_space<vmem_shared>>) offsets(%dma_start3A_223 : memref<80xi32, #tpu.memory_space<vmem>>) semaphore(%run_scoped3A_220 : memref<!tpu.dma_semaphore, #tpu.memory_space<semaphore_mem>>) {add = true}
        %dma_wait3A_227 = arith.constant 0 : i32
        %dma_wait3A_228 = tpu.memref_slice %arg10[%run_scoped3A_184, %dma_wait3A_227] : memref<1x80xi32, #tpu.memory_space<vmem>> -> memref<1x80xi32, #tpu.memory_space<vmem>>
        %dma_wait3A_229 = tpu.memref_squeeze %dma_wait3A_228 : memref<1x80xi32, #tpu.memory_space<vmem>> -> memref<80xi32, #tpu.memory_space<vmem>>
        %dma_wait3A_230 = arith.constant 0 : i32
        %dma_wait3A_231 = arith.constant 0 : i32
        %dma_wait3A_232 = tpu.memref_slice %arg17[%dma_wait3A_230, %dma_wait3A_231] : memref<10112x16xf32, #tpu.memory_space<vmem_shared>> -> memref<10112x16xf32, #tpu.memory_space<vmem_shared>>
        tpu.wait_indirect_dma semaphore(%run_scoped3A_220 : memref<!tpu.dma_semaphore, #tpu.memory_space<semaphore_mem>>) src(%arg6 : memref<80x16xf32, #tpu.memory_space<vmem>>) dst(%dma_wait3A_232 : memref<10112x16xf32, #tpu.memory_space<vmem_shared>>)
        tpu.yield
      }) : () -> ()
      %add3A_185 = arith.constant 3 : i32
      %add3A_186 = arith.addi %add3A_104, %add3A_185 : i32
      %add3A_187 = arith.constant 5 : i32
      %add3A_188 = arith.addi %add3A_186, %add3A_187 : i32
      %dma_start3A_189 = arith.constant 0 : i32
      %dma_start3A_190 = arith.constant 0 : i32
      %dma_start3A_191 = tpu.memref_slice %arg2[%add3A, %add3A_188, %dma_start3A_189, %dma_start3A_190] : memref<32x125x1x80xi32, #tpu.memory_space<hbm>> -> memref<1x1x1x80xi32, #tpu.memory_space<hbm>>
      %dma_start3A_192 = tpu.memref_squeeze %dma_start3A_191 : memref<1x1x1x80xi32, #tpu.memory_space<hbm>> -> memref<1x80xi32, #tpu.memory_space<hbm>>
      %dma_start3A_193 = arith.constant 0 : i32
      %dma_start3A_194 = arith.constant 0 : i32
      %dma_start3A_195 = tpu.memref_slice %arg2[%add3A, %add3A_188, %dma_start3A_193, %dma_start3A_194] : memref<32x125x1x80xi32, #tpu.memory_space<hbm>> -> memref<1x1x1x80xi32, #tpu.memory_space<hbm>>
      %dma_start3A_196 = tpu.memref_squeeze %dma_start3A_195 : memref<1x1x1x80xi32, #tpu.memory_space<hbm>> -> memref<1x80xi32, #tpu.memory_space<hbm>>
      tpu.enqueue_dma source(%dma_start3A_196 : memref<1x80xi32, #tpu.memory_space<hbm>>) target(%arg10 : memref<1x80xi32, #tpu.memory_space<vmem>>) target_semaphore(%arg15 : memref<!tpu.dma_semaphore, #tpu.memory_space<semaphore_mem>>)
      %add3A_197 = arith.constant 4 : i32
      %add3A_198 = arith.addi %add3A_104, %add3A_197 : i32
      %dma_wait3A_199 = arith.constant 0 : i32
      %dma_wait3A_200 = arith.constant 0 : i32
      %dma_wait3A_201 = tpu.memref_slice %arg2[%add3A, %add3A_198, %dma_wait3A_199, %dma_wait3A_200] : memref<32x125x1x80xi32, #tpu.memory_space<hbm>> -> memref<1x1x1x80xi32, #tpu.memory_space<hbm>>
      %dma_wait3A_202 = tpu.memref_squeeze %dma_wait3A_201 : memref<1x1x1x80xi32, #tpu.memory_space<hbm>> -> memref<1x80xi32, #tpu.memory_space<hbm>>
      %dma_wait3A_203 = arith.constant 0 : i32
      %dma_wait3A_204 = arith.constant 0 : i32
      %dma_wait3A_205 = tpu.memref_slice %arg2[%add3A, %add3A_198, %dma_wait3A_203, %dma_wait3A_204] : memref<32x125x1x80xi32, #tpu.memory_space<hbm>> -> memref<1x1x1x80xi32, #tpu.memory_space<hbm>>
      %dma_wait3A_206 = tpu.memref_squeeze %dma_wait3A_205 : memref<1x1x1x80xi32, #tpu.memory_space<hbm>> -> memref<1x80xi32, #tpu.memory_space<hbm>>
      tpu.wait_dma2 semaphore(%arg16 : memref<!tpu.dma_semaphore, #tpu.memory_space<semaphore_mem>>) src(%dma_wait3A_206 : memref<1x80xi32, #tpu.memory_space<hbm>>) dst(%arg11 : memref<1x80xi32, #tpu.memory_space<vmem>>)
      %run_scoped3A_207 = arith.constant 0 : i32
      "tpu.region"() ({
        %run_scoped3A_220 = tpu.sem_alloc : memref<!tpu.dma_semaphore, #tpu.memory_space<semaphore_mem>>
        %dma_start3A_221 = arith.constant 0 : i32
        %dma_start3A_222 = tpu.memref_slice %arg11[%run_scoped3A_207, %dma_start3A_221] : memref<1x80xi32, #tpu.memory_space<vmem>> -> memref<1x80xi32, #tpu.memory_space<vmem>>
        %dma_start3A_223 = tpu.memref_squeeze %dma_start3A_222 : memref<1x80xi32, #tpu.memory_space<vmem>> -> memref<80xi32, #tpu.memory_space<vmem>>
        %dma_start3A_224 = arith.constant 0 : i32
        %dma_start3A_225 = arith.constant 0 : i32
        %dma_start3A_226 = tpu.memref_slice %arg17[%dma_start3A_224, %dma_start3A_225] : memref<10112x16xf32, #tpu.memory_space<vmem_shared>> -> memref<10112x16xf32, #tpu.memory_space<vmem_shared>>
        tpu.enqueue_indirect_dma source(%arg6 : memref<80x16xf32, #tpu.memory_space<vmem>>) target(%dma_start3A_226 : memref<10112x16xf32, #tpu.memory_space<vmem_shared>>) offsets(%dma_start3A_223 : memref<80xi32, #tpu.memory_space<vmem>>) semaphore(%run_scoped3A_220 : memref<!tpu.dma_semaphore, #tpu.memory_space<semaphore_mem>>) {add = true}
        %dma_wait3A_227 = arith.constant 0 : i32
        %dma_wait3A_228 = tpu.memref_slice %arg11[%run_scoped3A_207, %dma_wait3A_227] : memref<1x80xi32, #tpu.memory_space<vmem>> -> memref<1x80xi32, #tpu.memory_space<vmem>>
        %dma_wait3A_229 = tpu.memref_squeeze %dma_wait3A_228 : memref<1x80xi32, #tpu.memory_space<vmem>> -> memref<80xi32, #tpu.memory_space<vmem>>
        %dma_wait3A_230 = arith.constant 0 : i32
        %dma_wait3A_231 = arith.constant 0 : i32
        %dma_wait3A_232 = tpu.memref_slice %arg17[%dma_wait3A_230, %dma_wait3A_231] : memref<10112x16xf32, #tpu.memory_space<vmem_shared>> -> memref<10112x16xf32, #tpu.memory_space<vmem_shared>>
        tpu.wait_indirect_dma semaphore(%run_scoped3A_220 : memref<!tpu.dma_semaphore, #tpu.memory_space<semaphore_mem>>) src(%arg6 : memref<80x16xf32, #tpu.memory_space<vmem>>) dst(%dma_wait3A_232 : memref<10112x16xf32, #tpu.memory_space<vmem_shared>>)
        tpu.yield
      }) : () -> ()
      %add3A_208 = arith.constant 4 : i32
      %add3A_209 = arith.addi %add3A_104, %add3A_208 : i32
      %add3A_210 = arith.constant 5 : i32
      %add3A_211 = arith.addi %add3A_209, %add3A_210 : i32
      %dma_start3A_212 = arith.constant 0 : i32
      %dma_start3A_213 = arith.constant 0 : i32
      %dma_start3A_214 = tpu.memref_slice %arg2[%add3A, %add3A_211, %dma_start3A_212, %dma_start3A_213] : memref<32x125x1x80xi32, #tpu.memory_space<hbm>> -> memref<1x1x1x80xi32, #tpu.memory_space<hbm>>
      %dma_start3A_215 = tpu.memref_squeeze %dma_start3A_214 : memref<1x1x1x80xi32, #tpu.memory_space<hbm>> -> memref<1x80xi32, #tpu.memory_space<hbm>>
      %dma_start3A_216 = arith.constant 0 : i32
      %dma_start3A_217 = arith.constant 0 : i32
      %dma_start3A_218 = tpu.memref_slice %arg2[%add3A, %add3A_211, %dma_start3A_216, %dma_start3A_217] : memref<32x125x1x80xi32, #tpu.memory_space<hbm>> -> memref<1x1x1x80xi32, #tpu.memory_space<hbm>>
      %dma_start3A_219 = tpu.memref_squeeze %dma_start3A_218 : memref<1x1x1x80xi32, #tpu.memory_space<hbm>> -> memref<1x80xi32, #tpu.memory_space<hbm>>
      tpu.enqueue_dma source(%dma_start3A_219 : memref<1x80xi32, #tpu.memory_space<hbm>>) target(%arg11 : memref<1x80xi32, #tpu.memory_space<vmem>>) target_semaphore(%arg16 : memref<!tpu.dma_semaphore, #tpu.memory_space<semaphore_mem>>)
    }
    %scan3A_50 = arith.constant 24 : i32
    %dma_wait3A = arith.constant 120 : i32
    %dma_wait3A_51 = arith.constant 0 : i32
    %dma_wait3A_52 = arith.constant 0 : i32
    %dma_wait3A_53 = tpu.memref_slice %arg2[%add3A, %dma_wait3A, %dma_wait3A_51, %dma_wait3A_52] : memref<32x125x1x80xi32, #tpu.memory_space<hbm>> -> memref<1x1x1x80xi32, #tpu.memory_space<hbm>>
    %dma_wait3A_54 = tpu.memref_squeeze %dma_wait3A_53 : memref<1x1x1x80xi32, #tpu.memory_space<hbm>> -> memref<1x80xi32, #tpu.memory_space<hbm>>
    %dma_wait3A_55 = arith.constant 0 : i32
    %dma_wait3A_56 = arith.constant 0 : i32
    %dma_wait3A_57 = tpu.memref_slice %arg2[%add3A, %dma_wait3A, %dma_wait3A_55, %dma_wait3A_56] : memref<32x125x1x80xi32, #tpu.memory_space<hbm>> -> memref<1x1x1x80xi32, #tpu.memory_space<hbm>>
    %dma_wait3A_58 = tpu.memref_squeeze %dma_wait3A_57 : memref<1x1x1x80xi32, #tpu.memory_space<hbm>> -> memref<1x80xi32, #tpu.memory_space<hbm>>
    tpu.wait_dma2 semaphore(%arg12 : memref<!tpu.dma_semaphore, #tpu.memory_space<semaphore_mem>>) src(%dma_wait3A_58 : memref<1x80xi32, #tpu.memory_space<hbm>>) dst(%arg7 : memref<1x80xi32, #tpu.memory_space<vmem>>)
    %run_scoped3A = arith.constant 0 : i32
    "tpu.region"() ({
      %run_scoped3A_100 = tpu.sem_alloc : memref<!tpu.dma_semaphore, #tpu.memory_space<semaphore_mem>>
      %dma_start3A_101 = arith.constant 0 : i32
      %dma_start3A_102 = tpu.memref_slice %arg7[%run_scoped3A, %dma_start3A_101] : memref<1x80xi32, #tpu.memory_space<vmem>> -> memref<1x80xi32, #tpu.memory_space<vmem>>
      %dma_start3A_103 = tpu.memref_squeeze %dma_start3A_102 : memref<1x80xi32, #tpu.memory_space<vmem>> -> memref<80xi32, #tpu.memory_space<vmem>>
      %dma_start3A_104 = arith.constant 0 : i32
      %dma_start3A_105 = arith.constant 0 : i32
      %dma_start3A_106 = tpu.memref_slice %arg17[%dma_start3A_104, %dma_start3A_105] : memref<10112x16xf32, #tpu.memory_space<vmem_shared>> -> memref<10112x16xf32, #tpu.memory_space<vmem_shared>>
      tpu.enqueue_indirect_dma source(%arg6 : memref<80x16xf32, #tpu.memory_space<vmem>>) target(%dma_start3A_106 : memref<10112x16xf32, #tpu.memory_space<vmem_shared>>) offsets(%dma_start3A_103 : memref<80xi32, #tpu.memory_space<vmem>>) semaphore(%run_scoped3A_100 : memref<!tpu.dma_semaphore, #tpu.memory_space<semaphore_mem>>) {add = true}
      %dma_wait3A_107 = arith.constant 0 : i32
      %dma_wait3A_108 = tpu.memref_slice %arg7[%run_scoped3A, %dma_wait3A_107] : memref<1x80xi32, #tpu.memory_space<vmem>> -> memref<1x80xi32, #tpu.memory_space<vmem>>
      %dma_wait3A_109 = tpu.memref_squeeze %dma_wait3A_108 : memref<1x80xi32, #tpu.memory_space<vmem>> -> memref<80xi32, #tpu.memory_space<vmem>>
      %dma_wait3A_110 = arith.constant 0 : i32
      %dma_wait3A_111 = arith.constant 0 : i32
      %dma_wait3A_112 = tpu.memref_slice %arg17[%dma_wait3A_110, %dma_wait3A_111] : memref<10112x16xf32, #tpu.memory_space<vmem_shared>> -> memref<10112x16xf32, #tpu.memory_space<vmem_shared>>
      tpu.wait_indirect_dma semaphore(%run_scoped3A_100 : memref<!tpu.dma_semaphore, #tpu.memory_space<semaphore_mem>>) src(%arg6 : memref<80x16xf32, #tpu.memory_space<vmem>>) dst(%dma_wait3A_112 : memref<10112x16xf32, #tpu.memory_space<vmem_shared>>)
      tpu.yield
    }) : () -> ()
    %dma_wait3A_59 = arith.constant 121 : i32
    %dma_wait3A_60 = arith.constant 0 : i32
    %dma_wait3A_61 = arith.constant 0 : i32
    %dma_wait3A_62 = tpu.memref_slice %arg2[%add3A, %dma_wait3A_59, %dma_wait3A_60, %dma_wait3A_61] : memref<32x125x1x80xi32, #tpu.memory_space<hbm>> -> memref<1x1x1x80xi32, #tpu.memory_space<hbm>>
    %dma_wait3A_63 = tpu.memref_squeeze %dma_wait3A_62 : memref<1x1x1x80xi32, #tpu.memory_space<hbm>> -> memref<1x80xi32, #tpu.memory_space<hbm>>
    %dma_wait3A_64 = arith.constant 0 : i32
    %dma_wait3A_65 = arith.constant 0 : i32
    %dma_wait3A_66 = tpu.memref_slice %arg2[%add3A, %dma_wait3A_59, %dma_wait3A_64, %dma_wait3A_65] : memref<32x125x1x80xi32, #tpu.memory_space<hbm>> -> memref<1x1x1x80xi32, #tpu.memory_space<hbm>>
    %dma_wait3A_67 = tpu.memref_squeeze %dma_wait3A_66 : memref<1x1x1x80xi32, #tpu.memory_space<hbm>> -> memref<1x80xi32, #tpu.memory_space<hbm>>
    tpu.wait_dma2 semaphore(%arg13 : memref<!tpu.dma_semaphore, #tpu.memory_space<semaphore_mem>>) src(%dma_wait3A_67 : memref<1x80xi32, #tpu.memory_space<hbm>>) dst(%arg8 : memref<1x80xi32, #tpu.memory_space<vmem>>)
    %run_scoped3A_68 = arith.constant 0 : i32
    "tpu.region"() ({
      %run_scoped3A_100 = tpu.sem_alloc : memref<!tpu.dma_semaphore, #tpu.memory_space<semaphore_mem>>
      %dma_start3A_101 = arith.constant 0 : i32
      %dma_start3A_102 = tpu.memref_slice %arg8[%run_scoped3A_68, %dma_start3A_101] : memref<1x80xi32, #tpu.memory_space<vmem>> -> memref<1x80xi32, #tpu.memory_space<vmem>>
      %dma_start3A_103 = tpu.memref_squeeze %dma_start3A_102 : memref<1x80xi32, #tpu.memory_space<vmem>> -> memref<80xi32, #tpu.memory_space<vmem>>
      %dma_start3A_104 = arith.constant 0 : i32
      %dma_start3A_105 = arith.constant 0 : i32
      %dma_start3A_106 = tpu.memref_slice %arg17[%dma_start3A_104, %dma_start3A_105] : memref<10112x16xf32, #tpu.memory_space<vmem_shared>> -> memref<10112x16xf32, #tpu.memory_space<vmem_shared>>
      tpu.enqueue_indirect_dma source(%arg6 : memref<80x16xf32, #tpu.memory_space<vmem>>) target(%dma_start3A_106 : memref<10112x16xf32, #tpu.memory_space<vmem_shared>>) offsets(%dma_start3A_103 : memref<80xi32, #tpu.memory_space<vmem>>) semaphore(%run_scoped3A_100 : memref<!tpu.dma_semaphore, #tpu.memory_space<semaphore_mem>>) {add = true}
      %dma_wait3A_107 = arith.constant 0 : i32
      %dma_wait3A_108 = tpu.memref_slice %arg8[%run_scoped3A_68, %dma_wait3A_107] : memref<1x80xi32, #tpu.memory_space<vmem>> -> memref<1x80xi32, #tpu.memory_space<vmem>>
      %dma_wait3A_109 = tpu.memref_squeeze %dma_wait3A_108 : memref<1x80xi32, #tpu.memory_space<vmem>> -> memref<80xi32, #tpu.memory_space<vmem>>
      %dma_wait3A_110 = arith.constant 0 : i32
      %dma_wait3A_111 = arith.constant 0 : i32
      %dma_wait3A_112 = tpu.memref_slice %arg17[%dma_wait3A_110, %dma_wait3A_111] : memref<10112x16xf32, #tpu.memory_space<vmem_shared>> -> memref<10112x16xf32, #tpu.memory_space<vmem_shared>>
      tpu.wait_indirect_dma semaphore(%run_scoped3A_100 : memref<!tpu.dma_semaphore, #tpu.memory_space<semaphore_mem>>) src(%arg6 : memref<80x16xf32, #tpu.memory_space<vmem>>) dst(%dma_wait3A_112 : memref<10112x16xf32, #tpu.memory_space<vmem_shared>>)
      tpu.yield
    }) : () -> ()
    %dma_wait3A_69 = arith.constant 122 : i32
    %dma_wait3A_70 = arith.constant 0 : i32
    %dma_wait3A_71 = arith.constant 0 : i32
    %dma_wait3A_72 = tpu.memref_slice %arg2[%add3A, %dma_wait3A_69, %dma_wait3A_70, %dma_wait3A_71] : memref<32x125x1x80xi32, #tpu.memory_space<hbm>> -> memref<1x1x1x80xi32, #tpu.memory_space<hbm>>
    %dma_wait3A_73 = tpu.memref_squeeze %dma_wait3A_72 : memref<1x1x1x80xi32, #tpu.memory_space<hbm>> -> memref<1x80xi32, #tpu.memory_space<hbm>>
    %dma_wait3A_74 = arith.constant 0 : i32
    %dma_wait3A_75 = arith.constant 0 : i32
    %dma_wait3A_76 = tpu.memref_slice %arg2[%add3A, %dma_wait3A_69, %dma_wait3A_74, %dma_wait3A_75] : memref<32x125x1x80xi32, #tpu.memory_space<hbm>> -> memref<1x1x1x80xi32, #tpu.memory_space<hbm>>
    %dma_wait3A_77 = tpu.memref_squeeze %dma_wait3A_76 : memref<1x1x1x80xi32, #tpu.memory_space<hbm>> -> memref<1x80xi32, #tpu.memory_space<hbm>>
    tpu.wait_dma2 semaphore(%arg14 : memref<!tpu.dma_semaphore, #tpu.memory_space<semaphore_mem>>) src(%dma_wait3A_77 : memref<1x80xi32, #tpu.memory_space<hbm>>) dst(%arg9 : memref<1x80xi32, #tpu.memory_space<vmem>>)
    %run_scoped3A_78 = arith.constant 0 : i32
    "tpu.region"() ({
      %run_scoped3A_100 = tpu.sem_alloc : memref<!tpu.dma_semaphore, #tpu.memory_space<semaphore_mem>>
      %dma_start3A_101 = arith.constant 0 : i32
      %dma_start3A_102 = tpu.memref_slice %arg9[%run_scoped3A_78, %dma_start3A_101] : memref<1x80xi32, #tpu.memory_space<vmem>> -> memref<1x80xi32, #tpu.memory_space<vmem>>
      %dma_start3A_103 = tpu.memref_squeeze %dma_start3A_102 : memref<1x80xi32, #tpu.memory_space<vmem>> -> memref<80xi32, #tpu.memory_space<vmem>>
      %dma_start3A_104 = arith.constant 0 : i32
      %dma_start3A_105 = arith.constant 0 : i32
      %dma_start3A_106 = tpu.memref_slice %arg17[%dma_start3A_104, %dma_start3A_105] : memref<10112x16xf32, #tpu.memory_space<vmem_shared>> -> memref<10112x16xf32, #tpu.memory_space<vmem_shared>>
      tpu.enqueue_indirect_dma source(%arg6 : memref<80x16xf32, #tpu.memory_space<vmem>>) target(%dma_start3A_106 : memref<10112x16xf32, #tpu.memory_space<vmem_shared>>) offsets(%dma_start3A_103 : memref<80xi32, #tpu.memory_space<vmem>>) semaphore(%run_scoped3A_100 : memref<!tpu.dma_semaphore, #tpu.memory_space<semaphore_mem>>) {add = true}
      %dma_wait3A_107 = arith.constant 0 : i32
      %dma_wait3A_108 = tpu.memref_slice %arg9[%run_scoped3A_78, %dma_wait3A_107] : memref<1x80xi32, #tpu.memory_space<vmem>> -> memref<1x80xi32, #tpu.memory_space<vmem>>
      %dma_wait3A_109 = tpu.memref_squeeze %dma_wait3A_108 : memref<1x80xi32, #tpu.memory_space<vmem>> -> memref<80xi32, #tpu.memory_space<vmem>>
      %dma_wait3A_110 = arith.constant 0 : i32
      %dma_wait3A_111 = arith.constant 0 : i32
      %dma_wait3A_112 = tpu.memref_slice %arg17[%dma_wait3A_110, %dma_wait3A_111] : memref<10112x16xf32, #tpu.memory_space<vmem_shared>> -> memref<10112x16xf32, #tpu.memory_space<vmem_shared>>
      tpu.wait_indirect_dma semaphore(%run_scoped3A_100 : memref<!tpu.dma_semaphore, #tpu.memory_space<semaphore_mem>>) src(%arg6 : memref<80x16xf32, #tpu.memory_space<vmem>>) dst(%dma_wait3A_112 : memref<10112x16xf32, #tpu.memory_space<vmem_shared>>)
      tpu.yield
    }) : () -> ()
    %dma_wait3A_79 = arith.constant 123 : i32
    %dma_wait3A_80 = arith.constant 0 : i32
    %dma_wait3A_81 = arith.constant 0 : i32
    %dma_wait3A_82 = tpu.memref_slice %arg2[%add3A, %dma_wait3A_79, %dma_wait3A_80, %dma_wait3A_81] : memref<32x125x1x80xi32, #tpu.memory_space<hbm>> -> memref<1x1x1x80xi32, #tpu.memory_space<hbm>>
    %dma_wait3A_83 = tpu.memref_squeeze %dma_wait3A_82 : memref<1x1x1x80xi32, #tpu.memory_space<hbm>> -> memref<1x80xi32, #tpu.memory_space<hbm>>
    %dma_wait3A_84 = arith.constant 0 : i32
    %dma_wait3A_85 = arith.constant 0 : i32
    %dma_wait3A_86 = tpu.memref_slice %arg2[%add3A, %dma_wait3A_79, %dma_wait3A_84, %dma_wait3A_85] : memref<32x125x1x80xi32, #tpu.memory_space<hbm>> -> memref<1x1x1x80xi32, #tpu.memory_space<hbm>>
    %dma_wait3A_87 = tpu.memref_squeeze %dma_wait3A_86 : memref<1x1x1x80xi32, #tpu.memory_space<hbm>> -> memref<1x80xi32, #tpu.memory_space<hbm>>
    tpu.wait_dma2 semaphore(%arg15 : memref<!tpu.dma_semaphore, #tpu.memory_space<semaphore_mem>>) src(%dma_wait3A_87 : memref<1x80xi32, #tpu.memory_space<hbm>>) dst(%arg10 : memref<1x80xi32, #tpu.memory_space<vmem>>)
    %run_scoped3A_88 = arith.constant 0 : i32
    "tpu.region"() ({
      %run_scoped3A_100 = tpu.sem_alloc : memref<!tpu.dma_semaphore, #tpu.memory_space<semaphore_mem>>
      %dma_start3A_101 = arith.constant 0 : i32
      %dma_start3A_102 = tpu.memref_slice %arg10[%run_scoped3A_88, %dma_start3A_101] : memref<1x80xi32, #tpu.memory_space<vmem>> -> memref<1x80xi32, #tpu.memory_space<vmem>>
      %dma_start3A_103 = tpu.memref_squeeze %dma_start3A_102 : memref<1x80xi32, #tpu.memory_space<vmem>> -> memref<80xi32, #tpu.memory_space<vmem>>
      %dma_start3A_104 = arith.constant 0 : i32
      %dma_start3A_105 = arith.constant 0 : i32
      %dma_start3A_106 = tpu.memref_slice %arg17[%dma_start3A_104, %dma_start3A_105] : memref<10112x16xf32, #tpu.memory_space<vmem_shared>> -> memref<10112x16xf32, #tpu.memory_space<vmem_shared>>
      tpu.enqueue_indirect_dma source(%arg6 : memref<80x16xf32, #tpu.memory_space<vmem>>) target(%dma_start3A_106 : memref<10112x16xf32, #tpu.memory_space<vmem_shared>>) offsets(%dma_start3A_103 : memref<80xi32, #tpu.memory_space<vmem>>) semaphore(%run_scoped3A_100 : memref<!tpu.dma_semaphore, #tpu.memory_space<semaphore_mem>>) {add = true}
      %dma_wait3A_107 = arith.constant 0 : i32
      %dma_wait3A_108 = tpu.memref_slice %arg10[%run_scoped3A_88, %dma_wait3A_107] : memref<1x80xi32, #tpu.memory_space<vmem>> -> memref<1x80xi32, #tpu.memory_space<vmem>>
      %dma_wait3A_109 = tpu.memref_squeeze %dma_wait3A_108 : memref<1x80xi32, #tpu.memory_space<vmem>> -> memref<80xi32, #tpu.memory_space<vmem>>
      %dma_wait3A_110 = arith.constant 0 : i32
      %dma_wait3A_111 = arith.constant 0 : i32
      %dma_wait3A_112 = tpu.memref_slice %arg17[%dma_wait3A_110, %dma_wait3A_111] : memref<10112x16xf32, #tpu.memory_space<vmem_shared>> -> memref<10112x16xf32, #tpu.memory_space<vmem_shared>>
      tpu.wait_indirect_dma semaphore(%run_scoped3A_100 : memref<!tpu.dma_semaphore, #tpu.memory_space<semaphore_mem>>) src(%arg6 : memref<80x16xf32, #tpu.memory_space<vmem>>) dst(%dma_wait3A_112 : memref<10112x16xf32, #tpu.memory_space<vmem_shared>>)
      tpu.yield
    }) : () -> ()
    %dma_wait3A_89 = arith.constant 124 : i32
    %dma_wait3A_90 = arith.constant 0 : i32
    %dma_wait3A_91 = arith.constant 0 : i32
    %dma_wait3A_92 = tpu.memref_slice %arg2[%add3A, %dma_wait3A_89, %dma_wait3A_90, %dma_wait3A_91] : memref<32x125x1x80xi32, #tpu.memory_space<hbm>> -> memref<1x1x1x80xi32, #tpu.memory_space<hbm>>
    %dma_wait3A_93 = tpu.memref_squeeze %dma_wait3A_92 : memref<1x1x1x80xi32, #tpu.memory_space<hbm>> -> memref<1x80xi32, #tpu.memory_space<hbm>>
    %dma_wait3A_94 = arith.constant 0 : i32
    %dma_wait3A_95 = arith.constant 0 : i32
    %dma_wait3A_96 = tpu.memref_slice %arg2[%add3A, %dma_wait3A_89, %dma_wait3A_94, %dma_wait3A_95] : memref<32x125x1x80xi32, #tpu.memory_space<hbm>> -> memref<1x1x1x80xi32, #tpu.memory_space<hbm>>
    %dma_wait3A_97 = tpu.memref_squeeze %dma_wait3A_96 : memref<1x1x1x80xi32, #tpu.memory_space<hbm>> -> memref<1x80xi32, #tpu.memory_space<hbm>>
    tpu.wait_dma2 semaphore(%arg16 : memref<!tpu.dma_semaphore, #tpu.memory_space<semaphore_mem>>) src(%dma_wait3A_97 : memref<1x80xi32, #tpu.memory_space<hbm>>) dst(%arg11 : memref<1x80xi32, #tpu.memory_space<vmem>>)
    %run_scoped3A_98 = arith.constant 0 : i32
    "tpu.region"() ({
      %run_scoped3A_100 = tpu.sem_alloc : memref<!tpu.dma_semaphore, #tpu.memory_space<semaphore_mem>>
      %dma_start3A_101 = arith.constant 0 : i32
      %dma_start3A_102 = tpu.memref_slice %arg11[%run_scoped3A_98, %dma_start3A_101] : memref<1x80xi32, #tpu.memory_space<vmem>> -> memref<1x80xi32, #tpu.memory_space<vmem>>
      %dma_start3A_103 = tpu.memref_squeeze %dma_start3A_102 : memref<1x80xi32, #tpu.memory_space<vmem>> -> memref<80xi32, #tpu.memory_space<vmem>>
      %dma_start3A_104 = arith.constant 0 : i32
      %dma_start3A_105 = arith.constant 0 : i32
      %dma_start3A_106 = tpu.memref_slice %arg17[%dma_start3A_104, %dma_start3A_105] : memref<10112x16xf32, #tpu.memory_space<vmem_shared>> -> memref<10112x16xf32, #tpu.memory_space<vmem_shared>>
      tpu.enqueue_indirect_dma source(%arg6 : memref<80x16xf32, #tpu.memory_space<vmem>>) target(%dma_start3A_106 : memref<10112x16xf32, #tpu.memory_space<vmem_shared>>) offsets(%dma_start3A_103 : memref<80xi32, #tpu.memory_space<vmem>>) semaphore(%run_scoped3A_100 : memref<!tpu.dma_semaphore, #tpu.memory_space<semaphore_mem>>) {add = true}
      %dma_wait3A_107 = arith.constant 0 : i32
      %dma_wait3A_108 = tpu.memref_slice %arg11[%run_scoped3A_98, %dma_wait3A_107] : memref<1x80xi32, #tpu.memory_space<vmem>> -> memref<1x80xi32, #tpu.memory_space<vmem>>
      %dma_wait3A_109 = tpu.memref_squeeze %dma_wait3A_108 : memref<1x80xi32, #tpu.memory_space<vmem>> -> memref<80xi32, #tpu.memory_space<vmem>>
      %dma_wait3A_110 = arith.constant 0 : i32
      %dma_wait3A_111 = arith.constant 0 : i32
      %dma_wait3A_112 = tpu.memref_slice %arg17[%dma_wait3A_110, %dma_wait3A_111] : memref<10112x16xf32, #tpu.memory_space<vmem_shared>> -> memref<10112x16xf32, #tpu.memory_space<vmem_shared>>
      tpu.wait_indirect_dma semaphore(%run_scoped3A_100 : memref<!tpu.dma_semaphore, #tpu.memory_space<semaphore_mem>>) src(%arg6 : memref<80x16xf32, #tpu.memory_space<vmem>>) dst(%dma_wait3A_112 : memref<10112x16xf32, #tpu.memory_space<vmem_shared>>)
      tpu.yield
    }) : () -> ()
    %barrier3A_99 = arith.constant 0 : index
    tpu.barrier barrier_id(%barrier3A_99)
    "tpu.region"() ({
      %run_scoped3A_100 = tpu.sem_alloc : memref<!tpu.dma_semaphore, #tpu.memory_space<semaphore_mem>>
      %dma_start3A_101 = arith.constant 0 : i32
      %dma_start3A_102 = tpu.memref_slice %arg5[%arg0, %mul3A_2, %dma_start3A_101] : memref<2x10112x16xf32, #tpu.memory_space<hbm>> -> memref<1x632x16xf32, #tpu.memory_space<hbm>>
      %dma_start3A_103 = tpu.memref_squeeze %dma_start3A_102 : memref<1x632x16xf32, #tpu.memory_space<hbm>> -> memref<632x16xf32, #tpu.memory_space<hbm>>
      %dma_start3A_104 = arith.constant 0 : i32
      %dma_start3A_105 = tpu.memref_slice %arg17[%mul3A_2, %dma_start3A_104] : memref<10112x16xf32, #tpu.memory_space<vmem_shared>> -> memref<632x16xf32, #tpu.memory_space<vmem_shared>>
      tpu.enqueue_dma source(%dma_start3A_105 : memref<632x16xf32, #tpu.memory_space<vmem_shared>>) target(%dma_start3A_103 : memref<632x16xf32, #tpu.memory_space<hbm>>) target_semaphore(%run_scoped3A_100 : memref<!tpu.dma_semaphore, #tpu.memory_space<semaphore_mem>>)
      %dma_wait3A_106 = arith.constant 0 : i32
      %dma_wait3A_107 = tpu.memref_slice %arg5[%arg0, %mul3A_2, %dma_wait3A_106] : memref<2x10112x16xf32, #tpu.memory_space<hbm>> -> memref<1x632x16xf32, #tpu.memory_space<hbm>>
      %dma_wait3A_108 = tpu.memref_squeeze %dma_wait3A_107 : memref<1x632x16xf32, #tpu.memory_space<hbm>> -> memref<632x16xf32, #tpu.memory_space<hbm>>
      %dma_wait3A_109 = arith.constant 0 : i32
      %dma_wait3A_110 = tpu.memref_slice %arg17[%mul3A_2, %dma_wait3A_109] : memref<10112x16xf32, #tpu.memory_space<vmem_shared>> -> memref<632x16xf32, #tpu.memory_space<vmem_shared>>
      tpu.wait_dma2 semaphore(%run_scoped3A_100 : memref<!tpu.dma_semaphore, #tpu.memory_space<semaphore_mem>>) src(%dma_wait3A_110 : memref<632x16xf32, #tpu.memory_space<vmem_shared>>) dst(%dma_wait3A_108 : memref<632x16xf32, #tpu.memory_space<hbm>>)
      tpu.yield
    }) : () -> ()
    return
  }
}

module attributes {stable_mosaic.version = 14 : i64} {
  func.func @body(%arg0: i32, %arg1: memref<2x2000x128xf32, #tpu.memory_space<vmem>>, %arg2: memref<2x2000x16xf32, #tpu.memory_space<vmem>>, %arg3: memref<2000x128xf32, #tpu.memory_space<vmem>>, %arg4: memref<128x128xf32, #tpu.memory_space<vmem>>, %arg5: memref<128x128xf32, #tpu.memory_space<vmem>>, %arg6: memref<1x128xf32, #tpu.memory_space<vmem>>, %arg7: memref<2000x128xf32, #tpu.memory_space<vmem>>) attributes {dimension_semantics = [#tpu.dimension_semantics<arbitrary>], iteration_bounds = array<i64: 5>, scalar_prefetch = 0 : i64, scratch_operands = 0 : i64, tpu.core_type = #tpu.core_type<tc>, window_params = [{transform_indices = @transform_0, window_bounds = array<i64: 2, 2000, 128>}, {transform_indices = @transform_1, window_bounds = array<i64: 2, 2000, 16>}, {transform_indices = @transform_2, window_bounds = array<i64: 2000, 128>}, {pipeline_mode = #tpu.pipeline_mode<synchronous>, transform_indices = @transform_3, window_bounds = array<i64: 128, 128>}, {pipeline_mode = #tpu.pipeline_mode<synchronous>, transform_indices = @transform_4, window_bounds = array<i64: 128, 128>}, {pipeline_mode = #tpu.pipeline_mode<synchronous>, transform_indices = @transform_5, window_bounds = array<i64: 1, 128>}, {transform_indices = @transform_6, window_bounds = array<i64: 2000, 128>}]} {
    %get3A = arith.constant 0 : index
    %get3A_0 = arith.constant 0 : index
    %get3A_1 = arith.constant 0 : index
    %get3A_2 = vector.load %arg1[%get3A, %get3A_0, %get3A_1] : memref<2x2000x128xf32, #tpu.memory_space<vmem>>, vector<1x2000x128xf32>
    %get3A_3 = vector.shape_cast %get3A_2 : vector<1x2000x128xf32> to vector<2000x128xf32>
    %get3A_4 = arith.constant 1 : index
    %get3A_5 = arith.constant 0 : index
    %get3A_6 = arith.constant 0 : index
    %get3A_7 = vector.load %arg1[%get3A_4, %get3A_5, %get3A_6] : memref<2x2000x128xf32, #tpu.memory_space<vmem>>, vector<1x2000x128xf32>
    %get3A_8 = vector.shape_cast %get3A_7 : vector<1x2000x128xf32> to vector<2000x128xf32>
    %add3A = arith.addf %get3A_3, %get3A_8 : vector<2000x128xf32>
    %get3A_9 = arith.constant 0 : index
    %get3A_10 = arith.constant 0 : index
    %get3A_11 = arith.constant 0 : index
    %get3A_12 = vector.load %arg2[%get3A_9, %get3A_10, %get3A_11] : memref<2x2000x16xf32, #tpu.memory_space<vmem>>, vector<1x2000x1xf32>
    %get3A_13 = vector.shape_cast %get3A_12 : vector<1x2000x1xf32> to vector<2000x1xf32>
    %get3A_14 = arith.constant 1 : index
    %get3A_15 = arith.constant 0 : index
    %get3A_16 = arith.constant 0 : index
    %get3A_17 = vector.load %arg2[%get3A_14, %get3A_15, %get3A_16] : memref<2x2000x16xf32, #tpu.memory_space<vmem>>, vector<1x2000x1xf32>
    %get3A_18 = vector.shape_cast %get3A_17 : vector<1x2000x1xf32> to vector<2000x1xf32>
    %add3A_19 = arith.addf %get3A_13, %get3A_18 : vector<2000x1xf32>
    %max3A = arith.constant 1.000000e+00 : f32
    %max3A_20 = vector.broadcast %max3A : f32 to vector<2000x1xf32>
    %max3A_21 = arith.maximumf %add3A_19, %max3A_20 : vector<2000x1xf32>
    %div3A = arith.constant 1.000000e+00 : f32
    %div3A_22 = vector.broadcast %div3A : f32 to vector<2000x1xf32>
    %div3A_23 = arith.divf %div3A_22, %max3A_21 : vector<2000x1xf32>
    %mul3A = vector.broadcast %div3A_23 : vector<2000x1xf32> to vector<2000x128xf32>
    %mul3A_24 = arith.mulf %add3A, %mul3A : vector<2000x128xf32>
    %get3A_25 = arith.constant 0 : index
    %get3A_26 = arith.constant 0 : index
    %get3A_27 = vector.load %arg4[%get3A_25, %get3A_26] : memref<128x128xf32, #tpu.memory_space<vmem>>, vector<128x128xf32>
    %dot_general3A = arith.constant dense<0.000000e+00> : vector<2000x128xf32>
    %dot_general3A_28 = tpu.matmul %mul3A_24, %get3A_27, %dot_general3A {dimension_numbers = #tpu.dot_dimension_numbers<[1], [1], [0], [0], [0, 0, 1, 0], [], []>, transpose_lhs_hint = false} : vector<2000x128xf32>, vector<128x128xf32>, vector<2000x128xf32> -> vector<2000x128xf32>
    %get3A_29 = arith.constant 0 : index
    %get3A_30 = arith.constant 0 : index
    %get3A_31 = vector.load %arg3[%get3A_29, %get3A_30] : memref<2000x128xf32, #tpu.memory_space<vmem>>, vector<2000x128xf32>
    %get3A_32 = arith.constant 0 : index
    %get3A_33 = arith.constant 0 : index
    %get3A_34 = vector.load %arg5[%get3A_32, %get3A_33] : memref<128x128xf32, #tpu.memory_space<vmem>>, vector<128x128xf32>
    %dot_general3A_35 = arith.constant dense<0.000000e+00> : vector<2000x128xf32>
    %dot_general3A_36 = tpu.matmul %get3A_31, %get3A_34, %dot_general3A_35 {dimension_numbers = #tpu.dot_dimension_numbers<[1], [1], [0], [0], [0, 0, 1, 0], [], []>, transpose_lhs_hint = false} : vector<2000x128xf32>, vector<128x128xf32>, vector<2000x128xf32> -> vector<2000x128xf32>
    %add3A_37 = arith.addf %dot_general3A_28, %dot_general3A_36 : vector<2000x128xf32>
    %get3A_38 = arith.constant 0 : index
    %get3A_39 = arith.constant 0 : index
    %get3A_40 = vector.load %arg6[%get3A_38, %get3A_39] : memref<1x128xf32, #tpu.memory_space<vmem>>, vector<1x128xf32>
    %add3A_41 = vector.broadcast %get3A_40 : vector<1x128xf32> to vector<2000x128xf32>
    %add3A_42 = arith.addf %add3A_37, %add3A_41 : vector<2000x128xf32>
    %mul3A_43 = arith.mulf %add3A_42, %add3A_42 : vector<2000x128xf32>
    %reduce_sum3A = arith.constant dense<0.000000e+00> : vector<2000xf32>
    %reduce_sum3A_44 = vector.multi_reduction <add>, %mul3A_43, %reduce_sum3A [1] : vector<2000x128xf32> to vector<2000xf32>
    %broadcast_in_dim3A = vector.shape_cast %reduce_sum3A_44 : vector<2000xf32> to vector<2000x1xf32>
    %sqrt3A = math.sqrt %broadcast_in_dim3A : vector<2000x1xf32>
    %max3A_45 = arith.constant 9.99999996E-13 : f32
    %max3A_46 = vector.broadcast %max3A_45 : f32 to vector<2000x1xf32>
    %max3A_47 = arith.maximumf %sqrt3A, %max3A_46 : vector<2000x1xf32>
    %div3A_48 = vector.broadcast %max3A_47 : vector<2000x1xf32> to vector<2000x128xf32>
    %div3A_49 = arith.divf %add3A_42, %div3A_48 : vector<2000x128xf32>
    %max3A_50 = arith.constant 0.000000e+00 : f32
    %max3A_51 = vector.broadcast %max3A_50 : f32 to vector<2000x128xf32>
    %max3A_52 = arith.maximumf %div3A_49, %max3A_51 : vector<2000x128xf32>
    %swap3A = arith.constant 0 : index
    %swap3A_53 = arith.constant 0 : index
    %swap3A_54 = vector.load %arg7[%swap3A, %swap3A_53] : memref<2000x128xf32, #tpu.memory_space<vmem>>, vector<2000x128xf32>
    tpu.vector_store %arg7[%swap3A, %swap3A_53], %max3A_52 {strides = array<i32>} : memref<2000x128xf32, #tpu.memory_space<vmem>>, vector<2000x128xf32>,
    return
  }
  func.func @transform_0(%arg0: i32) -> (i32, i32, i32) {
    %c0_i32 = arith.constant 0 : i32
    %c0_i32_0 = arith.constant 0 : i32
    %c0_i32_1 = arith.constant 0 : i32
    return %c0_i32, %arg0, %c0_i32_0 : i32, i32, i32
  }
  func.func @transform_1(%arg0: i32) -> (i32, i32, i32) {
    %c0_i32 = arith.constant 0 : i32
    %c0_i32_0 = arith.constant 0 : i32
    %c0_i32_1 = arith.constant 0 : i32
    return %c0_i32, %arg0, %c0_i32_0 : i32, i32, i32
  }
  func.func @transform_2(%arg0: i32) -> (i32, i32) {
    %c0_i32 = arith.constant 0 : i32
    %c0_i32_0 = arith.constant 0 : i32
    return %arg0, %c0_i32 : i32, i32
  }
  func.func @transform_3(%arg0: i32) -> (i32, i32) {
    %c0_i32 = arith.constant 0 : i32
    %c0_i32_0 = arith.constant 0 : i32
    %c0_i32_1 = arith.constant 0 : i32
    return %c0_i32, %c0_i32_0 : i32, i32
  }
  func.func @transform_4(%arg0: i32) -> (i32, i32) {
    %c0_i32 = arith.constant 0 : i32
    %c0_i32_0 = arith.constant 0 : i32
    %c0_i32_1 = arith.constant 0 : i32
    return %c0_i32, %c0_i32_0 : i32, i32
  }
  func.func @transform_5(%arg0: i32) -> (i32, i32) {
    %c0_i32 = arith.constant 0 : i32
    %c0_i32_0 = arith.constant 0 : i32
    %c0_i32_1 = arith.constant 0 : i32
    return %c0_i32, %c0_i32_0 : i32, i32
  }
  func.func @transform_6(%arg0: i32) -> (i32, i32) {
    %c0_i32 = arith.constant 0 : i32
    %c0_i32_0 = arith.constant 0 : i32
    return %arg0, %c0_i32 : i32, i32
  }
}

module attributes {stable_mosaic.version = 14 : i64} {
  func.func @body(%arg0: i32, %arg1: memref<2x2000x128xf32, #tpu.memory_space<vmem>>, %arg2: memref<2x2000x16xf32, #tpu.memory_space<vmem>>, %arg3: memref<2000x128xf32, #tpu.memory_space<vmem>>, %arg4: memref<128x128xf32, #tpu.memory_space<vmem>>, %arg5: memref<128x128xf32, #tpu.memory_space<vmem>>, %arg6: memref<1x128xf32, #tpu.memory_space<vmem>>, %arg7: memref<2000x128xf32, #tpu.memory_space<vmem>>) attributes {dimension_semantics = [#tpu.dimension_semantics<arbitrary>], iteration_bounds = array<i64: 5>, scalar_prefetch = 0 : i64, scratch_operands = 0 : i64, tpu.core_type = #tpu.core_type<tc>, window_params = [{transform_indices = @transform_0, window_bounds = array<i64: 2, 2000, 128>}, {transform_indices = @transform_1, window_bounds = array<i64: 2, 2000, 16>}, {transform_indices = @transform_2, window_bounds = array<i64: 2000, 128>}, {pipeline_mode = #tpu.pipeline_mode<synchronous>, transform_indices = @transform_3, window_bounds = array<i64: 128, 128>}, {pipeline_mode = #tpu.pipeline_mode<synchronous>, transform_indices = @transform_4, window_bounds = array<i64: 128, 128>}, {pipeline_mode = #tpu.pipeline_mode<synchronous>, transform_indices = @transform_5, window_bounds = array<i64: 1, 128>}, {transform_indices = @transform_6, window_bounds = array<i64: 2000, 128>}]} {
    %get3A = arith.constant 0 : index
    %get3A_0 = arith.constant 0 : index
    %get3A_1 = arith.constant 0 : index
    %get3A_2 = vector.load %arg1[%get3A, %get3A_0, %get3A_1] : memref<2x2000x128xf32, #tpu.memory_space<vmem>>, vector<1x2000x128xf32>
    %get3A_3 = vector.shape_cast %get3A_2 : vector<1x2000x128xf32> to vector<2000x128xf32>
    %get3A_4 = arith.constant 1 : index
    %get3A_5 = arith.constant 0 : index
    %get3A_6 = arith.constant 0 : index
    %get3A_7 = vector.load %arg1[%get3A_4, %get3A_5, %get3A_6] : memref<2x2000x128xf32, #tpu.memory_space<vmem>>, vector<1x2000x128xf32>
    %get3A_8 = vector.shape_cast %get3A_7 : vector<1x2000x128xf32> to vector<2000x128xf32>
    %add3A = arith.addf %get3A_3, %get3A_8 : vector<2000x128xf32>
    %get3A_9 = arith.constant 0 : index
    %get3A_10 = arith.constant 0 : index
    %get3A_11 = arith.constant 0 : index
    %get3A_12 = vector.load %arg2[%get3A_9, %get3A_10, %get3A_11] : memref<2x2000x16xf32, #tpu.memory_space<vmem>>, vector<1x2000x1xf32>
    %get3A_13 = vector.shape_cast %get3A_12 : vector<1x2000x1xf32> to vector<2000x1xf32>
    %get3A_14 = arith.constant 1 : index
    %get3A_15 = arith.constant 0 : index
    %get3A_16 = arith.constant 0 : index
    %get3A_17 = vector.load %arg2[%get3A_14, %get3A_15, %get3A_16] : memref<2x2000x16xf32, #tpu.memory_space<vmem>>, vector<1x2000x1xf32>
    %get3A_18 = vector.shape_cast %get3A_17 : vector<1x2000x1xf32> to vector<2000x1xf32>
    %add3A_19 = arith.addf %get3A_13, %get3A_18 : vector<2000x1xf32>
    %max3A = arith.constant 1.000000e+00 : f32
    %max3A_20 = vector.broadcast %max3A : f32 to vector<2000x1xf32>
    %max3A_21 = arith.maximumf %add3A_19, %max3A_20 : vector<2000x1xf32>
    %div3A = arith.constant 1.000000e+00 : f32
    %div3A_22 = vector.broadcast %div3A : f32 to vector<2000x1xf32>
    %div3A_23 = arith.divf %div3A_22, %max3A_21 : vector<2000x1xf32>
    %mul3A = vector.broadcast %div3A_23 : vector<2000x1xf32> to vector<2000x128xf32>
    %mul3A_24 = arith.mulf %add3A, %mul3A : vector<2000x128xf32>
    %get3A_25 = arith.constant 0 : index
    %get3A_26 = arith.constant 0 : index
    %get3A_27 = vector.load %arg4[%get3A_25, %get3A_26] : memref<128x128xf32, #tpu.memory_space<vmem>>, vector<128x128xf32>
    %dot_general3A = arith.constant dense<0.000000e+00> : vector<2000x128xf32>
    %dot_general3A_28 = tpu.matmul %mul3A_24, %get3A_27, %dot_general3A {dimension_numbers = #tpu.dot_dimension_numbers<[1], [1], [0], [0], [0, 0, 1, 0], [], []>, transpose_lhs_hint = false} : vector<2000x128xf32>, vector<128x128xf32>, vector<2000x128xf32> -> vector<2000x128xf32>
    %get3A_29 = arith.constant 0 : index
    %get3A_30 = arith.constant 0 : index
    %get3A_31 = vector.load %arg3[%get3A_29, %get3A_30] : memref<2000x128xf32, #tpu.memory_space<vmem>>, vector<2000x128xf32>
    %get3A_32 = arith.constant 0 : index
    %get3A_33 = arith.constant 0 : index
    %get3A_34 = vector.load %arg5[%get3A_32, %get3A_33] : memref<128x128xf32, #tpu.memory_space<vmem>>, vector<128x128xf32>
    %dot_general3A_35 = arith.constant dense<0.000000e+00> : vector<2000x128xf32>
    %dot_general3A_36 = tpu.matmul %get3A_31, %get3A_34, %dot_general3A_35 {dimension_numbers = #tpu.dot_dimension_numbers<[1], [1], [0], [0], [0, 0, 1, 0], [], []>, transpose_lhs_hint = false} : vector<2000x128xf32>, vector<128x128xf32>, vector<2000x128xf32> -> vector<2000x128xf32>
    %add3A_37 = arith.addf %dot_general3A_28, %dot_general3A_36 : vector<2000x128xf32>
    %get3A_38 = arith.constant 0 : index
    %get3A_39 = arith.constant 0 : index
    %get3A_40 = vector.load %arg6[%get3A_38, %get3A_39] : memref<1x128xf32, #tpu.memory_space<vmem>>, vector<1x128xf32>
    %add3A_41 = vector.broadcast %get3A_40 : vector<1x128xf32> to vector<2000x128xf32>
    %add3A_42 = arith.addf %add3A_37, %add3A_41 : vector<2000x128xf32>
    %mul3A_43 = arith.mulf %add3A_42, %add3A_42 : vector<2000x128xf32>
    %reduce_sum3A = arith.constant dense<0.000000e+00> : vector<2000xf32>
    %reduce_sum3A_44 = vector.multi_reduction <add>, %mul3A_43, %reduce_sum3A [1] : vector<2000x128xf32> to vector<2000xf32>
    %broadcast_in_dim3A = vector.shape_cast %reduce_sum3A_44 : vector<2000xf32> to vector<2000x1xf32>
    %sqrt3A = math.sqrt %broadcast_in_dim3A : vector<2000x1xf32>
    %max3A_45 = arith.constant 9.99999996E-13 : f32
    %max3A_46 = vector.broadcast %max3A_45 : f32 to vector<2000x1xf32>
    %max3A_47 = arith.maximumf %sqrt3A, %max3A_46 : vector<2000x1xf32>
    %div3A_48 = vector.broadcast %max3A_47 : vector<2000x1xf32> to vector<2000x128xf32>
    %div3A_49 = arith.divf %add3A_42, %div3A_48 : vector<2000x128xf32>
    %swap3A = arith.constant 0 : index
    %swap3A_50 = arith.constant 0 : index
    %swap3A_51 = vector.load %arg7[%swap3A, %swap3A_50] : memref<2000x128xf32, #tpu.memory_space<vmem>>, vector<2000x128xf32>
    tpu.vector_store %arg7[%swap3A, %swap3A_50], %div3A_49 {strides = array<i32>} : memref<2000x128xf32, #tpu.memory_space<vmem>>, vector<2000x128xf32>,
    return
  }
  func.func @transform_0(%arg0: i32) -> (i32, i32, i32) {
    %c0_i32 = arith.constant 0 : i32
    %c0_i32_0 = arith.constant 0 : i32
    %c0_i32_1 = arith.constant 0 : i32
    return %c0_i32, %arg0, %c0_i32_0 : i32, i32, i32
  }
  func.func @transform_1(%arg0: i32) -> (i32, i32, i32) {
    %c0_i32 = arith.constant 0 : i32
    %c0_i32_0 = arith.constant 0 : i32
    %c0_i32_1 = arith.constant 0 : i32
    return %c0_i32, %arg0, %c0_i32_0 : i32, i32, i32
  }
  func.func @transform_2(%arg0: i32) -> (i32, i32) {
    %c0_i32 = arith.constant 0 : i32
    %c0_i32_0 = arith.constant 0 : i32
    return %arg0, %c0_i32 : i32, i32
  }
  func.func @transform_3(%arg0: i32) -> (i32, i32) {
    %c0_i32 = arith.constant 0 : i32
    %c0_i32_0 = arith.constant 0 : i32
    %c0_i32_1 = arith.constant 0 : i32
    return %c0_i32, %c0_i32_0 : i32, i32
  }
  func.func @transform_4(%arg0: i32) -> (i32, i32) {
    %c0_i32 = arith.constant 0 : i32
    %c0_i32_0 = arith.constant 0 : i32
    %c0_i32_1 = arith.constant 0 : i32
    return %c0_i32, %c0_i32_0 : i32, i32
  }
  func.func @transform_5(%arg0: i32) -> (i32, i32) {
    %c0_i32 = arith.constant 0 : i32
    %c0_i32_0 = arith.constant 0 : i32
    %c0_i32_1 = arith.constant 0 : i32
    return %c0_i32, %c0_i32_0 : i32, i32
  }
  func.func @transform_6(%arg0: i32) -> (i32, i32) {
    %c0_i32 = arith.constant 0 : i32
    %c0_i32_0 = arith.constant 0 : i32
    return %arg0, %c0_i32 : i32, i32
  }
}

</mosaic_0001>

<sc_bundles>
// kernel: kernel.10.cloned.1.call-start
scs
__scs_entry_jumppad:
0x0: {  	(pc) =	sbr.rel $0x88, $3  }
0x1: {  	(tag) =	ssettag $0x0;
	lr =	simm.s32 $0x1  }
0x2: {  	[smem:$0x3F99] =	sst lr;
	_ =	strace $0xD0000000  }
0x3: {  	_ = 	snop  }
0x4: {  	_ = 	snop  }
0x5: {  	_ = 	snop  }
0x6: {  	_ = 	snop  }
0x7: {  	_ = 	snop  }
__scs_overlays_trampoline_lowered:
0x8: {  	[smem:$0x3FA8] =	sst s0  }
0x9: {  	[smem:$0x3FA9] =	sst s1  }
0xa: {  	[smem:$0x3FAA] =	sst s2  }
0xb: {  	[smem:$0x3FAB] =	sst s3  }
0xc: {  	[smem:$0x3FAC] =	sst s4  }
0xd: {  	[smem:$0x3FAD] =	sst s5  }
0xe: {  	[smem:$0x3FAE] =	sst s6  }
0xf: {  	[smem:$0x3FAF] =	sst s7  }
0x10: {  	[smem:$0x3FB0] =	sst s8  }
0x11: {  	[smem:$0x3FB1] =	sst s9;
	s0 =	simm.s32 @!p0 $0x0  }
0x12: {  	s1 =	sld [smem:$0x3F97];
	s0 =	simm.s32 @p0 $0x1  }
0x13: {  	[smem:$0x3FB2] =	sst s0;
	s0 =	simm.s32 @!p1 $0x0  }
0x14: {  	s2 =	sld [smem:$0x3F96];
	s0 =	simm.s32 @p1 $0x1  }
0x15: {  	[smem:$0x3FB3] =	sst s0;
	s0 =	simm.s32 @!p2 $0x0  }
0x16: {  	s3 =	sld [smem:$0x3FDB];
	s0 =	simm.s32 @p2 $0x1  }
0x17: {  	s4 =	simm.s32 $0x1BF5;
	[smem:$0x3FB5] =	sst s0  }
0x18: {  	s0 =	sld [smem:$0x3F98];
	_ =	swait.ge [sflag:s4], $0x0  }
0x19: {  	s7 =	sld [smem:$0x3F99]  }
0x1a: {  	s8 =	sadd.s32 $0xFFFFE003, lr  }
0x1b: {  	s9 =	sadd.s32 $0xFFFFFEF7, lr;
	s5 =	simm.s32 $0xFFFFFFFF;
	p2 =	slt.u32 s8, $0xFFFFF086  }
0x1c: {  	p1 =	slt.u32 s9, $0xF7A;
	s5 =	simm.s32 @!p2 $0x0  }
0x1d: {  	s5 =	simm.s32 @p1 $0x1;
	p0 =	seq.s32 s7, s2  }
0x1e: {  	s7 =	smul.u32 @!p0 $0xF7A, s2;
	p2 =	seq.s32 @!p0 s5, $0x0  }
0x1f: {  	s9 =	smul.u32 $0xF7A, s1;
	s8 =	simm.s32 @!p0 $0x1BF5;
	p2 =	por !p2, p0  }
0x20: {  	[sflag:s8] =	ssyncset.s32 @!p0 $0xFFFFF086;
	s6 =	sadd.s32 @!p0 s3, s7;
	s7 =	simm.s32 @!p0 $0x108  }
0x21: {  	s3 =	sadd.s32 s3, s9;
	s6 =	sadd.s32 @!p0 $0x88, s6;
	s7 =	simm.s32 @p2 $0x1082  }
0x22: {  	[simem:s7], [sflag:s8] =	dma.local @!p0 [hbm:s6], $0xF7A  }
0x23: {  	s9 =	sor.u32 $0xD0000000, s2;
	s6 =	simm.s32 $0x108;
	_ =	swait.ge @!p0 [sflag:s8], $0x0  }
0x24: {  	s3 =	sadd.s32 $0x88, s3;
	s6 =	simm.s32 @!p1 $0x1082;
	[sflag:s4] =	ssyncset.s32 $0xFFFFF086  }
0x25: {  	[simem:s6], [sflag:s4] =	dma.local [hbm:s3], $0xF7A  }
0x26: {  	[smem:$0x3F99] =	sst s1;
	(tag) =	ssettag s2;
	_ =	strace s9  }
0x27: {  	s1 =	sld [smem:$0x3FA9]  }
0x28: {  	s2 =	sld [smem:$0x3FAA]  }
0x29: {  	s4 =	sld [smem:$0x3FAC]  }
0x2a: {  	p0 =	seq.s32 s5, $0x0;
	s5 =	sld [smem:$0x3FAD]  }
0x2b: {  	s6 =	sld [smem:$0x3FAE]  }
0x2c: {  	s7 =	sld [smem:$0x3FAF]  }
0x2d: {  	s3 =	simm.s32 $0x108;
	s8 =	sld [smem:$0x3FB0]  }
0x2e: {  	s3 =	simm.s32 @!p0 $0x1082;
	s9 =	sld [smem:$0x3FB1]  }
0x2f: {  	lr =	sadd.s32 s0, s3;
	s0 =	sld [smem:$0x3FA8]  }
0x30: {  	s3 =	sld [smem:$0x3FAB]  }
0x31: {  	[smem:$0x3FB4] =	sst s10  }
0x32: {  	s10 =	sld [smem:$0x3FB2];
	_ =	sdelay $0x3  }
0x33: {  	p0 =	seq.s32 s10, $0x1;
	s10 =	sld [smem:$0x3FB4];
	_ =	sdelay $0x3  }
0x34: {  	[smem:$0x3FB4] =	sst s10  }
0x35: {  	s10 =	sld [smem:$0x3FB3];
	_ =	sdelay $0x3  }
0x36: {  	p1 =	seq.s32 s10, $0x1;
	s10 =	sld [smem:$0x3FB4];
	_ =	sdelay $0x3  }
0x37: {  	[smem:$0x3FB4] =	sst s10  }
0x38: {  	s10 =	sld [smem:$0x3FB5]  }
0x39: {  	_ = 	snop;
	(pc) =	sbr.ind lr, $3  }
0x3a: {  	_ = 	snop  }
0x3b: {  	_ = 	snop  }
0x3c: {  	p2 =	seq.s32 s10, $0x1;
	s10 =	sld [smem:$0x3FB4]  }
0x3d: {  	_ =	shalt  }
0x3e: {  	_ =	shalt  }
0x3f: {  	_ =	shalt  }
0x40: {  	_ =	shalt  }
0x41: {  	_ =	shalt  }
0x42: {  	_ =	shalt  }
0x43: {  	_ =	shalt  }
0x44: {  	_ =	shalt  }
0x45: {  	_ =	shalt  }
0x46: {  	_ =	shalt  }
0x47: {  	_ =	shalt  }
0x48: {  	_ =	shalt  }
0x49: {  	_ =	shalt  }
0x4a: {  	_ =	shalt  }
0x4b: {  	_ =	shalt  }
0x4c: {  	_ =	shalt  }
0x4d: {  	_ =	shalt  }
0x4e: {  	_ =	shalt  }
0x4f: {  	_ =	shalt  }
0x50: {  	_ =	shalt  }
0x51: {  	_ =	shalt  }
0x52: {  	_ =	shalt  }
0x53: {  	_ =	shalt  }
0x54: {  	_ =	shalt  }
0x55: {  	_ =	shalt  }
0x56: {  	_ =	shalt  }
0x57: {  	_ =	shalt  }
0x58: {  	_ =	shalt  }
0x59: {  	_ =	shalt  }
0x5a: {  	_ =	shalt  }
0x5b: {  	_ =	shalt  }
0x5c: {  	_ =	shalt  }
0x5d: {  	_ =	shalt  }
0x5e: {  	_ =	shalt  }
0x5f: {  	_ =	shalt  }
0x60: {  	_ =	shalt  }
0x61: {  	_ =	shalt  }
0x62: {  	_ =	shalt  }
0x63: {  	_ =	shalt  }
0x64: {  	_ =	shalt  }
0x65: {  	_ =	shalt  }
0x66: {  	_ =	shalt  }
0x67: {  	_ =	shalt  }
0x68: {  	_ =	shalt  }
0x69: {  	_ =	shalt  }
0x6a: {  	_ =	shalt  }
0x6b: {  	_ =	shalt  }
0x6c: {  	_ =	shalt  }
0x6d: {  	_ =	shalt  }
0x6e: {  	_ =	shalt  }
0x6f: {  	_ =	shalt  }
0x70: {  	_ =	shalt  }
0x71: {  	_ =	shalt  }
0x72: {  	_ =	shalt  }
0x73: {  	_ =	shalt  }
0x74: {  	_ =	shalt  }
0x75: {  	_ =	shalt  }
0x76: {  	_ =	shalt  }
0x77: {  	_ =	shalt  }
0x78: {  	_ =	shalt  }
0x79: {  	_ =	shalt  }
0x7a: {  	_ =	shalt  }
0x7b: {  	_ =	shalt  }
0x7c: {  	_ =	shalt  }
0x7d: {  	_ =	shalt  }
0x7e: {  	_ =	shalt  }
0x7f: {  	_ =	shalt  }
0x80: {  	_ =	shalt  }
0x81: {  	_ =	shalt  }
0x82: {  	_ =	shalt  }
0x83: {  	_ =	shalt  }
0x84: {  	_ =	shalt  }
0x85: {  	_ =	shalt  }
0x86: {  	_ =	shalt  }
0x87: {  	_ =	shalt  }
.Lfunc_end0:
.L_simem_size_0:
called_computation.1_lowered:
.L_overlay_start_0:
0x88: {  	s2 =	sld [smem:$0x3FD9]  }
0x89: {  	s3 =	sld [smem:$0x3FFE];
	_ =	sdelay $0x1  }
0x8a: {  	s1 =	srdreg.scid  }
0x8b: {  	s0 =	sand.u32 $0x1, s1  }
0x8c: {  	s17 =	sshll.u32 s0, $0xA;
	s2 =	sadd.s32 s3, s2  }
0x8d: {  	s2 =	sadd.s32 s2, s17  }
0x8e: {  	[smem:$0x3FC0] =	sst s2  }
0x8f: {  	_ = 	snop  }
0x90: {  	s18 =	sld [smem:$0x3FC9];
	(tm) =	ssettm $0x1  }
0x91: {  	s19 =	sld [smem:$0x3FFB];
	_ =	sdelay $0x3  }
0x92: {  	_ =	strace s19  }
0x93: {  	s2 =	sld [smem:$0x3FFC];
	_ =	sdelay $0x3  }
0x94: {  	_ =	strace s2  }
0x95: {  	s2 =	sld [smem:$0x3FFD];
	_ =	sdelay $0x3  }
0x96: {  	_ =	strace s2  }
0x97: {  	_ =	strace $0x8FFFFFFF  }
0x98: {  	s20 =	sld [smem:$0x3FDB];
	_ =	sdelay $0x1  }
0x99: {  	s4 =	simm.s32 $_scs_section_size  }
0x9a: {  	s5 =	simm.s32 $_size__tile_overlayer_lowered;
	s6 =	simm.s32 $_tile_overlayer_lowered  }
0x9b: {  	s7 =	simm.s32 $0x1BFF;
	s21 =	sshll.u32 s6, $0x1;
	s4 =	sadd.s32 s4, s20  }
0x9c: {  	s22 =	simm.s32 $0x0;
	s5 =	sshll.u32 s5, $0x1;
	s6 =	sadd.s32 s21, s4  }
0x9d: {  	[timem:s22], [sflag:s7] =	dma.local [hbm:s6], s5  }
0x9e: {  	_ =	swait.ge [sflag:s7], s5  }
0x9f: {  	s5 =	ssub.s32 $0x0, s5;
	[sflag:s7] =	ssyncset.done $0x0  }
0xa0: {  	[sflag:s7] =	ssyncadd.s32 s5;
	_ =	sdelay $0x1  }
0xa1: {  	s23 =	simm.s32 $0x1B8B  }
0xa2: {  	_ =	swait.ge [sflag:s23], $0x1  }
0xa3: {  	[sflag:s23] =	ssyncset.done $0x0  }
0xa4: {  	[sflag:s23] =	ssyncadd.s32 $0xFFFFFFFF  }
0xa5: {  	s5 =	sld [smem:$0x0]  }
0xa6: {  	s6 =	sand.u32 $0xFFFFFFFE, s1  }
0xa7: {  	p0 =	sne.s32 s1, s6  }
0xa8: {  	s6 =	sshll.u32 @p0 s6, $0xE  }
0xa9: {  	s6 =	sadd.s32 @p0 $0x11B8D, s6;
	s7 =	sshll.u32 @p0 s5, $0x11  }
0xaa: {  	s6 =	sor.u32 @p0 s7, s6  }
0xab: {  	[sflag:s6] =	ssyncadd.remote.s32 @p0 $0x1;
	_ =	sdelay $0x1  }
0xac: {  	s6 =	simm.s32 @p0 $0x1B8D  }
0xad: {  	_ =	swait.eq @p0 [sflag:s6], $0x1  }
0xae: {  	[sflag:s6] =	ssyncadd.s32 @p0 $0xFFFFFFFF  }
0xaf: {  	s7 =	sshll.u32 @!p0 s1, $0xE  }
0xb0: {  	s7 =	sor.u32 @!p0 $0x4000, s7;
	s6 =	simm.s32 @!p0 $0x1B8D  }
0xb1: {  	s5 =	sshll.u32 @!p0 s5, $0x11;
	s7 =	sadd.s32 @!p0 $0x11B8D, s7;
	_ =	swait.eq @!p0 [sflag:s6], $0x1  }
0xb2: {  	s5 =	sor.u32 @!p0 s5, s7;
	[sflag:s6] =	ssyncadd.s32 @!p0 $0xFFFFFFFF  }
0xb3: {  	s25 =	simm.s32 $0x1B8E;
	s24 =	sld [smem:$0x3FFE];
	[sflag:s5] =	ssyncadd.remote.s32 @!p0 $0x1  }
0xb4: {  	s26 =	simm.s32 $execute0_lowered;
	[smem:$0x3FD2] =	sst s25  }
0xb5: {  	s6 =	sshll.u32 s26, $0x1;
	_ =	strace $0x80000049;
	[dreg:$0x1] =	wrdreg $0xFFFFFFFF  }
0xb6: {  	s28 =	simm.s32 $_size_execute0_lowered;
	s4 =	sadd.s32 s4, s6;
	[dreg:$0x0] =	wrdreg $0x0  }
0xb7: {  	s6 =	sshll.u32 s28, $0x1;
	[dreg:$0x2] =	wrdreg s4  }
0xb8: {  	[dreg:$0x3] =	wrdreg s6  }
0xb9: {  	[dreg:$0x4] =	wrdreg $0xC0  }
0xba: {  	_ =	task [dreg:s22], $0x5FFFF  }
0xbb: {  	[dreg:$0x1] =	wrdreg $0xFFFFFFFF  }
0xbc: {  	[dreg:$0x0] =	wrdreg $0x60  }
0xbd: {  	[dreg:$0x2] =	wrdreg s18  }
0xbe: {  	[dreg:$0x3] =	wrdreg s24  }
0xbf: {  	[dreg:$0x4] =	wrdreg $0xA1000  }
0xc0: {  	[dreg:$0x5] =	wrdreg $0xA  }
0xc1: {  	_ =	task.clear_ibuf [dreg:s22], $0x6FFFF;
	_ =	strace $0x90000049  }
0xc2: {  	s29 =	simm.s32 $0xA;
	_ =	strace $0x8000004B  }
0xc3: {  	_ =	swait.ge [sflag:s29], $0x1  }
0xc4: {  	[sflag:s29] =	ssyncadd.s32 $0xFFFFFFFF  }
0xc5: {  	_ =	strace $0x9000004B  }
0xc6: {  	_ =	sfence  }
0xc7: {  	s30 =	sld [smem:$0x0];
	_ =	sdelay $0x2  }
0xc8: {  	s31 =	sshll.u32 s1, $0xD;
	s1 =	sshrl.u32 s1, $0x2  }
0xc9: {  	s4 =	sand.u32 $0x4000, s31;
	s1 =	sadd.s32 s1, s30  }
0xca: {  	s0 =	sor.u32 s4, s0;
	s1 =	sshll.u32 s1, $0x11  }
0xcb: {  	s0 =	sor.u32 s1, s0  }
0xcc: {  	s0 =	sadd.s32 $0x8F2B, s0  }
0xcd: {  	[sflag:s0] =	ssyncadd.remote.s32 $0x1  }
0xce: {  	_ =	sfence.sel $0xFFFF  }
0xcf: {  	[dreg:$0x0] =	wrdreg $0xFFFFFFFF;
	(pc) =	sbr.abs _section_cstart, $3  }
0xd0: {  	[dreg:$0x1] =	wrdreg $0xFFFFFFFF  }
0xd1: {  	_ =	task.clear_ibuf [dreg:s22], $0x2FFFF;
	_ =	strace $0x9FFFFFFF  }
0xd2: {  	(tm) =	ssettm $0x7FFFFFFF  }
0xd3: {  	_ =	shalt  }
tec
execute0_lowered:
.L_overlay_start_1:
0x0: {  	(tag) =	ssettag $0x1  }
0x1: {  	s1 =	rddreg [dreg:$0x0]  }
0x2: {  	s0 =	srdreg.scid;
	s6 =	rddreg [dreg:$0x1]  }
0x3: {  	s12 =	stileid.u32;
	s3 =	rddreg [dreg:$0x2];
	s4 =	simm.s32 $0x0  }
0x4: {  	s28 =	simm.s32 $0x5100;
	s29 =	simm.s32 $0x2880;
	s31 =	simm.s32 $0x7900  }
0x5: {  	s30 =	simm.s32 $0x0;
	s0 =	sand.u32 $0x1, s0;
	s7 =	smul.u32 $0x13C00, s12  }
0x6: {  	[smem:$0x7FF] =	sst s4;
	s11 =	smul.u32 $0x4F000, s12;
	s21 =	sshll.u32 s12, $0x6  }
0x7: {  	s2 =	sshll.u32 s0, $0x4;
	s8 =	smul.u32 $0x13C000, s0;
	_ =	strace $0x8000004A  }
0x8: {  	s17 =	ssub.s32 $0x2, s0;
	s0 =	smul.u32 $0x3E800, s0;
	[dreg:$0x5] =	wrdreg s21  }
0x9: {  	s2 =	sor.u32 s12, s2;
	s10 =	sshrl.u32 s7, $0x3;
	s12 =	smul.u32 $0x3E80, s12  }
0xa: {  	s18 =	sshrl.u32 s17, $0x1;
	s19 =	sshrl.u32 s11, $0x2;
	s5 =	smul.u32 $0x4F0, s2  }
0xb: {  	s7 =	sadd.s32 s7, s8;
	s10 =	sadd.s32 s10, s6;
	s8 =	ssub.s32 s17, s18  }
0xc: {  	s2 =	smul.u32 $0x3E80, s2;
	s11 =	sadd.s32 s19, s3;
	s7 =	sshrl.u32 s7, $0x3  }
0xd: {  	s20 =	sadd.s32 $0x2AA00, s10;
	s0 =	sadd.s32 s12, s0;
	s16 =	smax.u32 s8, $0x1  }
0xe: {  	s9 =	sadd.s32 s5, s6;
	s5 =	sadd.s32 $0x11200, s6;
	s6 =	sadd.s32 s7, s6  }
0xf: {  	[dreg:$0x4] =	wrdreg s20;
	s2 =	sshrl.u32 s2, $0x3;
	s7 =	sor.u32 $0x1C01, s21  }
0x10: {  	s24 =	sadd.s32 $0x280, s0;
	s25 =	sadd.s32 $0x200, s0;
	s19 =	sadd.s32 $0x180, s0  }
0x11: {  	s20 =	sshrl.u32 s11, $0x3;
	s21 =	simm.s32 $0x1;
	s0 =	simm.s32 $0x3  }
0x12: {  	[dreg:$0x6] =	wrdreg s7;
	s22 =	sadd.s32 $0x20C00, s9;
	s10 =	sadd.s32 s5, s2  }
0x13: {  	s15 =	sadd.s32 $0x52200, s6;
	s26 =	sshrl.u32 s25, $0x3;
	s25 =	simm.s32 $0x2900  }
0x14: {  	[dreg:$0x7] =	wrdreg s22;
	s2 =	sadd.s32 $0x10, s10;
	s23 =	sadd.s32 $0x20, s10  }
0x15: {  	s13 =	sadd.s32 $0x7B0, s10;
	s14 =	sadd.s32 $0x7C0, s10;
	s18 =	sadd.s32 s26, s5  }
0x16: {  	s22 =	simm.s32 $0x2;
	s26 =	simm.s32 $0x2800;
	[dreg:$0x8] =	wrdreg s2  }
0x17: {  	[dreg:$0x9] =	wrdreg s23;
	s2 =	sshrl.u32 s24, $0x3;
	s23 =	simm.s32 $0x2780  }
0x18: {  	s24 =	simm.s32 $0x50;
	s17 =	sadd.s32 s2, s5;
	s2 =	simm.s32 $0x4  }
.LBB2_1:
0x19: {  	s6 =	rddreg [dreg:$0x4]  }
0x1a: {  	s7 =	rddreg [dreg:$0x6]  }
0x1b: {  	[spmem:s20], [sflag:s7] =	dma.local [hbm:s6], $0x2780  }
0x1c: {  	s6 =	rddreg [dreg:$0x7]  }
0x1d: {  	[tilespmem:s4], [sflag:$0x2] =	stream.linear.gather [hbm4b:s6+s4], $0x2780, $0x38;
	[tilespmem:$0x1DD00] =	vst v63  }
0x1e: {  	_ =	swait.ge [sflag:s21], $0x2780  }
0x1f: {  	[sflag:s21] =	ssyncset.done $0x0  }
0x20: {  	[sflag:s21] =	ssyncadd.s32 $0xFFFFD880  }
0x21: {  	_ =	swait.ge [sflag:s22], $0x2780  }
0x22: {  	[sflag:s22] =	ssyncset.done $0x0  }
0x23: {  	[sflag:s22] =	ssyncadd.s32 $0xFFFFD880  }
0x24: {  	[bflag:$0x0] =	sbarrier.arrive $0xFFFF  }
0x25: {  	[tilespmem:s23], [sflag:$0x1] =	stream.linear.gather [hbm4b:s10+s4], $0x80, $0x38;
	[tilespmem:$0x1DD00] =	vst v63  }
0x26: {  	_ = 	snop  }
0x27: {  	[tilespmem:s25], [sflag:$0x1] =	stream.indirect.gather [hbm4b:s1+s24], $0x80, s4, s24, $0xb8;
	[tilespmem:$0x1DD00] =	vst v63  }
0x28: {  	s12 =	rddreg [dreg:$0x8]  }
0x29: {  	[tilespmem:s26], [sflag:$0x2] =	stream.linear.gather [hbm4b:s12+s4], $0x80, $0x38;
	[tilespmem:$0x1DD00] =	vst v63  }
0x2a: {  	_ = 	snop  }
0x2b: {  	[tilespmem:s28], [sflag:$0x2] =	stream.indirect.gather [hbm4b:s1+s24], $0x80, s24, s24, $0xb8;
	[tilespmem:$0x1DD00] =	vst v63  }
0x2c: {  	s7 =	rddreg [dreg:$0x9]  }
0x2d: {  	[tilespmem:s29], [sflag:$0x3] =	stream.linear.gather [hbm4b:s7+s4], $0x80, $0x38;
	[tilespmem:$0x1DD00] =	vst v63  }
0x2e: {  	s8 =	simm.s32 $0xA0  }
0x2f: {  	[tilespmem:s31], [sflag:$0x3] =	stream.indirect.gather [hbm4b:s1+s24], $0x80, s8, s24, $0xb8;
	[tilespmem:$0x1DD00] =	vst v63  }
0x30: {  	_ =	swait.ge [sflag:s21], $0x80  }
0x31: {  	[sflag:s21] =	ssyncset.done $0x0  }
0x32: {  	[sflag:s21] =	ssyncadd.s32 $0xFFFFFF80  }
0x33: {  	_ =	swait.ge [sflag:s21], $0x2800  }
0x34: {  	[sflag:s21] =	ssyncset.done $0x0  }
0x35: {  	[sflag:s21] =	ssyncadd.s32 $0xFFFFD800  }
0x36: {  	[spmem:s3] =	stream.indirect.scatter.add.f32 [tilespmem:s25], [sflag:$0x4], $0x80, s23, s24, $0xb8;
	[tilespmem:$0x1DD00] =	vst v63  }
0x37: {  	_ =	swait.ge [sflag:s2], $0x2800  }
0x38: {  	s9 =	sshrl.u32 s19, $0x3;
	[sflag:s2] =	ssyncset.done $0x0  }
0x39: {  	s6 =	sadd.s32 s5, s9;
	[sflag:s2] =	ssyncadd.s32 $0xFFFFD800  }
0x3a: {  	[tilespmem:s23], [sflag:$0x1] =	stream.linear.gather [hbm4b:s6+s4], $0x80, $0x38;
	[tilespmem:$0x1DD00] =	vst v63  }
0x3b: {  	s11 =	simm.s32 $0xF0  }
0x3c: {  	[tilespmem:s25], [sflag:$0x1] =	stream.indirect.gather [hbm4b:s1+s24], $0x80, s11, s24, $0xb8;
	[tilespmem:$0x1DD00] =	vst v63  }
0x3d: {  	_ =	swait.ge [sflag:s22], $0x80  }
0x3e: {  	[sflag:s22] =	ssyncset.done $0x0  }
0x3f: {  	[sflag:s22] =	ssyncadd.s32 $0xFFFFFF80  }
0x40: {  	_ =	swait.ge [sflag:s22], $0x2800  }
0x41: {  	[sflag:s22] =	ssyncset.done $0x0  }
0x42: {  	[sflag:s22] =	ssyncadd.s32 $0xFFFFD800  }
0x43: {  	[spmem:s3] =	stream.indirect.scatter.add.f32 [tilespmem:s28], [sflag:$0x4], $0x80, s26, s24, $0xb8;
	[tilespmem:$0x1DD00] =	vst v63  }
0x44: {  	_ =	swait.ge [sflag:s2], $0x2800  }
0x45: {  	[sflag:s2] =	ssyncset.done $0x0  }
0x46: {  	[sflag:s2] =	ssyncadd.s32 $0xFFFFD800  }
0x47: {  	[tilespmem:s26], [sflag:$0x2] =	stream.linear.gather [hbm4b:s18+s4], $0x80, $0x38;
	[tilespmem:$0x1DD00] =	vst v63  }
0x48: {  	s12 =	simm.s32 $0x140  }
0x49: {  	[tilespmem:s28], [sflag:$0x2] =	stream.indirect.gather [hbm4b:s1+s24], $0x80, s12, s24, $0xb8;
	[tilespmem:$0x1DD00] =	vst v63  }
0x4a: {  	_ =	swait.ge [sflag:s0], $0x80  }
0x4b: {  	[sflag:s0] =	ssyncset.done $0x0  }
0x4c: {  	[sflag:s0] =	ssyncadd.s32 $0xFFFFFF80  }
0x4d: {  	_ =	swait.ge [sflag:s0], $0x2800  }
0x4e: {  	[sflag:s0] =	ssyncset.done $0x0  }
0x4f: {  	[sflag:s0] =	ssyncadd.s32 $0xFFFFD800  }
0x50: {  	[spmem:s3] =	stream.indirect.scatter.add.f32 [tilespmem:s31], [sflag:$0x4], $0x80, s29, s24, $0xb8;
	[tilespmem:$0x1DD00] =	vst v63  }
0x51: {  	s9 =	sadd.s32 $0x30, s17;
	_ =	swait.ge [sflag:s2], $0x2800  }
0x52: {  	s8 =	sadd.s32 $0x180, s19;
	s6 =	simm.s32 $0x3C0;
	[sflag:s2] =	ssyncset.done $0x0  }
0x53: {  	s11 =	sadd.s32 $0x30, s18;
	s12 =	simm.s32 $0x190;
	[sflag:s2] =	ssyncadd.s32 $0xFFFFD800  }
0x54: {  	[tilespmem:s29], [sflag:$0x3] =	stream.linear.gather [hbm4b:s17+s4], $0x80, $0x38;
	[tilespmem:$0x1DD00] =	vst v63  }
.LBB2_2:
0x55: {  	[tilespmem:s31], [sflag:$0x3] =	stream.indirect.gather [hbm4b:s1+s24], $0x80, s12, s24, $0xb8;
	[tilespmem:$0x1DD00] =	vst v63  }
0x56: {  	s12 =	smov.u32 s6  }
0x57: {  	p0 =	sne.s32 s6, $0x9240;
	s6 =	sadd.s32 $0x3C0, s6;
	_ =	swait.ge [sflag:s21], $0x80  }
0x58: {  	[sflag:s21] =	ssyncset.done $0x0  }
0x59: {  	[sflag:s21] =	ssyncadd.s32 $0xFFFFFF80  }
0x5a: {  	_ =	swait.ge [sflag:s21], $0x2800  }
0x5b: {  	[sflag:s21] =	ssyncset.done $0x0  }
0x5c: {  	[sflag:s21] =	ssyncadd.s32 $0xFFFFD800  }
0x5d: {  	[spmem:s3] =	stream.indirect.scatter.add.f32 [tilespmem:s25], [sflag:$0x4], $0x80, s23, s24, $0xb8;
	[tilespmem:$0x1DD00] =	vst v63  }
0x5e: {  	_ =	swait.ge [sflag:s2], $0x2800  }
0x5f: {  	s7 =	sshrl.u32 s8, $0x3;
	[sflag:s2] =	ssyncset.done $0x0  }
0x60: {  	s7 =	sadd.s32 s5, s7;
	s12 =	sshra.s32 s12, $0x2;
	[sflag:s2] =	ssyncadd.s32 $0xFFFFD800  }
0x61: {  	[tilespmem:s23], [sflag:$0x1] =	stream.linear.gather [hbm4b:s7+s4], $0x80, $0x38;
	[tilespmem:$0x1DD00] =	vst v63  }
0x62: {  	s7 =	sadd.s32 $0xF0, s12  }
0x63: {  	[tilespmem:s25], [sflag:$0x1] =	stream.indirect.gather [hbm4b:s1+s24], $0x80, s7, s24, $0xb8;
	[tilespmem:$0x1DD00] =	vst v63  }
0x64: {  	_ =	swait.ge [sflag:s22], $0x80  }
0x65: {  	[sflag:s22] =	ssyncset.done $0x0  }
0x66: {  	[sflag:s22] =	ssyncadd.s32 $0xFFFFFF80  }
0x67: {  	_ =	swait.ge [sflag:s22], $0x2800  }
0x68: {  	[sflag:s22] =	ssyncset.done $0x0  }
0x69: {  	[sflag:s22] =	ssyncadd.s32 $0xFFFFD800  }
0x6a: {  	[spmem:s3] =	stream.indirect.scatter.add.f32 [tilespmem:s28], [sflag:$0x4], $0x80, s26, s24, $0xb8;
	[tilespmem:$0x1DD00] =	vst v63  }
0x6b: {  	_ =	swait.ge [sflag:s2], $0x2800  }
0x6c: {  	[sflag:s2] =	ssyncset.done $0x0  }
0x6d: {  	[sflag:s2] =	ssyncadd.s32 $0xFFFFD800  }
0x6e: {  	[tilespmem:s26], [sflag:$0x2] =	stream.linear.gather [hbm4b:s11+s4], $0x80, $0x38;
	[tilespmem:$0x1DD00] =	vst v63  }
0x6f: {  	s7 =	sadd.s32 $0x140, s12  }
0x70: {  	[tilespmem:s28], [sflag:$0x2] =	stream.indirect.gather [hbm4b:s1+s24], $0x80, s7, s24, $0xb8;
	[tilespmem:$0x1DD00] =	vst v63  }
0x71: {  	_ =	swait.ge [sflag:s0], $0x80  }
0x72: {  	[sflag:s0] =	ssyncset.done $0x0  }
0x73: {  	[sflag:s0] =	ssyncadd.s32 $0xFFFFFF80  }
0x74: {  	_ =	swait.ge [sflag:s0], $0x2800  }
0x75: {  	[sflag:s0] =	ssyncset.done $0x0  }
0x76: {  	[sflag:s0] =	ssyncadd.s32 $0xFFFFD800  }
0x77: {  	[spmem:s3] =	stream.indirect.scatter.add.f32 [tilespmem:s31], [sflag:$0x4], $0x80, s29, s24, $0xb8;
	[tilespmem:$0x1DD00] =	vst v63  }
.Ltmp0:
0x78: {  	_ =	swait.ge [sflag:s2], $0x2800;
	(pc) =	sbr.rel @p0 .LBB2_2-.Ltmp0, $4  }
0x79: {  	[sflag:s2] =	ssyncset.done $0x0  }
0x7a: {  	s8 =	sadd.s32 $0x180, s8;
	[sflag:s2] =	ssyncadd.s32 $0xFFFFD800  }
0x7b: {  	[tilespmem:s29], [sflag:$0x3] =	stream.linear.gather [hbm4b:s9+s4], $0x80, $0x38;
	[tilespmem:$0x1DD00] =	vst v63  }
0x7c: {  	s12 =	sadd.s32 $0x190, s12;
	s11 =	sadd.s32 $0x30, s11;
	s9 =	sadd.s32 $0x30, s9  }
0x7d: {  	[tilespmem:s31], [sflag:$0x3] =	stream.indirect.gather [hbm4b:s1+s24], $0x80, s12, s24, $0xb8;
	[tilespmem:$0x1DD00] =	vst v63  }
0x7e: {  	_ =	swait.ge [sflag:s21], $0x80  }
0x7f: {  	[sflag:s21] =	ssyncset.done $0x0  }
0x80: {  	[sflag:s21] =	ssyncadd.s32 $0xFFFFFF80  }
0x81: {  	_ =	swait.ge [sflag:s21], $0x2800  }
0x82: {  	[sflag:s21] =	ssyncset.done $0x0  }
0x83: {  	[sflag:s21] =	ssyncadd.s32 $0xFFFFD800  }
0x84: {  	[spmem:s3] =	stream.indirect.scatter.add.f32 [tilespmem:s25], [sflag:$0x4], $0x80, s23, s24, $0xb8;
	[tilespmem:$0x1DD00] =	vst v63  }
0x85: {  	_ =	swait.ge [sflag:s2], $0x2800  }
0x86: {  	[sflag:s2] =	ssyncset.done $0x0  }
0x87: {  	[sflag:s2] =	ssyncadd.s32 $0xFFFFD800  }
0x88: {  	[tilespmem:s23], [sflag:$0x1] =	stream.linear.gather [hbm4b:s13+s4], $0x80, $0x38;
	[tilespmem:$0x1DD00] =	vst v63  }
0x89: {  	s6 =	simm.s32 $0x2670  }
0x8a: {  	[tilespmem:s25], [sflag:$0x1] =	stream.indirect.gather [hbm4b:s1+s24], $0x80, s6, s24, $0xb8;
	[tilespmem:$0x1DD00] =	vst v63  }
0x8b: {  	_ =	swait.ge [sflag:s22], $0x80  }
0x8c: {  	[sflag:s22] =	ssyncset.done $0x0  }
0x8d: {  	[sflag:s22] =	ssyncadd.s32 $0xFFFFFF80  }
0x8e: {  	_ =	swait.ge [sflag:s22], $0x2800  }
0x8f: {  	[sflag:s22] =	ssyncset.done $0x0  }
0x90: {  	[sflag:s22] =	ssyncadd.s32 $0xFFFFD800  }
0x91: {  	[spmem:s3] =	stream.indirect.scatter.add.f32 [tilespmem:s28], [sflag:$0x4], $0x80, s26, s24, $0xb8;
	[tilespmem:$0x1DD00] =	vst v63  }
0x92: {  	_ =	swait.ge [sflag:s2], $0x2800  }
0x93: {  	[sflag:s2] =	ssyncset.done $0x0  }
0x94: {  	[sflag:s2] =	ssyncadd.s32 $0xFFFFD800  }
0x95: {  	[tilespmem:s26], [sflag:$0x2] =	stream.linear.gather [hbm4b:s14+s4], $0x80, $0x38;
	[tilespmem:$0x1DD00] =	vst v63  }
0x96: {  	s11 =	simm.s32 $0x26C0  }
0x97: {  	[tilespmem:s28], [sflag:$0x2] =	stream.indirect.gather [hbm4b:s1+s24], $0x80, s11, s24, $0xb8;
	[tilespmem:$0x1DD00] =	vst v63  }
0x98: {  	_ =	swait.ge [sflag:s0], $0x80  }
0x99: {  	[sflag:s0] =	ssyncset.done $0x0  }
0x9a: {  	[sflag:s0] =	ssyncadd.s32 $0xFFFFFF80  }
0x9b: {  	_ =	swait.ge [sflag:s0], $0x2800  }
0x9c: {  	[sflag:s0] =	ssyncset.done $0x0  }
0x9d: {  	[sflag:s0] =	ssyncadd.s32 $0xFFFFD800  }
0x9e: {  	[spmem:s3] =	stream.indirect.scatter.add.f32 [tilespmem:s31], [sflag:$0x4], $0x80, s29, s24, $0xb8;
	[tilespmem:$0x1DD00] =	vst v63  }
0x9f: {  	_ =	swait.ge [sflag:s2], $0x2800  }
0xa0: {  	[sflag:s2] =	ssyncset.done $0x0  }
0xa1: {  	[sflag:s2] =	ssyncadd.s32 $0xFFFFD800  }
0xa2: {  	_ =	swait.ge [sflag:s21], $0x80  }
0xa3: {  	[sflag:s21] =	ssyncset.done $0x0  }
0xa4: {  	[sflag:s21] =	ssyncadd.s32 $0xFFFFFF80  }
0xa5: {  	_ =	swait.ge [sflag:s21], $0x2800  }
0xa6: {  	[sflag:s21] =	ssyncset.done $0x0  }
0xa7: {  	[sflag:s21] =	ssyncadd.s32 $0xFFFFD800  }
0xa8: {  	[spmem:s3] =	stream.indirect.scatter.add.f32 [tilespmem:s25], [sflag:$0x4], $0x80, s23, s24, $0xb8;
	[tilespmem:$0x1DD00] =	vst v63  }
0xa9: {  	_ =	swait.ge [sflag:s2], $0x2800  }
0xaa: {  	[sflag:s2] =	ssyncset.done $0x0  }
0xab: {  	[sflag:s2] =	ssyncadd.s32 $0xFFFFD800  }
0xac: {  	_ =	swait.ge [sflag:s22], $0x80  }
0xad: {  	[sflag:s22] =	ssyncset.done $0x0  }
0xae: {  	[sflag:s22] =	ssyncadd.s32 $0xFFFFFF80  }
0xaf: {  	_ =	swait.ge [sflag:s22], $0x2800  }
0xb0: {  	[sflag:s22] =	ssyncset.done $0x0  }
0xb1: {  	[sflag:s22] =	ssyncadd.s32 $0xFFFFD800  }
0xb2: {  	[spmem:s3] =	stream.indirect.scatter.add.f32 [tilespmem:s28], [sflag:$0x4], $0x80, s26, s24, $0xb8;
	[tilespmem:$0x1DD00] =	vst v63  }
0xb3: {  	_ =	swait.ge [sflag:s2], $0x2800  }
0xb4: {  	[sflag:s2] =	ssyncset.done $0x0  }
0xb5: {  	[sflag:s2] =	ssyncadd.s32 $0xFFFFD800  }
0xb6: {  	s30 =	sadd.s32 $0x1, s30;
	[bflag:$0x0] =	sbarrier.arrive $0xFFFF  }
0xb7: {  	p0 =	sne.s32 s30, s16;
	s12 =	rddreg [dreg:$0x5]  }
.Ltmp1:
0xb8: {  	s6 =	sor.u32 $0x1C04, s12;
	(pc) =	sbr.rel @p0 .LBB2_1-.Ltmp1, $4  }
0xb9: {  	[hbm:s15], [sflag:s6] =	dma.local [spmem:s20], $0x2780  }
0xba: {  	_ =	swait.ge [sflag:s2], $0x2780  }
0xbb: {  	[sflag:s2] =	ssyncset.done $0x0  }
0xbc: {  	[sflag:s2] =	ssyncadd.s32 $0xFFFFD880  }
0xbd: {  	_ =	sfence.sel $0x180000  }
0xbe: {  	[bflag:$0x0] =	sbarrier.arrive $0xFFFF  }
0xbf: {  	_ =	strace $0x9000004A  }
0xc0: {  	s0 =	stileid.u32;
	[bflag:$0x2] =	sbarrier.arrive $0xFFFF  }
0xc1: {  	p0 =	sne.s32 s0, $0x0;
	s0 =	rddreg [dreg:$0x3]  }
0xc2: {  	s0 =	sadd.s32 @!p0 $0x100000, s0  }
0xc3: {  	[sflag:s0] =	ssyncadd.tile.s32 @!p0 $0x1;
	_ =	shalt  }
.Lfunc_end2:
_tile_overlayer_lowered:
.L_overlay_start_2:
0xc4: {  	(tag) =	ssettag $0x2  }
0xc5: {  	s0 =	rddreg [dreg:$0x0];
	s2 =	stileid.u32  }
0xc6: {  	s1 =	rddreg [dreg:$0x1];
	p0 =	sne.s32 s2, $0x0  }
0xc7: {  	s3 =	rddreg [dreg:$0x2];
	[bflag:$0x3] =	sbarrier.arrive $0xFFFF;
	s2 =	simm.s32 @!p0 $0x1C04  }
0xc8: {  	[timem:s3], [sflag:s2] =	dma.local @!p0 [hbm:s0], s1  }
0xc9: {  	s0 =	simm.s32 @!p0 $0x4  }
0xca: {  	_ =	swait.ge @!p0 [sflag:s0], s1  }
0xcb: {  	s1 =	ssub.s32 @!p0 $0x0, s1;
	[sflag:s0] =	ssyncset.done @!p0 $0x0  }
0xcc: {  	[sflag:s0] =	ssyncadd.s32 @!p0 s1  }
0xcd: {  	[bflag:$0x3] =	sbarrier.arrive $0xFFFF  }
0xce: {  	_ =	shalt  }

// kernel: kernel.13.cloned.1.call-start
scs
__scs_entry_jumppad:
0x0: {  	(pc) =	sbr.rel $0x88, $3  }
0x1: {  	(tag) =	ssettag $0x0;
	lr =	simm.s32 $0x1  }
0x2: {  	[smem:$0x3F99] =	sst lr;
	_ =	strace $0xD0000000  }
0x3: {  	_ = 	snop  }
0x4: {  	_ = 	snop  }
0x5: {  	_ = 	snop  }
0x6: {  	_ = 	snop  }
0x7: {  	_ = 	snop  }
__scs_overlays_trampoline_lowered:
0x8: {  	[smem:$0x3FA8] =	sst s0  }
0x9: {  	[smem:$0x3FA9] =	sst s1  }
0xa: {  	[smem:$0x3FAA] =	sst s2  }
0xb: {  	[smem:$0x3FAB] =	sst s3  }
0xc: {  	[smem:$0x3FAC] =	sst s4  }
0xd: {  	[smem:$0x3FAD] =	sst s5  }
0xe: {  	[smem:$0x3FAE] =	sst s6  }
0xf: {  	[smem:$0x3FAF] =	sst s7  }
0x10: {  	[smem:$0x3FB0] =	sst s8  }
0x11: {  	[smem:$0x3FB1] =	sst s9;
	s0 =	simm.s32 @!p0 $0x0  }
0x12: {  	s1 =	sld [smem:$0x3F97];
	s0 =	simm.s32 @p0 $0x1  }
0x13: {  	[smem:$0x3FB2] =	sst s0;
	s0 =	simm.s32 @!p1 $0x0  }
0x14: {  	s2 =	sld [smem:$0x3F96];
	s0 =	simm.s32 @p1 $0x1  }
0x15: {  	[smem:$0x3FB3] =	sst s0;
	s0 =	simm.s32 @!p2 $0x0  }
0x16: {  	s3 =	sld [smem:$0x3FDB];
	s0 =	simm.s32 @p2 $0x1  }
0x17: {  	s4 =	simm.s32 $0x1BF5;
	[smem:$0x3FB5] =	sst s0  }
0x18: {  	s0 =	sld [smem:$0x3F98];
	_ =	swait.ge [sflag:s4], $0x0  }
0x19: {  	s7 =	sld [smem:$0x3F99]  }
0x1a: {  	s8 =	sadd.s32 $0xFFFFE003, lr  }
0x1b: {  	s9 =	sadd.s32 $0xFFFFFEF7, lr;
	s5 =	simm.s32 $0xFFFFFFFF;
	p2 =	slt.u32 s8, $0xFFFFF086  }
0x1c: {  	p1 =	slt.u32 s9, $0xF7A;
	s5 =	simm.s32 @!p2 $0x0  }
0x1d: {  	s5 =	simm.s32 @p1 $0x1;
	p0 =	seq.s32 s7, s2  }
0x1e: {  	s7 =	smul.u32 @!p0 $0xF7A, s2;
	p2 =	seq.s32 @!p0 s5, $0x0  }
0x1f: {  	s9 =	smul.u32 $0xF7A, s1;
	s8 =	simm.s32 @!p0 $0x1BF5;
	p2 =	por !p2, p0  }
0x20: {  	[sflag:s8] =	ssyncset.s32 @!p0 $0xFFFFF086;
	s6 =	sadd.s32 @!p0 s3, s7;
	s7 =	simm.s32 @!p0 $0x108  }
0x21: {  	s3 =	sadd.s32 s3, s9;
	s6 =	sadd.s32 @!p0 $0x88, s6;
	s7 =	simm.s32 @p2 $0x1082  }
0x22: {  	[simem:s7], [sflag:s8] =	dma.local @!p0 [hbm:s6], $0xF7A  }
0x23: {  	s9 =	sor.u32 $0xD0000000, s2;
	s6 =	simm.s32 $0x108;
	_ =	swait.ge @!p0 [sflag:s8], $0x0  }
0x24: {  	s3 =	sadd.s32 $0x88, s3;
	s6 =	simm.s32 @!p1 $0x1082;
	[sflag:s4] =	ssyncset.s32 $0xFFFFF086  }
0x25: {  	[simem:s6], [sflag:s4] =	dma.local [hbm:s3], $0xF7A  }
0x26: {  	[smem:$0x3F99] =	sst s1;
	(tag) =	ssettag s2;
	_ =	strace s9  }
0x27: {  	s1 =	sld [smem:$0x3FA9]  }
0x28: {  	s2 =	sld [smem:$0x3FAA]  }
0x29: {  	s4 =	sld [smem:$0x3FAC]  }
0x2a: {  	p0 =	seq.s32 s5, $0x0;
	s5 =	sld [smem:$0x3FAD]  }
0x2b: {  	s6 =	sld [smem:$0x3FAE]  }
0x2c: {  	s7 =	sld [smem:$0x3FAF]  }
0x2d: {  	s3 =	simm.s32 $0x108;
	s8 =	sld [smem:$0x3FB0]  }
0x2e: {  	s3 =	simm.s32 @!p0 $0x1082;
	s9 =	sld [smem:$0x3FB1]  }
0x2f: {  	lr =	sadd.s32 s0, s3;
	s0 =	sld [smem:$0x3FA8]  }
0x30: {  	s3 =	sld [smem:$0x3FAB]  }
0x31: {  	[smem:$0x3FB4] =	sst s10  }
0x32: {  	s10 =	sld [smem:$0x3FB2];
	_ =	sdelay $0x3  }
0x33: {  	p0 =	seq.s32 s10, $0x1;
	s10 =	sld [smem:$0x3FB4];
	_ =	sdelay $0x3  }
0x34: {  	[smem:$0x3FB4] =	sst s10  }
0x35: {  	s10 =	sld [smem:$0x3FB3];
	_ =	sdelay $0x3  }
0x36: {  	p1 =	seq.s32 s10, $0x1;
	s10 =	sld [smem:$0x3FB4];
	_ =	sdelay $0x3  }
0x37: {  	[smem:$0x3FB4] =	sst s10  }
0x38: {  	s10 =	sld [smem:$0x3FB5]  }
0x39: {  	_ = 	snop;
	(pc) =	sbr.ind lr, $3  }
0x3a: {  	_ = 	snop  }
0x3b: {  	_ = 	snop  }
0x3c: {  	p2 =	seq.s32 s10, $0x1;
	s10 =	sld [smem:$0x3FB4]  }
0x3d: {  	_ =	shalt  }
0x3e: {  	_ =	shalt  }
0x3f: {  	_ =	shalt  }
0x40: {  	_ =	shalt  }
0x41: {  	_ =	shalt  }
0x42: {  	_ =	shalt  }
0x43: {  	_ =	shalt  }
0x44: {  	_ =	shalt  }
0x45: {  	_ =	shalt  }
0x46: {  	_ =	shalt  }
0x47: {  	_ =	shalt  }
0x48: {  	_ =	shalt  }
0x49: {  	_ =	shalt  }
0x4a: {  	_ =	shalt  }
0x4b: {  	_ =	shalt  }
0x4c: {  	_ =	shalt  }
0x4d: {  	_ =	shalt  }
0x4e: {  	_ =	shalt  }
0x4f: {  	_ =	shalt  }
0x50: {  	_ =	shalt  }
0x51: {  	_ =	shalt  }
0x52: {  	_ =	shalt  }
0x53: {  	_ =	shalt  }
0x54: {  	_ =	shalt  }
0x55: {  	_ =	shalt  }
0x56: {  	_ =	shalt  }
0x57: {  	_ =	shalt  }
0x58: {  	_ =	shalt  }
0x59: {  	_ =	shalt  }
0x5a: {  	_ =	shalt  }
0x5b: {  	_ =	shalt  }
0x5c: {  	_ =	shalt  }
0x5d: {  	_ =	shalt  }
0x5e: {  	_ =	shalt  }
0x5f: {  	_ =	shalt  }
0x60: {  	_ =	shalt  }
0x61: {  	_ =	shalt  }
0x62: {  	_ =	shalt  }
0x63: {  	_ =	shalt  }
0x64: {  	_ =	shalt  }
0x65: {  	_ =	shalt  }
0x66: {  	_ =	shalt  }
0x67: {  	_ =	shalt  }
0x68: {  	_ =	shalt  }
0x69: {  	_ =	shalt  }
0x6a: {  	_ =	shalt  }
0x6b: {  	_ =	shalt  }
0x6c: {  	_ =	shalt  }
0x6d: {  	_ =	shalt  }
0x6e: {  	_ =	shalt  }
0x6f: {  	_ =	shalt  }
0x70: {  	_ =	shalt  }
0x71: {  	_ =	shalt  }
0x72: {  	_ =	shalt  }
0x73: {  	_ =	shalt  }
0x74: {  	_ =	shalt  }
0x75: {  	_ =	shalt  }
0x76: {  	_ =	shalt  }
0x77: {  	_ =	shalt  }
0x78: {  	_ =	shalt  }
0x79: {  	_ =	shalt  }
0x7a: {  	_ =	shalt  }
0x7b: {  	_ =	shalt  }
0x7c: {  	_ =	shalt  }
0x7d: {  	_ =	shalt  }
0x7e: {  	_ =	shalt  }
0x7f: {  	_ =	shalt  }
0x80: {  	_ =	shalt  }
0x81: {  	_ =	shalt  }
0x82: {  	_ =	shalt  }
0x83: {  	_ =	shalt  }
0x84: {  	_ =	shalt  }
0x85: {  	_ =	shalt  }
0x86: {  	_ =	shalt  }
0x87: {  	_ =	shalt  }
.Lfunc_end0:
.L_simem_size_0:
called_computation.2_lowered:
.L_overlay_start_0:
0x88: {  	s2 =	sld [smem:$0x3FD9]  }
0x89: {  	s3 =	sld [smem:$0x3FFE];
	_ =	sdelay $0x1  }
0x8a: {  	s1 =	srdreg.scid  }
0x8b: {  	s0 =	sand.u32 $0x1, s1  }
0x8c: {  	s17 =	sshll.u32 s0, $0xA;
	s2 =	sadd.s32 s3, s2  }
0x8d: {  	s2 =	sadd.s32 s2, s17  }
0x8e: {  	[smem:$0x3FC0] =	sst s2  }
0x8f: {  	_ = 	snop  }
0x90: {  	s2 =	sld [smem:$0x3FD0];
	(tm) =	ssettm $0x1  }
0x91: {  	s18 =	sld [smem:$0x3FFB];
	_ =	sdelay $0x3  }
0x92: {  	_ =	strace s18  }
0x93: {  	s3 =	sld [smem:$0x3FFC];
	_ =	sdelay $0x3  }
0x94: {  	_ =	strace s3  }
0x95: {  	s3 =	sld [smem:$0x3FFD];
	_ =	sdelay $0x3  }
0x96: {  	_ =	strace s3  }
0x97: {  	_ =	strace $0x8FFFFFFF  }
0x98: {  	s19 =	sld [smem:$0x3FDB];
	_ =	sdelay $0x1  }
0x99: {  	s4 =	simm.s32 $_scs_section_size  }
0x9a: {  	s5 =	simm.s32 $_size__tile_overlayer_lowered;
	s6 =	simm.s32 $_tile_overlayer_lowered  }
0x9b: {  	s22 =	simm.s32 $0x1BFF;
	s21 =	sshll.u32 s6, $0x1;
	s3 =	sadd.s32 s4, s19  }
0x9c: {  	s7 =	simm.s32 $0x0;
	s20 =	sshll.u32 s5, $0x1;
	s5 =	sadd.s32 s21, s3  }
0x9d: {  	[timem:s7], [sflag:s22] =	dma.local [hbm:s5], s20  }
0x9e: {  	_ =	swait.ge [sflag:s22], s20  }
0x9f: {  	s4 =	ssub.s32 $0x0, s20;
	[sflag:s22] =	ssyncset.done $0x0  }
0xa0: {  	[sflag:s22] =	ssyncadd.s32 s4;
	_ =	sdelay $0x1  }
0xa1: {  	s23 =	simm.s32 $0x1B8B  }
0xa2: {  	_ =	swait.ge [sflag:s23], $0x1  }
0xa3: {  	[sflag:s23] =	ssyncset.done $0x0  }
0xa4: {  	s25 =	simm.s32 $0x1B8E;
	s24 =	sld [smem:$0x3FFE];
	[sflag:s23] =	ssyncadd.s32 $0xFFFFFFFF  }
0xa5: {  	s26 =	simm.s32 $execute0_lowered;
	[smem:$0x3FD2] =	sst s25  }
0xa6: {  	s5 =	sshll.u32 s26, $0x1;
	_ =	strace $0x8000004C;
	[dreg:$0x1] =	wrdreg $0xFFFFFFFF  }
0xa7: {  	s28 =	simm.s32 $_size_execute0_lowered;
	s3 =	sadd.s32 s3, s5;
	[dreg:$0x0] =	wrdreg $0x0  }
0xa8: {  	s5 =	sshll.u32 s28, $0x1;
	[dreg:$0x2] =	wrdreg s3  }
0xa9: {  	[dreg:$0x3] =	wrdreg s5  }
0xaa: {  	[dreg:$0x4] =	wrdreg $0xC0  }
0xab: {  	_ =	task [dreg:s7], $0x5FFFF  }
0xac: {  	[dreg:$0x1] =	wrdreg $0xFFFFFFFF  }
0xad: {  	[dreg:$0x0] =	wrdreg $0x60  }
0xae: {  	[dreg:$0x2] =	wrdreg s2  }
0xaf: {  	[dreg:$0x3] =	wrdreg s24  }
0xb0: {  	[dreg:$0x4] =	wrdreg $0xA1000  }
0xb1: {  	[dreg:$0x5] =	wrdreg $0x9  }
0xb2: {  	_ =	task.clear_ibuf [dreg:s7], $0x6FFFF;
	_ =	strace $0x9000004C  }
0xb3: {  	s29 =	simm.s32 $0x9;
	_ =	strace $0x8000004E  }
0xb4: {  	_ =	swait.ge [sflag:s29], $0x1  }
0xb5: {  	[sflag:s29] =	ssyncadd.s32 $0xFFFFFFFF  }
0xb6: {  	_ =	strace $0x9000004E  }
0xb7: {  	_ =	sfence  }
0xb8: {  	s30 =	sld [smem:$0x0];
	_ =	sdelay $0x2  }
0xb9: {  	s31 =	sshll.u32 s1, $0xD;
	s1 =	sshrl.u32 s1, $0x2  }
0xba: {  	s3 =	sand.u32 $0x4000, s31;
	s1 =	sadd.s32 s1, s30  }
0xbb: {  	s0 =	sor.u32 s3, s0;
	s1 =	sshll.u32 s1, $0x11  }
0xbc: {  	s0 =	sor.u32 s1, s0  }
0xbd: {  	s0 =	sadd.s32 $0x8F2B, s0  }
0xbe: {  	[sflag:s0] =	ssyncadd.remote.s32 $0x1  }
0xbf: {  	_ =	sfence.sel $0xFFFF  }
0xc0: {  	[dreg:$0x0] =	wrdreg $0xFFFFFFFF;
	(pc) =	sbr.abs _section_cstart, $3  }
0xc1: {  	[dreg:$0x1] =	wrdreg $0xFFFFFFFF  }
0xc2: {  	_ =	task.clear_ibuf [dreg:s7], $0x2FFFF;
	_ =	strace $0x9FFFFFFF  }
0xc3: {  	(tm) =	ssettm $0x7FFFFFFF  }
tec
execute0_lowered:
.L_overlay_start_1:
0x0: {  	(tag) =	ssettag $0x1  }
0x1: {  	s1 =	rddreg [dreg:$0x0]  }
0x2: {  	s0 =	srdreg.scid;
	s6 =	rddreg [dreg:$0x1]  }
0x3: {  	s12 =	stileid.u32;
	s3 =	rddreg [dreg:$0x2];
	s4 =	simm.s32 $0x0  }
0x4: {  	s28 =	simm.s32 $0x5100;
	s29 =	simm.s32 $0x2880;
	s31 =	simm.s32 $0x7900  }
0x5: {  	s30 =	simm.s32 $0x0;
	s0 =	sand.u32 $0x1, s0;
	s7 =	smul.u32 $0x13C00, s12  }
0x6: {  	[smem:$0x7FF] =	sst s4;
	s11 =	smul.u32 $0x4F000, s12;
	s21 =	sshll.u32 s12, $0x6  }
0x7: {  	s2 =	sshll.u32 s0, $0x4;
	s8 =	smul.u32 $0x13C000, s0;
	_ =	strace $0x8000004D  }
0x8: {  	s17 =	ssub.s32 $0x2, s0;
	s0 =	smul.u32 $0x3E800, s0;
	[dreg:$0x5] =	wrdreg s21  }
0x9: {  	s2 =	sor.u32 s12, s2;
	s10 =	sshrl.u32 s7, $0x3;
	s12 =	smul.u32 $0x3E80, s12  }
0xa: {  	s18 =	sshrl.u32 s17, $0x1;
	s19 =	sshrl.u32 s11, $0x2;
	s5 =	smul.u32 $0x4F0, s2  }
0xb: {  	s7 =	sadd.s32 s7, s8;
	s10 =	sadd.s32 s10, s6;
	s8 =	ssub.s32 s17, s18  }
0xc: {  	s2 =	smul.u32 $0x3E80, s2;
	s11 =	sadd.s32 s19, s3;
	s7 =	sshrl.u32 s7, $0x3  }
0xd: {  	s20 =	sadd.s32 $0x2AA00, s10;
	s0 =	sadd.s32 s12, s0;
	s16 =	smax.u32 s8, $0x1  }
0xe: {  	s9 =	sadd.s32 s5, s6;
	s5 =	sadd.s32 $0x11200, s6;
	s6 =	sadd.s32 s7, s6  }
0xf: {  	[dreg:$0x4] =	wrdreg s20;
	s2 =	sshrl.u32 s2, $0x3;
	s7 =	sor.u32 $0x1C01, s21  }
0x10: {  	s24 =	sadd.s32 $0x280, s0;
	s25 =	sadd.s32 $0x200, s0;
	s19 =	sadd.s32 $0x180, s0  }
0x11: {  	s20 =	sshrl.u32 s11, $0x3;
	s21 =	simm.s32 $0x1;
	s0 =	simm.s32 $0x3  }
0x12: {  	[dreg:$0x6] =	wrdreg s7;
	s22 =	sadd.s32 $0x20C00, s9;
	s10 =	sadd.s32 s5, s2  }
0x13: {  	s15 =	sadd.s32 $0x52200, s6;
	s26 =	sshrl.u32 s25, $0x3;
	s25 =	simm.s32 $0x2900  }
0x14: {  	[dreg:$0x7] =	wrdreg s22;
	s2 =	sadd.s32 $0x10, s10;
	s23 =	sadd.s32 $0x20, s10  }
0x15: {  	s13 =	sadd.s32 $0x7B0, s10;
	s14 =	sadd.s32 $0x7C0, s10;
	s18 =	sadd.s32 s26, s5  }
0x16: {  	s22 =	simm.s32 $0x2;
	s26 =	simm.s32 $0x2800;
	[dreg:$0x8] =	wrdreg s2  }
0x17: {  	[dreg:$0x9] =	wrdreg s23;
	s2 =	sshrl.u32 s24, $0x3;
	s23 =	simm.s32 $0x2780  }
0x18: {  	s24 =	simm.s32 $0x50;
	s17 =	sadd.s32 s2, s5;
	s2 =	simm.s32 $0x4  }
.LBB2_1:
0x19: {  	s6 =	rddreg [dreg:$0x4]  }
0x1a: {  	s7 =	rddreg [dreg:$0x6]  }
0x1b: {  	[spmem:s20], [sflag:s7] =	dma.local [hbm:s6], $0x2780  }
0x1c: {  	s6 =	rddreg [dreg:$0x7]  }
0x1d: {  	[tilespmem:s4], [sflag:$0x2] =	stream.linear.gather [hbm4b:s6+s4], $0x2780, $0x38;
	[tilespmem:$0x1DD00] =	vst v63  }
0x1e: {  	_ =	swait.ge [sflag:s21], $0x2780  }
0x1f: {  	[sflag:s21] =	ssyncset.done $0x0  }
0x20: {  	[sflag:s21] =	ssyncadd.s32 $0xFFFFD880  }
0x21: {  	_ =	swait.ge [sflag:s22], $0x2780  }
0x22: {  	[sflag:s22] =	ssyncset.done $0x0  }
0x23: {  	[sflag:s22] =	ssyncadd.s32 $0xFFFFD880  }
0x24: {  	[bflag:$0x0] =	sbarrier.arrive $0xFFFF  }
0x25: {  	[tilespmem:s23], [sflag:$0x1] =	stream.linear.gather [hbm4b:s10+s4], $0x80, $0x38;
	[tilespmem:$0x1DD00] =	vst v63  }
0x26: {  	_ = 	snop  }
0x27: {  	[tilespmem:s25], [sflag:$0x1] =	stream.indirect.gather [hbm4b:s1+s24], $0x80, s4, s24, $0xb8;
	[tilespmem:$0x1DD00] =	vst v63  }
0x28: {  	s12 =	rddreg [dreg:$0x8]  }
0x29: {  	[tilespmem:s26], [sflag:$0x2] =	stream.linear.gather [hbm4b:s12+s4], $0x80, $0x38;
	[tilespmem:$0x1DD00] =	vst v63  }
0x2a: {  	_ = 	snop  }
0x2b: {  	[tilespmem:s28], [sflag:$0x2] =	stream.indirect.gather [hbm4b:s1+s24], $0x80, s24, s24, $0xb8;
	[tilespmem:$0x1DD00] =	vst v63  }
0x2c: {  	s7 =	rddreg [dreg:$0x9]  }
0x2d: {  	[tilespmem:s29], [sflag:$0x3] =	stream.linear.gather [hbm4b:s7+s4], $0x80, $0x38;
	[tilespmem:$0x1DD00] =	vst v63  }
0x2e: {  	s8 =	simm.s32 $0xA0  }
0x2f: {  	[tilespmem:s31], [sflag:$0x3] =	stream.indirect.gather [hbm4b:s1+s24], $0x80, s8, s24, $0xb8;
	[tilespmem:$0x1DD00] =	vst v63  }
0x30: {  	_ =	swait.ge [sflag:s21], $0x80  }
0x31: {  	[sflag:s21] =	ssyncset.done $0x0  }
0x32: {  	[sflag:s21] =	ssyncadd.s32 $0xFFFFFF80  }
0x33: {  	_ =	swait.ge [sflag:s21], $0x2800  }
0x34: {  	[sflag:s21] =	ssyncset.done $0x0  }
0x35: {  	[sflag:s21] =	ssyncadd.s32 $0xFFFFD800  }
0x36: {  	[spmem:s3] =	stream.indirect.scatter.add.f32 [tilespmem:s25], [sflag:$0x4], $0x80, s23, s24, $0xb8;
	[tilespmem:$0x1DD00] =	vst v63  }
0x37: {  	_ =	swait.ge [sflag:s2], $0x2800  }
0x38: {  	s9 =	sshrl.u32 s19, $0x3;
	[sflag:s2] =	ssyncset.done $0x0  }
0x39: {  	s6 =	sadd.s32 s5, s9;
	[sflag:s2] =	ssyncadd.s32 $0xFFFFD800  }
0x3a: {  	[tilespmem:s23], [sflag:$0x1] =	stream.linear.gather [hbm4b:s6+s4], $0x80, $0x38;
	[tilespmem:$0x1DD00] =	vst v63  }
0x3b: {  	s11 =	simm.s32 $0xF0  }
0x3c: {  	[tilespmem:s25], [sflag:$0x1] =	stream.indirect.gather [hbm4b:s1+s24], $0x80, s11, s24, $0xb8;
	[tilespmem:$0x1DD00] =	vst v63  }
0x3d: {  	_ =	swait.ge [sflag:s22], $0x80  }
0x3e: {  	[sflag:s22] =	ssyncset.done $0x0  }
0x3f: {  	[sflag:s22] =	ssyncadd.s32 $0xFFFFFF80  }
0x40: {  	_ =	swait.ge [sflag:s22], $0x2800  }
0x41: {  	[sflag:s22] =	ssyncset.done $0x0  }
0x42: {  	[sflag:s22] =	ssyncadd.s32 $0xFFFFD800  }
0x43: {  	[spmem:s3] =	stream.indirect.scatter.add.f32 [tilespmem:s28], [sflag:$0x4], $0x80, s26, s24, $0xb8;
	[tilespmem:$0x1DD00] =	vst v63  }
0x44: {  	_ =	swait.ge [sflag:s2], $0x2800  }
0x45: {  	[sflag:s2] =	ssyncset.done $0x0  }
0x46: {  	[sflag:s2] =	ssyncadd.s32 $0xFFFFD800  }
0x47: {  	[tilespmem:s26], [sflag:$0x2] =	stream.linear.gather [hbm4b:s18+s4], $0x80, $0x38;
	[tilespmem:$0x1DD00] =	vst v63  }
0x48: {  	s12 =	simm.s32 $0x140  }
0x49: {  	[tilespmem:s28], [sflag:$0x2] =	stream.indirect.gather [hbm4b:s1+s24], $0x80, s12, s24, $0xb8;
	[tilespmem:$0x1DD00] =	vst v63  }
0x4a: {  	_ =	swait.ge [sflag:s0], $0x80  }
0x4b: {  	[sflag:s0] =	ssyncset.done $0x0  }
0x4c: {  	[sflag:s0] =	ssyncadd.s32 $0xFFFFFF80  }
0x4d: {  	_ =	swait.ge [sflag:s0], $0x2800  }
0x4e: {  	[sflag:s0] =	ssyncset.done $0x0  }
0x4f: {  	[sflag:s0] =	ssyncadd.s32 $0xFFFFD800  }
0x50: {  	[spmem:s3] =	stream.indirect.scatter.add.f32 [tilespmem:s31], [sflag:$0x4], $0x80, s29, s24, $0xb8;
	[tilespmem:$0x1DD00] =	vst v63  }
0x51: {  	s9 =	sadd.s32 $0x30, s17;
	_ =	swait.ge [sflag:s2], $0x2800  }
0x52: {  	s8 =	sadd.s32 $0x180, s19;
	s6 =	simm.s32 $0x3C0;
	[sflag:s2] =	ssyncset.done $0x0  }
0x53: {  	s11 =	sadd.s32 $0x30, s18;
	s12 =	simm.s32 $0x190;
	[sflag:s2] =	ssyncadd.s32 $0xFFFFD800  }
0x54: {  	[tilespmem:s29], [sflag:$0x3] =	stream.linear.gather [hbm4b:s17+s4], $0x80, $0x38;
	[tilespmem:$0x1DD00] =	vst v63  }
.LBB2_2:
0x55: {  	[tilespmem:s31], [sflag:$0x3] =	stream.indirect.gather [hbm4b:s1+s24], $0x80, s12, s24, $0xb8;
	[tilespmem:$0x1DD00] =	vst v63  }
0x56: {  	s12 =	smov.u32 s6  }
0x57: {  	p0 =	sne.s32 s6, $0x9240;
	s6 =	sadd.s32 $0x3C0, s6;
	_ =	swait.ge [sflag:s21], $0x80  }
0x58: {  	[sflag:s21] =	ssyncset.done $0x0  }
0x59: {  	[sflag:s21] =	ssyncadd.s32 $0xFFFFFF80  }
0x5a: {  	_ =	swait.ge [sflag:s21], $0x2800  }
0x5b: {  	[sflag:s21] =	ssyncset.done $0x0  }
0x5c: {  	[sflag:s21] =	ssyncadd.s32 $0xFFFFD800  }
0x5d: {  	[spmem:s3] =	stream.indirect.scatter.add.f32 [tilespmem:s25], [sflag:$0x4], $0x80, s23, s24, $0xb8;
	[tilespmem:$0x1DD00] =	vst v63  }
0x5e: {  	_ =	swait.ge [sflag:s2], $0x2800  }
0x5f: {  	s7 =	sshrl.u32 s8, $0x3;
	[sflag:s2] =	ssyncset.done $0x0  }
0x60: {  	s7 =	sadd.s32 s5, s7;
	s12 =	sshra.s32 s12, $0x2;
	[sflag:s2] =	ssyncadd.s32 $0xFFFFD800  }
0x61: {  	[tilespmem:s23], [sflag:$0x1] =	stream.linear.gather [hbm4b:s7+s4], $0x80, $0x38;
	[tilespmem:$0x1DD00] =	vst v63  }
0x62: {  	s7 =	sadd.s32 $0xF0, s12  }
0x63: {  	[tilespmem:s25], [sflag:$0x1] =	stream.indirect.gather [hbm4b:s1+s24], $0x80, s7, s24, $0xb8;
	[tilespmem:$0x1DD00] =	vst v63  }
0x64: {  	_ =	swait.ge [sflag:s22], $0x80  }
0x65: {  	[sflag:s22] =	ssyncset.done $0x0  }
0x66: {  	[sflag:s22] =	ssyncadd.s32 $0xFFFFFF80  }
0x67: {  	_ =	swait.ge [sflag:s22], $0x2800  }
0x68: {  	[sflag:s22] =	ssyncset.done $0x0  }
0x69: {  	[sflag:s22] =	ssyncadd.s32 $0xFFFFD800  }
0x6a: {  	[spmem:s3] =	stream.indirect.scatter.add.f32 [tilespmem:s28], [sflag:$0x4], $0x80, s26, s24, $0xb8;
	[tilespmem:$0x1DD00] =	vst v63  }
0x6b: {  	_ =	swait.ge [sflag:s2], $0x2800  }
0x6c: {  	[sflag:s2] =	ssyncset.done $0x0  }
0x6d: {  	[sflag:s2] =	ssyncadd.s32 $0xFFFFD800  }
0x6e: {  	[tilespmem:s26], [sflag:$0x2] =	stream.linear.gather [hbm4b:s11+s4], $0x80, $0x38;
	[tilespmem:$0x1DD00] =	vst v63  }
0x6f: {  	s7 =	sadd.s32 $0x140, s12  }
0x70: {  	[tilespmem:s28], [sflag:$0x2] =	stream.indirect.gather [hbm4b:s1+s24], $0x80, s7, s24, $0xb8;
	[tilespmem:$0x1DD00] =	vst v63  }
0x71: {  	_ =	swait.ge [sflag:s0], $0x80  }
0x72: {  	[sflag:s0] =	ssyncset.done $0x0  }
0x73: {  	[sflag:s0] =	ssyncadd.s32 $0xFFFFFF80  }
0x74: {  	_ =	swait.ge [sflag:s0], $0x2800  }
0x75: {  	[sflag:s0] =	ssyncset.done $0x0  }
0x76: {  	[sflag:s0] =	ssyncadd.s32 $0xFFFFD800  }
0x77: {  	[spmem:s3] =	stream.indirect.scatter.add.f32 [tilespmem:s31], [sflag:$0x4], $0x80, s29, s24, $0xb8;
	[tilespmem:$0x1DD00] =	vst v63  }
.Ltmp0:
0x78: {  	_ =	swait.ge [sflag:s2], $0x2800;
	(pc) =	sbr.rel @p0 .LBB2_2-.Ltmp0, $4  }
0x79: {  	[sflag:s2] =	ssyncset.done $0x0  }
0x7a: {  	s8 =	sadd.s32 $0x180, s8;
	[sflag:s2] =	ssyncadd.s32 $0xFFFFD800  }
0x7b: {  	[tilespmem:s29], [sflag:$0x3] =	stream.linear.gather [hbm4b:s9+s4], $0x80, $0x38;
	[tilespmem:$0x1DD00] =	vst v63  }
0x7c: {  	s12 =	sadd.s32 $0x190, s12;
	s11 =	sadd.s32 $0x30, s11;
	s9 =	sadd.s32 $0x30, s9  }
0x7d: {  	[tilespmem:s31], [sflag:$0x3] =	stream.indirect.gather [hbm4b:s1+s24], $0x80, s12, s24, $0xb8;
	[tilespmem:$0x1DD00] =	vst v63  }
0x7e: {  	_ =	swait.ge [sflag:s21], $0x80  }
0x7f: {  	[sflag:s21] =	ssyncset.done $0x0  }
0x80: {  	[sflag:s21] =	ssyncadd.s32 $0xFFFFFF80  }
0x81: {  	_ =	swait.ge [sflag:s21], $0x2800  }
0x82: {  	[sflag:s21] =	ssyncset.done $0x0  }
0x83: {  	[sflag:s21] =	ssyncadd.s32 $0xFFFFD800  }
0x84: {  	[spmem:s3] =	stream.indirect.scatter.add.f32 [tilespmem:s25], [sflag:$0x4], $0x80, s23, s24, $0xb8;
	[tilespmem:$0x1DD00] =	vst v63  }
0x85: {  	_ =	swait.ge [sflag:s2], $0x2800  }
0x86: {  	[sflag:s2] =	ssyncset.done $0x0  }
0x87: {  	[sflag:s2] =	ssyncadd.s32 $0xFFFFD800  }
0x88: {  	[tilespmem:s23], [sflag:$0x1] =	stream.linear.gather [hbm4b:s13+s4], $0x80, $0x38;
	[tilespmem:$0x1DD00] =	vst v63  }
0x89: {  	s6 =	simm.s32 $0x2670  }
0x8a: {  	[tilespmem:s25], [sflag:$0x1] =	stream.indirect.gather [hbm4b:s1+s24], $0x80, s6, s24, $0xb8;
	[tilespmem:$0x1DD00] =	vst v63  }
0x8b: {  	_ =	swait.ge [sflag:s22], $0x80  }
0x8c: {  	[sflag:s22] =	ssyncset.done $0x0  }
0x8d: {  	[sflag:s22] =	ssyncadd.s32 $0xFFFFFF80  }
0x8e: {  	_ =	swait.ge [sflag:s22], $0x2800  }
0x8f: {  	[sflag:s22] =	ssyncset.done $0x0  }
0x90: {  	[sflag:s22] =	ssyncadd.s32 $0xFFFFD800  }
0x91: {  	[spmem:s3] =	stream.indirect.scatter.add.f32 [tilespmem:s28], [sflag:$0x4], $0x80, s26, s24, $0xb8;
	[tilespmem:$0x1DD00] =	vst v63  }
0x92: {  	_ =	swait.ge [sflag:s2], $0x2800  }
0x93: {  	[sflag:s2] =	ssyncset.done $0x0  }
0x94: {  	[sflag:s2] =	ssyncadd.s32 $0xFFFFD800  }
0x95: {  	[tilespmem:s26], [sflag:$0x2] =	stream.linear.gather [hbm4b:s14+s4], $0x80, $0x38;
	[tilespmem:$0x1DD00] =	vst v63  }
0x96: {  	s11 =	simm.s32 $0x26C0  }
0x97: {  	[tilespmem:s28], [sflag:$0x2] =	stream.indirect.gather [hbm4b:s1+s24], $0x80, s11, s24, $0xb8;
	[tilespmem:$0x1DD00] =	vst v63  }
0x98: {  	_ =	swait.ge [sflag:s0], $0x80  }
0x99: {  	[sflag:s0] =	ssyncset.done $0x0  }
0x9a: {  	[sflag:s0] =	ssyncadd.s32 $0xFFFFFF80  }
0x9b: {  	_ =	swait.ge [sflag:s0], $0x2800  }
0x9c: {  	[sflag:s0] =	ssyncset.done $0x0  }
0x9d: {  	[sflag:s0] =	ssyncadd.s32 $0xFFFFD800  }
0x9e: {  	[spmem:s3] =	stream.indirect.scatter.add.f32 [tilespmem:s31], [sflag:$0x4], $0x80, s29, s24, $0xb8;
	[tilespmem:$0x1DD00] =	vst v63  }
0x9f: {  	_ =	swait.ge [sflag:s2], $0x2800  }
0xa0: {  	[sflag:s2] =	ssyncset.done $0x0  }
0xa1: {  	[sflag:s2] =	ssyncadd.s32 $0xFFFFD800  }
0xa2: {  	_ =	swait.ge [sflag:s21], $0x80  }
0xa3: {  	[sflag:s21] =	ssyncset.done $0x0  }
0xa4: {  	[sflag:s21] =	ssyncadd.s32 $0xFFFFFF80  }
0xa5: {  	_ =	swait.ge [sflag:s21], $0x2800  }
0xa6: {  	[sflag:s21] =	ssyncset.done $0x0  }
0xa7: {  	[sflag:s21] =	ssyncadd.s32 $0xFFFFD800  }
0xa8: {  	[spmem:s3] =	stream.indirect.scatter.add.f32 [tilespmem:s25], [sflag:$0x4], $0x80, s23, s24, $0xb8;
	[tilespmem:$0x1DD00] =	vst v63  }
0xa9: {  	_ =	swait.ge [sflag:s2], $0x2800  }
0xaa: {  	[sflag:s2] =	ssyncset.done $0x0  }
0xab: {  	[sflag:s2] =	ssyncadd.s32 $0xFFFFD800  }
0xac: {  	_ =	swait.ge [sflag:s22], $0x80  }
0xad: {  	[sflag:s22] =	ssyncset.done $0x0  }
0xae: {  	[sflag:s22] =	ssyncadd.s32 $0xFFFFFF80  }
0xaf: {  	_ =	swait.ge [sflag:s22], $0x2800  }
0xb0: {  	[sflag:s22] =	ssyncset.done $0x0  }
0xb1: {  	[sflag:s22] =	ssyncadd.s32 $0xFFFFD800  }
0xb2: {  	[spmem:s3] =	stream.indirect.scatter.add.f32 [tilespmem:s28], [sflag:$0x4], $0x80, s26, s24, $0xb8;
	[tilespmem:$0x1DD00] =	vst v63  }
0xb3: {  	_ =	swait.ge [sflag:s2], $0x2800  }
0xb4: {  	[sflag:s2] =	ssyncset.done $0x0  }
0xb5: {  	[sflag:s2] =	ssyncadd.s32 $0xFFFFD800  }
0xb6: {  	s30 =	sadd.s32 $0x1, s30;
	[bflag:$0x0] =	sbarrier.arrive $0xFFFF  }
0xb7: {  	p0 =	sne.s32 s30, s16;
	s12 =	rddreg [dreg:$0x5]  }
.Ltmp1:
0xb8: {  	s6 =	sor.u32 $0x1C04, s12;
	(pc) =	sbr.rel @p0 .LBB2_1-.Ltmp1, $4  }
0xb9: {  	[hbm:s15], [sflag:s6] =	dma.local [spmem:s20], $0x2780  }
0xba: {  	_ =	swait.ge [sflag:s2], $0x2780  }
0xbb: {  	[sflag:s2] =	ssyncset.done $0x0  }
0xbc: {  	[sflag:s2] =	ssyncadd.s32 $0xFFFFD880  }
0xbd: {  	_ =	sfence.sel $0x180000  }
0xbe: {  	[bflag:$0x0] =	sbarrier.arrive $0xFFFF  }
0xbf: {  	_ =	strace $0x9000004D  }
0xc0: {  	s0 =	stileid.u32;
	[bflag:$0x2] =	sbarrier.arrive $0xFFFF  }
0xc1: {  	p0 =	sne.s32 s0, $0x0;
	s0 =	rddreg [dreg:$0x3]  }
0xc2: {  	s0 =	sadd.s32 @!p0 $0x100000, s0  }
0xc3: {  	[sflag:s0] =	ssyncadd.tile.s32 @!p0 $0x1;
	_ =	shalt  }
.Lfunc_end2:
_tile_overlayer_lowered:
.L_overlay_start_2:
0xc4: {  	(tag) =	ssettag $0x2  }
0xc5: {  	s0 =	rddreg [dreg:$0x0];
	s2 =	stileid.u32  }
0xc6: {  	s1 =	rddreg [dreg:$0x1];
	p0 =	sne.s32 s2, $0x0  }
0xc7: {  	s3 =	rddreg [dreg:$0x2];
	[bflag:$0x3] =	sbarrier.arrive $0xFFFF;
	s2 =	simm.s32 @!p0 $0x1C04  }
0xc8: {  	[timem:s3], [sflag:s2] =	dma.local @!p0 [hbm:s0], s1  }
0xc9: {  	s0 =	simm.s32 @!p0 $0x4  }
0xca: {  	_ =	swait.ge @!p0 [sflag:s0], s1  }
0xcb: {  	s1 =	ssub.s32 @!p0 $0x0, s1;
	[sflag:s0] =	ssyncset.done @!p0 $0x0  }
0xcc: {  	[sflag:s0] =	ssyncadd.s32 @!p0 s1  }
0xcd: {  	[bflag:$0x3] =	sbarrier.arrive $0xFFFF  }
0xce: {  	_ =	shalt  }

// kernel: kernel.7.cloned.1.call-start
scs
__scs_entry_jumppad:
0x0: {  	(pc) =	sbr.rel $0x88, $3  }
0x1: {  	(tag) =	ssettag $0x0;
	lr =	simm.s32 $0x1  }
0x2: {  	[smem:$0x3F99] =	sst lr;
	_ =	strace $0xD0000000  }
0x3: {  	_ = 	snop  }
0x4: {  	_ = 	snop  }
0x5: {  	_ = 	snop  }
0x6: {  	_ = 	snop  }
0x7: {  	_ = 	snop  }
__scs_overlays_trampoline_lowered:
0x8: {  	[smem:$0x3FA8] =	sst s0  }
0x9: {  	[smem:$0x3FA9] =	sst s1  }
0xa: {  	[smem:$0x3FAA] =	sst s2  }
0xb: {  	[smem:$0x3FAB] =	sst s3  }
0xc: {  	[smem:$0x3FAC] =	sst s4  }
0xd: {  	[smem:$0x3FAD] =	sst s5  }
0xe: {  	[smem:$0x3FAE] =	sst s6  }
0xf: {  	[smem:$0x3FAF] =	sst s7  }
0x10: {  	[smem:$0x3FB0] =	sst s8  }
0x11: {  	[smem:$0x3FB1] =	sst s9;
	s0 =	simm.s32 @!p0 $0x0  }
0x12: {  	s1 =	sld [smem:$0x3F97];
	s0 =	simm.s32 @p0 $0x1  }
0x13: {  	[smem:$0x3FB2] =	sst s0;
	s0 =	simm.s32 @!p1 $0x0  }
0x14: {  	s2 =	sld [smem:$0x3F96];
	s0 =	simm.s32 @p1 $0x1  }
0x15: {  	[smem:$0x3FB3] =	sst s0;
	s0 =	simm.s32 @!p2 $0x0  }
0x16: {  	s3 =	sld [smem:$0x3FDB];
	s0 =	simm.s32 @p2 $0x1  }
0x17: {  	s4 =	simm.s32 $0x1BF5;
	[smem:$0x3FB5] =	sst s0  }
0x18: {  	s0 =	sld [smem:$0x3F98];
	_ =	swait.ge [sflag:s4], $0x0  }
0x19: {  	s7 =	sld [smem:$0x3F99]  }
0x1a: {  	s8 =	sadd.s32 $0xFFFFE003, lr  }
0x1b: {  	s9 =	sadd.s32 $0xFFFFFEF7, lr;
	s5 =	simm.s32 $0xFFFFFFFF;
	p2 =	slt.u32 s8, $0xFFFFF086  }
0x1c: {  	p1 =	slt.u32 s9, $0xF7A;
	s5 =	simm.s32 @!p2 $0x0  }
0x1d: {  	s5 =	simm.s32 @p1 $0x1;
	p0 =	seq.s32 s7, s2  }
0x1e: {  	s7 =	smul.u32 @!p0 $0xF7A, s2;
	p2 =	seq.s32 @!p0 s5, $0x0  }
0x1f: {  	s9 =	smul.u32 $0xF7A, s1;
	s8 =	simm.s32 @!p0 $0x1BF5;
	p2 =	por !p2, p0  }
0x20: {  	[sflag:s8] =	ssyncset.s32 @!p0 $0xFFFFF086;
	s6 =	sadd.s32 @!p0 s3, s7;
	s7 =	simm.s32 @!p0 $0x108  }
0x21: {  	s3 =	sadd.s32 s3, s9;
	s6 =	sadd.s32 @!p0 $0x88, s6;
	s7 =	simm.s32 @p2 $0x1082  }
0x22: {  	[simem:s7], [sflag:s8] =	dma.local @!p0 [hbm:s6], $0xF7A  }
0x23: {  	s9 =	sor.u32 $0xD0000000, s2;
	s6 =	simm.s32 $0x108;
	_ =	swait.ge @!p0 [sflag:s8], $0x0  }
0x24: {  	s3 =	sadd.s32 $0x88, s3;
	s6 =	simm.s32 @!p1 $0x1082;
	[sflag:s4] =	ssyncset.s32 $0xFFFFF086  }
0x25: {  	[simem:s6], [sflag:s4] =	dma.local [hbm:s3], $0xF7A  }
0x26: {  	[smem:$0x3F99] =	sst s1;
	(tag) =	ssettag s2;
	_ =	strace s9  }
0x27: {  	s1 =	sld [smem:$0x3FA9]  }
0x28: {  	s2 =	sld [smem:$0x3FAA]  }
0x29: {  	s4 =	sld [smem:$0x3FAC]  }
0x2a: {  	p0 =	seq.s32 s5, $0x0;
	s5 =	sld [smem:$0x3FAD]  }
0x2b: {  	s6 =	sld [smem:$0x3FAE]  }
0x2c: {  	s7 =	sld [smem:$0x3FAF]  }
0x2d: {  	s3 =	simm.s32 $0x108;
	s8 =	sld [smem:$0x3FB0]  }
0x2e: {  	s3 =	simm.s32 @!p0 $0x1082;
	s9 =	sld [smem:$0x3FB1]  }
0x2f: {  	lr =	sadd.s32 s0, s3;
	s0 =	sld [smem:$0x3FA8]  }
0x30: {  	s3 =	sld [smem:$0x3FAB]  }
0x31: {  	[smem:$0x3FB4] =	sst s10  }
0x32: {  	s10 =	sld [smem:$0x3FB2];
	_ =	sdelay $0x3  }
0x33: {  	p0 =	seq.s32 s10, $0x1;
	s10 =	sld [smem:$0x3FB4];
	_ =	sdelay $0x3  }
0x34: {  	[smem:$0x3FB4] =	sst s10  }
0x35: {  	s10 =	sld [smem:$0x3FB3];
	_ =	sdelay $0x3  }
0x36: {  	p1 =	seq.s32 s10, $0x1;
	s10 =	sld [smem:$0x3FB4];
	_ =	sdelay $0x3  }
0x37: {  	[smem:$0x3FB4] =	sst s10  }
0x38: {  	s10 =	sld [smem:$0x3FB5]  }
0x39: {  	_ = 	snop;
	(pc) =	sbr.ind lr, $3  }
0x3a: {  	_ = 	snop  }
0x3b: {  	_ = 	snop  }
0x3c: {  	p2 =	seq.s32 s10, $0x1;
	s10 =	sld [smem:$0x3FB4]  }
0x3d: {  	_ =	shalt  }
0x3e: {  	_ =	shalt  }
0x3f: {  	_ =	shalt  }
0x40: {  	_ =	shalt  }
0x41: {  	_ =	shalt  }
0x42: {  	_ =	shalt  }
0x43: {  	_ =	shalt  }
0x44: {  	_ =	shalt  }
0x45: {  	_ =	shalt  }
0x46: {  	_ =	shalt  }
0x47: {  	_ =	shalt  }
0x48: {  	_ =	shalt  }
0x49: {  	_ =	shalt  }
0x4a: {  	_ =	shalt  }
0x4b: {  	_ =	shalt  }
0x4c: {  	_ =	shalt  }
0x4d: {  	_ =	shalt  }
0x4e: {  	_ =	shalt  }
0x4f: {  	_ =	shalt  }
0x50: {  	_ =	shalt  }
0x51: {  	_ =	shalt  }
0x52: {  	_ =	shalt  }
0x53: {  	_ =	shalt  }
0x54: {  	_ =	shalt  }
0x55: {  	_ =	shalt  }
0x56: {  	_ =	shalt  }
0x57: {  	_ =	shalt  }
0x58: {  	_ =	shalt  }
0x59: {  	_ =	shalt  }
0x5a: {  	_ =	shalt  }
0x5b: {  	_ =	shalt  }
0x5c: {  	_ =	shalt  }
0x5d: {  	_ =	shalt  }
0x5e: {  	_ =	shalt  }
0x5f: {  	_ =	shalt  }
0x60: {  	_ =	shalt  }
0x61: {  	_ =	shalt  }
0x62: {  	_ =	shalt  }
0x63: {  	_ =	shalt  }
0x64: {  	_ =	shalt  }
0x65: {  	_ =	shalt  }
0x66: {  	_ =	shalt  }
0x67: {  	_ =	shalt  }
0x68: {  	_ =	shalt  }
0x69: {  	_ =	shalt  }
0x6a: {  	_ =	shalt  }
0x6b: {  	_ =	shalt  }
0x6c: {  	_ =	shalt  }
0x6d: {  	_ =	shalt  }
0x6e: {  	_ =	shalt  }
0x6f: {  	_ =	shalt  }
0x70: {  	_ =	shalt  }
0x71: {  	_ =	shalt  }
0x72: {  	_ =	shalt  }
0x73: {  	_ =	shalt  }
0x74: {  	_ =	shalt  }
0x75: {  	_ =	shalt  }
0x76: {  	_ =	shalt  }
0x77: {  	_ =	shalt  }
0x78: {  	_ =	shalt  }
0x79: {  	_ =	shalt  }
0x7a: {  	_ =	shalt  }
0x7b: {  	_ =	shalt  }
0x7c: {  	_ =	shalt  }
0x7d: {  	_ =	shalt  }
0x7e: {  	_ =	shalt  }
0x7f: {  	_ =	shalt  }
0x80: {  	_ =	shalt  }
0x81: {  	_ =	shalt  }
0x82: {  	_ =	shalt  }
0x83: {  	_ =	shalt  }
0x84: {  	_ =	shalt  }
0x85: {  	_ =	shalt  }
0x86: {  	_ =	shalt  }
0x87: {  	_ =	shalt  }
.Lfunc_end0:
.L_simem_size_0:
called_computation_lowered:
.L_overlay_start_0:
0x88: {  	s2 =	sld [smem:$0x3FD9]  }
0x89: {  	s3 =	sld [smem:$0x3FFE];
	_ =	sdelay $0x1  }
0x8a: {  	s1 =	srdreg.scid  }
0x8b: {  	s0 =	sand.u32 $0x1, s1  }
0x8c: {  	s17 =	sshll.u32 s0, $0xA;
	s2 =	sadd.s32 s3, s2  }
0x8d: {  	s2 =	sadd.s32 s2, s17  }
0x8e: {  	[smem:$0x3FC0] =	sst s2  }
0x8f: {  	_ = 	snop  }
0x90: {  	s2 =	sld [smem:$0x3FD0];
	(tm) =	ssettm $0x1  }
0x91: {  	s18 =	sld [smem:$0x3FFB];
	_ =	sdelay $0x3  }
0x92: {  	_ =	strace s18  }
0x93: {  	s3 =	sld [smem:$0x3FFC];
	_ =	sdelay $0x3  }
0x94: {  	_ =	strace s3  }
0x95: {  	s3 =	sld [smem:$0x3FFD];
	_ =	sdelay $0x3  }
0x96: {  	_ =	strace s3  }
0x97: {  	_ =	strace $0x8FFFFFFF  }
0x98: {  	s19 =	sld [smem:$0x3FDB];
	_ =	sdelay $0x1  }
0x99: {  	s4 =	simm.s32 $_scs_section_size  }
0x9a: {  	s5 =	simm.s32 $_size__tile_overlayer_lowered;
	s6 =	simm.s32 $_tile_overlayer_lowered  }
0x9b: {  	s22 =	simm.s32 $0x1BFF;
	s21 =	sshll.u32 s6, $0x1;
	s3 =	sadd.s32 s4, s19  }
0x9c: {  	s7 =	simm.s32 $0x0;
	s20 =	sshll.u32 s5, $0x1;
	s5 =	sadd.s32 s21, s3  }
0x9d: {  	[timem:s7], [sflag:s22] =	dma.local [hbm:s5], s20  }
0x9e: {  	_ =	swait.ge [sflag:s22], s20  }
0x9f: {  	s4 =	ssub.s32 $0x0, s20;
	[sflag:s22] =	ssyncset.done $0x0  }
0xa0: {  	[sflag:s22] =	ssyncadd.s32 s4;
	_ =	sdelay $0x1  }
0xa1: {  	s23 =	simm.s32 $0x1B8B  }
0xa2: {  	_ =	swait.ge [sflag:s23], $0x1  }
0xa3: {  	[sflag:s23] =	ssyncset.done $0x0  }
0xa4: {  	s25 =	simm.s32 $0x1B8E;
	s24 =	sld [smem:$0x3FFE];
	[sflag:s23] =	ssyncadd.s32 $0xFFFFFFFF  }
0xa5: {  	s26 =	simm.s32 $execute0_lowered;
	[smem:$0x3FD2] =	sst s25  }
0xa6: {  	s5 =	sshll.u32 s26, $0x1;
	_ =	strace $0x80000046;
	[dreg:$0x1] =	wrdreg $0xFFFFFFFF  }
0xa7: {  	s28 =	simm.s32 $_size_execute0_lowered;
	s3 =	sadd.s32 s3, s5;
	[dreg:$0x0] =	wrdreg $0x0  }
0xa8: {  	s5 =	sshll.u32 s28, $0x1;
	[dreg:$0x2] =	wrdreg s3  }
0xa9: {  	[dreg:$0x3] =	wrdreg s5  }
0xaa: {  	[dreg:$0x4] =	wrdreg $0xC0  }
0xab: {  	_ =	task [dreg:s7], $0x5FFFF  }
0xac: {  	[dreg:$0x1] =	wrdreg $0xFFFFFFFF  }
0xad: {  	[dreg:$0x0] =	wrdreg $0x60  }
0xae: {  	[dreg:$0x2] =	wrdreg s24  }
0xaf: {  	[dreg:$0x3] =	wrdreg s2  }
0xb0: {  	[dreg:$0x4] =	wrdreg $0x6900  }
0xb1: {  	[dreg:$0x5] =	wrdreg $0x9  }
0xb2: {  	_ =	task.clear_ibuf [dreg:s7], $0x6FFFF;
	_ =	strace $0x90000046  }
0xb3: {  	s29 =	simm.s32 $0x9;
	_ =	strace $0x80000048  }
0xb4: {  	_ =	swait.ge [sflag:s29], $0x1  }
0xb5: {  	[sflag:s29] =	ssyncadd.s32 $0xFFFFFFFF  }
0xb6: {  	_ =	strace $0x90000048  }
0xb7: {  	_ =	sfence  }
0xb8: {  	s30 =	sld [smem:$0x0];
	_ =	sdelay $0x2  }
0xb9: {  	s31 =	sshll.u32 s1, $0xD;
	s1 =	sshrl.u32 s1, $0x2  }
0xba: {  	s3 =	sand.u32 $0x4000, s31;
	s1 =	sadd.s32 s1, s30  }
0xbb: {  	s0 =	sor.u32 s3, s0;
	s1 =	sshll.u32 s1, $0x11  }
0xbc: {  	s0 =	sor.u32 s1, s0  }
0xbd: {  	s0 =	sadd.s32 $0x8F2B, s0  }
0xbe: {  	[sflag:s0] =	ssyncadd.remote.s32 $0x1  }
0xbf: {  	_ =	sfence.sel $0xFFFF  }
0xc0: {  	[dreg:$0x0] =	wrdreg $0xFFFFFFFF;
	(pc) =	sbr.abs _section_cstart, $3  }
0xc1: {  	[dreg:$0x1] =	wrdreg $0xFFFFFFFF  }
0xc2: {  	_ =	task.clear_ibuf [dreg:s7], $0x2FFFF;
	_ =	strace $0x9FFFFFFF  }
0xc3: {  	(tm) =	ssettm $0x7FFFFFFF  }
tec
execute0_lowered:
.L_overlay_start_1:
0x0: {  	(tag) =	ssettag $0x1  }
0x1: {  	s0 =	rddreg [dreg:$0x0]  }
0x2: {  	s1 =	rddreg [dreg:$0x1]  }
0x3: {  	s2 =	rddreg [dreg:$0x2];
	s3 =	simm.s32 $0x0  }
0x4: {  	s11 =	stileid.u32;
	s6 =	srdreg.scid;
	s28 =	simm.s32 $0x1  }
0x5: {  	s29 =	simm.s32 $0x50;
	s30 =	simm.s32 $0x2;
	s31 =	simm.s32 $0x3  }
0x6: {  	[smem:$0x7FF] =	sst s3;
	s5 =	smul.u32 $0x2780, s11;
	s4 =	sadd.s32 $0x2200, s0  }
0x7: {  	s6 =	sand.u32 $0x1, s6;
	s20 =	sshll.u32 s11, $0x6;
	_ =	strace $0x80000047  }
0x8: {  	s8 =	ssub.s32 $0x2, s6;
	s9 =	sshll.u32 s6, $0x4;
	s19 =	smul.u32 $0x27100, s6  }
0x9: {  	s6 =	smul.u32 $0x27800, s6;
	s7 =	sshrl.u32 s5, $0x3;
	s10 =	sshrl.u32 s8, $0x1  }
0xa: {  	s9 =	sor.u32 s11, s9;
	s11 =	smul.u32 $0x2710, s11;
	s7 =	sadd.s32 s7, s0  }
0xb: {  	s0 =	sadd.s32 $0xC000, s0;
	s17 =	ssub.s32 s8, s10;
	s18 =	smul.u32 $0x2710, s9  }
0xc: {  	s9 =	sadd.s32 s5, s2;
	s5 =	sadd.s32 s5, s6;
	[dreg:$0x4] =	wrdreg s0  }
0xd: {  	s7 =	sadd.s32 $0xC200, s7;
	s10 =	sadd.s32 s11, s19;
	s5 =	sshrl.u32 s5, $0x3  }
0xe: {  	s14 =	smax.u32 s17, $0x1;
	[dreg:$0x5] =	wrdreg s7;
	s8 =	sshrl.u32 s18, $0x3  }
0xf: {  	s7 =	sor.u32 $0x1C06, s20;
	s23 =	sadd.s32 $0x2D0, s10;
	s13 =	sadd.s32 s1, s5  }
0x10: {  	s24 =	sadd.s32 $0x280, s10;
	s25 =	sadd.s32 $0x230, s10;
	s26 =	sadd.s32 $0x1E0, s10  }
0x11: {  	s19 =	sadd.s32 $0x190, s10;
	s20 =	sshrl.u32 s9, $0x3;
	s8 =	sadd.s32 s4, s8  }
0x12: {  	s6 =	sshrl.u32 s23, $0x3;
	s0 =	sshrl.u32 s24, $0x3;
	s1 =	sshrl.u32 s25, $0x3  }
0x13: {  	s5 =	sshrl.u32 s26, $0x3;
	s23 =	simm.s32 $0x550;
	s24 =	simm.s32 $0x5A0  }
0x14: {  	s25 =	simm.s32 $0x5F0;
	s26 =	simm.s32 $0x640;
	s12 =	sadd.s32 $0xA, s8  }
0x15: {  	s21 =	sadd.s32 $0x14, s8;
	s22 =	sadd.s32 $0x1E, s8;
	s15 =	sadd.s32 s6, s4  }
0x16: {  	s16 =	sadd.s32 s0, s4;
	s17 =	sadd.s32 s1, s4;
	[dreg:$0x6] =	wrdreg s12  }
0x17: {  	s18 =	sadd.s32 s5, s4;
	s0 =	simm.s32 $0x4;
	[dreg:$0x7] =	wrdreg s21  }
0x18: {  	s1 =	simm.s32 $0x5;
	s5 =	simm.s32 $0x0;
	[dreg:$0x8] =	wrdreg s22  }
0x19: {  	s12 =	sadd.s32 $0x28, s8;
	s21 =	simm.s32 $0x6;
	s22 =	simm.s32 $0x500  }
.LBB2_1:
0x1a: {  	s6 =	rddreg [dreg:$0x5]  }
0x1b: {  	[spmem:s20], [sflag:s7] =	dma.local [hbm:s6], $0x4F0  }
0x1c: {  	_ =	swait.ge [sflag:s21], $0x4F0  }
0x1d: {  	[sflag:s21] =	ssyncset.done $0x0  }
0x1e: {  	s10 =	rddreg [dreg:$0x4];
	[sflag:s21] =	ssyncadd.s32 $0xFFFFFB10  }
0x1f: {  	[tilespmem:s3], [sflag:$0x6] =	stream.linear.gather [hbm4b:s10+s3], $0x500, $0x38;
	[tilespmem:$0x2E10] =	vst v63  }
0x20: {  	_ =	swait.ge [sflag:s21], $0x500  }
0x21: {  	[sflag:s21] =	ssyncset.done $0x0  }
0x22: {  	[sflag:s21] =	ssyncadd.s32 $0xFFFFFB00  }
0x23: {  	[bflag:$0x0] =	sbarrier.arrive $0xFFFF  }
0x24: {  	[tilespmem:s22], [sflag:$0x1] =	stream.linear.gather [hbm4b:s8+s3], $0x50, $0x38;
	[tilespmem:$0x2E10] =	vst v63  }
0x25: {  	s11 =	rddreg [dreg:$0x6]  }
0x26: {  	[tilespmem:s23], [sflag:$0x2] =	stream.linear.gather [hbm4b:s11+s3], $0x50, $0x38;
	[tilespmem:$0x2E10] =	vst v63  }
0x27: {  	s9 =	rddreg [dreg:$0x7]  }
0x28: {  	[tilespmem:s24], [sflag:$0x3] =	stream.linear.gather [hbm4b:s9+s3], $0x50, $0x38;
	[tilespmem:$0x2E10] =	vst v63  }
0x29: {  	s10 =	rddreg [dreg:$0x8]  }
0x2a: {  	[tilespmem:s25], [sflag:$0x4] =	stream.linear.gather [hbm4b:s10+s3], $0x50, $0x38;
	[tilespmem:$0x2E10] =	vst v63  }
0x2b: {  	_ = 	snop  }
0x2c: {  	[tilespmem:s26], [sflag:$0x5] =	stream.linear.gather [hbm4b:s12+s3], $0x50, $0x38;
	[tilespmem:$0x2E10] =	vst v63  }
0x2d: {  	_ =	swait.ge [sflag:s28], $0x50  }
0x2e: {  	[sflag:s28] =	ssyncset.done $0x0  }
0x2f: {  	[sflag:s28] =	ssyncadd.s32 $0xFFFFFFB0  }
0x30: {  	[spmem:s2] =	stream.indirect.scatter.add.f32 [tilespmem:s3], [sflag:$0x6], $0x10, s22, s29, $0xb8;
	[tilespmem:$0x2E10] =	vst v63  }
0x31: {  	_ =	swait.ge [sflag:s21], $0x500  }
0x32: {  	s11 =	sshrl.u32 s19, $0x3;
	[sflag:s21] =	ssyncset.done $0x0  }
0x33: {  	s6 =	sadd.s32 s4, s11;
	[sflag:s21] =	ssyncadd.s32 $0xFFFFFB00  }
0x34: {  	[tilespmem:s22], [sflag:$0x1] =	stream.linear.gather [hbm4b:s6+s3], $0x50, $0x38;
	[tilespmem:$0x2E10] =	vst v63  }
0x35: {  	_ =	swait.ge [sflag:s30], $0x50  }
0x36: {  	[sflag:s30] =	ssyncset.done $0x0  }
0x37: {  	[sflag:s30] =	ssyncadd.s32 $0xFFFFFFB0  }
0x38: {  	[spmem:s2] =	stream.indirect.scatter.add.f32 [tilespmem:s3], [sflag:$0x6], $0x10, s23, s29, $0xb8;
	[tilespmem:$0x2E10] =	vst v63  }
0x39: {  	_ =	swait.ge [sflag:s21], $0x500  }
0x3a: {  	[sflag:s21] =	ssyncset.done $0x0  }
0x3b: {  	s9 =	sadd.s32 $0x0, s18;
	[sflag:s21] =	ssyncadd.s32 $0xFFFFFB00  }
0x3c: {  	[tilespmem:s23], [sflag:$0x2] =	stream.linear.gather [hbm4b:s9+s3], $0x50, $0x38;
	[tilespmem:$0x2E10] =	vst v63  }
0x3d: {  	_ =	swait.ge [sflag:s31], $0x50  }
0x3e: {  	[sflag:s31] =	ssyncset.done $0x0  }
0x3f: {  	[sflag:s31] =	ssyncadd.s32 $0xFFFFFFB0  }
0x40: {  	[spmem:s2] =	stream.indirect.scatter.add.f32 [tilespmem:s3], [sflag:$0x6], $0x10, s24, s29, $0xb8;
	[tilespmem:$0x2E10] =	vst v63  }
0x41: {  	_ =	swait.ge [sflag:s21], $0x500  }
0x42: {  	[sflag:s21] =	ssyncset.done $0x0  }
0x43: {  	s10 =	sadd.s32 $0x0, s17;
	[sflag:s21] =	ssyncadd.s32 $0xFFFFFB00  }
0x44: {  	[tilespmem:s24], [sflag:$0x3] =	stream.linear.gather [hbm4b:s10+s3], $0x50, $0x38;
	[tilespmem:$0x2E10] =	vst v63  }
0x45: {  	_ =	swait.ge [sflag:s0], $0x50  }
0x46: {  	[sflag:s0] =	ssyncset.done $0x0  }
0x47: {  	[sflag:s0] =	ssyncadd.s32 $0xFFFFFFB0  }
0x48: {  	[spmem:s2] =	stream.indirect.scatter.add.f32 [tilespmem:s3], [sflag:$0x6], $0x10, s25, s29, $0xb8;
	[tilespmem:$0x2E10] =	vst v63  }
0x49: {  	_ =	swait.ge [sflag:s21], $0x500  }
0x4a: {  	[sflag:s21] =	ssyncset.done $0x0  }
0x4b: {  	s11 =	sadd.s32 $0x0, s16;
	[sflag:s21] =	ssyncadd.s32 $0xFFFFFB00  }
0x4c: {  	[tilespmem:s25], [sflag:$0x4] =	stream.linear.gather [hbm4b:s11+s3], $0x50, $0x38;
	[tilespmem:$0x2E10] =	vst v63  }
0x4d: {  	_ =	swait.ge [sflag:s1], $0x50  }
0x4e: {  	[sflag:s1] =	ssyncset.done $0x0  }
0x4f: {  	[sflag:s1] =	ssyncadd.s32 $0xFFFFFFB0  }
0x50: {  	[spmem:s2] =	stream.indirect.scatter.add.f32 [tilespmem:s3], [sflag:$0x6], $0x10, s26, s29, $0xb8;
	[tilespmem:$0x2E10] =	vst v63  }
0x51: {  	_ =	swait.ge [sflag:s21], $0x500  }
0x52: {  	s6 =	simm.s32 $0x32;
	[sflag:s21] =	ssyncset.done $0x0  }
0x53: {  	s9 =	sadd.s32 $0x190, s19;
	s10 =	sadd.s32 $0x0, s15;
	[sflag:s21] =	ssyncadd.s32 $0xFFFFFB00  }
.LBB2_2:
0x54: {  	[tilespmem:s26], [sflag:$0x5] =	stream.linear.gather [hbm4b:s10+s3], $0x50, $0x38;
	[tilespmem:$0x2E10] =	vst v63  }
0x55: {  	s10 =	smov.u32 s6  }
0x56: {  	p0 =	sne.s32 s6, $0x47E;
	s6 =	sadd.s32 $0x32, s6;
	_ =	swait.ge [sflag:s28], $0x50  }
0x57: {  	[sflag:s28] =	ssyncset.done $0x0  }
0x58: {  	[sflag:s28] =	ssyncadd.s32 $0xFFFFFFB0  }
0x59: {  	[spmem:s2] =	stream.indirect.scatter.add.f32 [tilespmem:s3], [sflag:$0x6], $0x10, s22, s29, $0xb8;
	[tilespmem:$0x2E10] =	vst v63  }
0x5a: {  	_ =	swait.ge [sflag:s21], $0x500  }
0x5b: {  	s11 =	sshrl.u32 s9, $0x3;
	[sflag:s21] =	ssyncset.done $0x0  }
0x5c: {  	s11 =	sadd.s32 s4, s11;
	[sflag:s21] =	ssyncadd.s32 $0xFFFFFB00  }
0x5d: {  	[tilespmem:s22], [sflag:$0x1] =	stream.linear.gather [hbm4b:s11+s3], $0x50, $0x38;
	[tilespmem:$0x2E10] =	vst v63  }
0x5e: {  	_ =	swait.ge [sflag:s30], $0x50  }
0x5f: {  	[sflag:s30] =	ssyncset.done $0x0  }
0x60: {  	[sflag:s30] =	ssyncadd.s32 $0xFFFFFFB0  }
0x61: {  	[spmem:s2] =	stream.indirect.scatter.add.f32 [tilespmem:s3], [sflag:$0x6], $0x10, s23, s29, $0xb8;
	[tilespmem:$0x2E10] =	vst v63  }
0x62: {  	_ =	swait.ge [sflag:s21], $0x500  }
0x63: {  	[sflag:s21] =	ssyncset.done $0x0  }
0x64: {  	s11 =	sadd.s32 s10, s18;
	[sflag:s21] =	ssyncadd.s32 $0xFFFFFB00  }
0x65: {  	[tilespmem:s23], [sflag:$0x2] =	stream.linear.gather [hbm4b:s11+s3], $0x50, $0x38;
	[tilespmem:$0x2E10] =	vst v63  }
0x66: {  	_ =	swait.ge [sflag:s31], $0x50  }
0x67: {  	[sflag:s31] =	ssyncset.done $0x0  }
0x68: {  	[sflag:s31] =	ssyncadd.s32 $0xFFFFFFB0  }
0x69: {  	[spmem:s2] =	stream.indirect.scatter.add.f32 [tilespmem:s3], [sflag:$0x6], $0x10, s24, s29, $0xb8;
	[tilespmem:$0x2E10] =	vst v63  }
0x6a: {  	_ =	swait.ge [sflag:s21], $0x500  }
0x6b: {  	[sflag:s21] =	ssyncset.done $0x0  }
0x6c: {  	s11 =	sadd.s32 s10, s17;
	[sflag:s21] =	ssyncadd.s32 $0xFFFFFB00  }
0x6d: {  	[tilespmem:s24], [sflag:$0x3] =	stream.linear.gather [hbm4b:s11+s3], $0x50, $0x38;
	[tilespmem:$0x2E10] =	vst v63  }
0x6e: {  	_ =	swait.ge [sflag:s0], $0x50  }
0x6f: {  	[sflag:s0] =	ssyncset.done $0x0  }
0x70: {  	[sflag:s0] =	ssyncadd.s32 $0xFFFFFFB0  }
0x71: {  	[spmem:s2] =	stream.indirect.scatter.add.f32 [tilespmem:s3], [sflag:$0x6], $0x10, s25, s29, $0xb8;
	[tilespmem:$0x2E10] =	vst v63  }
0x72: {  	_ =	swait.ge [sflag:s21], $0x500  }
0x73: {  	[sflag:s21] =	ssyncset.done $0x0  }
0x74: {  	s11 =	sadd.s32 s10, s16;
	[sflag:s21] =	ssyncadd.s32 $0xFFFFFB00  }
0x75: {  	[tilespmem:s25], [sflag:$0x4] =	stream.linear.gather [hbm4b:s11+s3], $0x50, $0x38;
	[tilespmem:$0x2E10] =	vst v63  }
0x76: {  	_ =	swait.ge [sflag:s1], $0x50  }
0x77: {  	[sflag:s1] =	ssyncset.done $0x0  }
.Ltmp0:
0x78: {  	[sflag:s1] =	ssyncadd.s32 $0xFFFFFFB0;
	(pc) =	sbr.rel @p0 .LBB2_2-.Ltmp0, $4  }
0x79: {  	[spmem:s2] =	stream.indirect.scatter.add.f32 [tilespmem:s3], [sflag:$0x6], $0x10, s26, s29, $0xb8;
	[tilespmem:$0x2E10] =	vst v63  }
0x7a: {  	_ =	swait.ge [sflag:s21], $0x500  }
0x7b: {  	[sflag:s21] =	ssyncset.done $0x0  }
0x7c: {  	s9 =	sadd.s32 $0x190, s9;
	s10 =	sadd.s32 s10, s15;
	[sflag:s21] =	ssyncadd.s32 $0xFFFFFB00  }
0x7d: {  	[tilespmem:s26], [sflag:$0x5] =	stream.linear.gather [hbm4b:s10+s3], $0x50, $0x38;
	[tilespmem:$0x2E10] =	vst v63  }
0x7e: {  	_ =	swait.ge [sflag:s28], $0x50  }
0x7f: {  	[sflag:s28] =	ssyncset.done $0x0  }
0x80: {  	[sflag:s28] =	ssyncadd.s32 $0xFFFFFFB0  }
0x81: {  	[spmem:s2] =	stream.indirect.scatter.add.f32 [tilespmem:s3], [sflag:$0x6], $0x10, s22, s29, $0xb8;
	[tilespmem:$0x2E10] =	vst v63  }
0x82: {  	_ =	swait.ge [sflag:s21], $0x500  }
0x83: {  	[sflag:s21] =	ssyncset.done $0x0  }
0x84: {  	[sflag:s21] =	ssyncadd.s32 $0xFFFFFB00  }
0x85: {  	_ =	swait.ge [sflag:s30], $0x50  }
0x86: {  	[sflag:s30] =	ssyncset.done $0x0  }
0x87: {  	[sflag:s30] =	ssyncadd.s32 $0xFFFFFFB0  }
0x88: {  	[spmem:s2] =	stream.indirect.scatter.add.f32 [tilespmem:s3], [sflag:$0x6], $0x10, s23, s29, $0xb8;
	[tilespmem:$0x2E10] =	vst v63  }
0x89: {  	_ =	swait.ge [sflag:s21], $0x500  }
0x8a: {  	[sflag:s21] =	ssyncset.done $0x0  }
0x8b: {  	[sflag:s21] =	ssyncadd.s32 $0xFFFFFB00  }
0x8c: {  	_ =	swait.ge [sflag:s31], $0x50  }
0x8d: {  	[sflag:s31] =	ssyncset.done $0x0  }
0x8e: {  	[sflag:s31] =	ssyncadd.s32 $0xFFFFFFB0  }
0x8f: {  	[spmem:s2] =	stream.indirect.scatter.add.f32 [tilespmem:s3], [sflag:$0x6], $0x10, s24, s29, $0xb8;
	[tilespmem:$0x2E10] =	vst v63  }
0x90: {  	_ =	swait.ge [sflag:s21], $0x500  }
0x91: {  	[sflag:s21] =	ssyncset.done $0x0  }
0x92: {  	[sflag:s21] =	ssyncadd.s32 $0xFFFFFB00  }
0x93: {  	_ =	swait.ge [sflag:s0], $0x50  }
0x94: {  	[sflag:s0] =	ssyncset.done $0x0  }
0x95: {  	[sflag:s0] =	ssyncadd.s32 $0xFFFFFFB0  }
0x96: {  	[spmem:s2] =	stream.indirect.scatter.add.f32 [tilespmem:s3], [sflag:$0x6], $0x10, s25, s29, $0xb8;
	[tilespmem:$0x2E10] =	vst v63  }
0x97: {  	_ =	swait.ge [sflag:s21], $0x500  }
0x98: {  	[sflag:s21] =	ssyncset.done $0x0  }
0x99: {  	[sflag:s21] =	ssyncadd.s32 $0xFFFFFB00  }
0x9a: {  	_ =	swait.ge [sflag:s1], $0x50  }
0x9b: {  	[sflag:s1] =	ssyncset.done $0x0  }
0x9c: {  	[sflag:s1] =	ssyncadd.s32 $0xFFFFFFB0  }
0x9d: {  	[spmem:s2] =	stream.indirect.scatter.add.f32 [tilespmem:s3], [sflag:$0x6], $0x10, s26, s29, $0xb8;
	[tilespmem:$0x2E10] =	vst v63  }
0x9e: {  	_ =	swait.ge [sflag:s21], $0x500  }
0x9f: {  	s5 =	sadd.s32 $0x1, s5;
	[sflag:s21] =	ssyncset.done $0x0  }
0xa0: {  	p0 =	sne.s32 s5, s14;
	[sflag:s21] =	ssyncadd.s32 $0xFFFFFB00  }
.Ltmp1:
0xa1: {  	[bflag:$0x0] =	sbarrier.arrive $0xFFFF;
	(pc) =	sbr.rel @p0 .LBB2_1-.Ltmp1, $4  }
0xa2: {  	[hbm:s13], [sflag:s7] =	dma.local [spmem:s20], $0x4F0  }
0xa3: {  	_ =	swait.ge [sflag:s21], $0x4F0  }
0xa4: {  	[sflag:s21] =	ssyncset.done $0x0  }
0xa5: {  	[sflag:s21] =	ssyncadd.s32 $0xFFFFFB10  }
0xa6: {  	_ =	sfence.sel $0x180000  }
0xa7: {  	[bflag:$0x0] =	sbarrier.arrive $0xFFFF  }
0xa8: {  	_ =	strace $0x90000047  }
0xa9: {  	s0 =	stileid.u32;
	[bflag:$0x2] =	sbarrier.arrive $0xFFFF  }
0xaa: {  	p0 =	sne.s32 s0, $0x0;
	s0 =	rddreg [dreg:$0x3]  }
0xab: {  	s0 =	sadd.s32 @!p0 $0x100000, s0  }
0xac: {  	[sflag:s0] =	ssyncadd.tile.s32 @!p0 $0x1;
	_ =	shalt  }
.Lfunc_end2:
_tile_overlayer_lowered:
.L_overlay_start_2:
0xad: {  	(tag) =	ssettag $0x2  }
0xae: {  	s0 =	rddreg [dreg:$0x0];
	s2 =	stileid.u32  }
0xaf: {  	s1 =	rddreg [dreg:$0x1];
	p0 =	sne.s32 s2, $0x0  }
0xb0: {  	s3 =	rddreg [dreg:$0x2];
	[bflag:$0x3] =	sbarrier.arrive $0xFFFF;
	s2 =	simm.s32 @!p0 $0x1C06  }
0xb1: {  	[timem:s3], [sflag:s2] =	dma.local @!p0 [hbm:s0], s1  }
0xb2: {  	s0 =	simm.s32 @!p0 $0x6  }
0xb3: {  	_ =	swait.ge @!p0 [sflag:s0], s1  }
0xb4: {  	s1 =	ssub.s32 @!p0 $0x0, s1;
	[sflag:s0] =	ssyncset.done @!p0 $0x0  }
0xb5: {  	[sflag:s0] =	ssyncadd.s32 @!p0 s1  }
0xb6: {  	[bflag:$0x3] =	sbarrier.arrive $0xFFFF  }
0xb7: {  	_ =	shalt  }

</sc_bundles>
